<compile_context>
chip_gen: v7x
topology: tpu7x:2x2x1
jax: 0.10.2.dev20260603
libtpu: 0.0.44.dev20260713+nightly
codegen_flags: <defaults>
</compile_context>

<pallas_src>
import functools

import jax
import jax.numpy as jnp
from jax import lax
from jax.experimental import pallas as pl
from jax.experimental.pallas import tpu as pltpu
from jax.experimental.pallas import tpu_sc as plsc

Q = 640
D = 64
N = 100000
NPAD = 100352
CB = 3584
GSTEPS = NPAD // CB
NBPC = CB // 128
NBLK = NPAD // 128
TOPK = 100
NES = 10
NW = 32


def _matmul_block(q_ref, a_ref):
    return jnp.dot(q_ref[...], a_ref[...].T, preferred_element_type=jnp.float32)


def _k0a_rowmax(q_ref, a_ref, out_ref, acc_ref):
    i = pl.program_id(0)

    @pl.when(i == 0)
    def _():
        acc_ref[...] = jnp.full((Q, 128), -jnp.inf, jnp.float32)

    s = _matmul_block(q_ref, a_ref)
    gcol = i * CB + lax.broadcasted_iota(jnp.int32, s.shape, 1)
    s = jnp.where(gcol < N, s, -jnp.inf)
    acc_ref[...] = jnp.maximum(acc_ref[...], jnp.max(s, axis=1, keepdims=True))

    @pl.when(i == GSTEPS - 1)
    def _():
        out_ref[...] = acc_ref[:, :1]


def _k0b_denom(q_ref, a_ref, rm_ref, s_out_ref, acc_ref):
    i = pl.program_id(0)

    @pl.when(i == 0)
    def _():
        acc_ref[...] = jnp.zeros((Q, 256), jnp.float32)

    s = _matmul_block(q_ref, a_ref)
    gcol = i * CB + lax.broadcasted_iota(jnp.int32, s.shape, 1)
    e = jnp.where(gcol < N, jnp.exp(s - rm_ref[...]), 0.0)
    a0 = acc_ref[:, :128]
    a1 = acc_ref[:, 128:]
    for c in range(NBPC):
        ec = e[:, c * 128:(c + 1) * 128]
        if c % 2 == 0:
            a0 = a0 + ec
        else:
            a1 = a1 + ec
    acc_ref[:, :128] = a0
    acc_ref[:, 128:] = a1

    @pl.when(i == GSTEPS - 1)
    def _():
        a2 = acc_ref[:, :128] + acc_ref[:, 128:]
        for k in (1, 2, 4, 8, 16, 32, 64):
            a2 = a2 + pltpu.roll(a2, 128 - k, 1)
        s_out_ref[...] = a2[:, :1]


def _k1b_softmax_bmax(q_ref, a_ref, rm_ref, den_ref, sm_ref, bm_ref):
    i = pl.program_id(0)
    s = _matmul_block(q_ref, a_ref)
    gcol = i * CB + lax.broadcasted_iota(jnp.int32, s.shape, 1)
    e = jnp.where(gcol < N, jnp.exp(s - rm_ref[...]), 0.0)
    smv = e / den_ref[...]
    sm_ref[...] = smv
    lane = lax.broadcasted_iota(jnp.int32, (Q, 128), 1)
    bm = jnp.full((Q, 128), -jnp.inf, jnp.float32)
    for c in range(NBPC):
        mc = jnp.max(smv[:, c * 128:(c + 1) * 128], axis=1, keepdims=True)
        bm = jnp.where(lane == c, mc, bm)
    bm_ref[...] = bm


def _k2_blocksel(bm_ref, selb_ref, v_ref):
    v_ref[...] = bm_ref[...]
    selb_ref[...] = jnp.zeros((Q, 128), jnp.int32)
    ii = lax.broadcasted_iota(jnp.int32, (Q, NBLK), 1)
    oi = lax.broadcasted_iota(jnp.int32, (Q, 128), 1)
    bigi = jnp.int32(2 ** 30)

    def step(t, carry):
        v = v_ref[...]
        m = jnp.max(v, axis=1, keepdims=True)
        cnd = jnp.where(v == m, ii, bigi)
        widx = jnp.min(cnd, axis=1, keepdims=True)
        v_ref[...] = jnp.where(ii == widx, -jnp.inf, v)
        selb_ref[...] = jnp.where(oi == t, widx, selb_ref[...])
        return carry

    lax.fori_loop(0, TOPK, step, 0)


QC = 80
NQC = Q // QC
CW = TOPK * 128


def _k4_extract(rs_ref, orig_ref, cand_ref, out_ref, vv_ref, sel_ref):
    vv_ref[...] = cand_ref[...]
    sel_ref[...] = jnp.zeros((QC, 128), jnp.int32)
    lane = lax.broadcasted_iota(jnp.int32, (QC, 128), 1)
    bigi = jnp.int32(2 ** 30)
    og = orig_ref[...]

    def stepfn(t, carry):
        v = vv_ref[...]
        m = jnp.max(v, axis=1, keepdims=True)
        c = jnp.where(v == m, og, bigi)
        widx = jnp.min(c, axis=1, keepdims=True)
        vv_ref[...] = jnp.where(og == widx, -jnp.inf, v)
        sel_ref[...] = jnp.where(lane == t, widx, sel_ref[...])
        return carry

    lax.fori_loop(0, TOPK, stepfn, 0)

    self32 = sel_ref[...].astype(jnp.float32)
    li = lax.broadcasted_iota(jnp.int32, (128, 16), 0)
    ti = lax.broadcasted_iota(jnp.int32, (128, 16), 1)
    oh = jnp.zeros((128, 16), jnp.float32)
    for t in range(NES):
        c = rs_ref[t]
        oh = jnp.where((ti == t) & (li == c), 1.0, oh)
    res = lax.dot(self32, oh, precision=lax.Precision.HIGHEST,
                  preferred_element_type=jnp.float32)
    out_ref[...] = res.astype(jnp.int32)


def _sc_gather(table, idx, rows, row_w, chunk):
    nchunks = rows // (NW * chunk)
    mesh = plsc.VectorSubcoreMesh(core_axis_name="c", subcore_axis_name="s")

    @functools.partial(
        pl.kernel,
        mesh=mesh,
        out_type=jax.ShapeDtypeStruct((rows, row_w), jnp.float32),
        scratch_types=[
            pltpu.VMEM((chunk,), jnp.int32),
            pltpu.VMEM((chunk, row_w), jnp.float32),
            pltpu.SemaphoreType.DMA,
        ],
    )
    def k(table_hbm, idx_hbm, out_hbm, idx_v, rows_v, sem):
        wid = lax.axis_index("s") * 2 + lax.axis_index("c")
        for ch in range(nchunks):
            base = wid * (rows // NW) + ch * chunk
            pltpu.sync_copy(idx_hbm.at[pl.ds(base, chunk)], idx_v)
            pltpu.async_copy(table_hbm.at[idx_v], rows_v, sem).wait()
            pltpu.sync_copy(rows_v, out_hbm.at[pl.ds(base, chunk)])

    return k(table, idx)


def kernel(sample_items_embedd, all_items_embedd, random_slices):
    qm = sample_items_embedd.reshape(Q, D)
    ap = jnp.pad(all_items_embedd, ((0, NPAD - N), (0, 0)))

    q_spec = pl.BlockSpec((Q, D), lambda i: (0, 0))
    a_spec = pl.BlockSpec((CB, D), lambda i: (i, 0))
    col_spec = pl.BlockSpec((Q, 1), lambda i: (0, 0))

    rowmax = pl.pallas_call(
        _k0a_rowmax,
        grid=(GSTEPS,),
        in_specs=[q_spec, a_spec],
        out_specs=pl.BlockSpec((Q, 1), lambda i: (0, 0)),
        out_shape=jax.ShapeDtypeStruct((Q, 1), jnp.float32),
        scratch_shapes=[pltpu.VMEM((Q, 128), jnp.float32)],
    )(qm, ap)

    denom = pl.pallas_call(
        _k0b_denom,
        grid=(GSTEPS,),
        in_specs=[q_spec, a_spec, col_spec],
        out_specs=pl.BlockSpec((Q, 1), lambda i: (0, 0)),
        out_shape=jax.ShapeDtypeStruct((Q, 1), jnp.float32),
        scratch_shapes=[pltpu.VMEM((Q, 256), jnp.float32)],
    )(qm, ap, rowmax)

    sm, bmax = pl.pallas_call(
        _k1b_softmax_bmax,
        grid=(GSTEPS,),
        in_specs=[q_spec, a_spec, col_spec, col_spec],
        out_specs=[
            pl.BlockSpec((Q, CB), lambda i: (0, i)),
            pl.BlockSpec((Q, 128), lambda i: (0, i)),
        ],
        out_shape=[
            jax.ShapeDtypeStruct((Q, NPAD), jnp.float32),
            jax.ShapeDtypeStruct((Q, GSTEPS * 128), jnp.float32),
        ],
    )(qm, ap, rowmax, denom)
    bmax = bmax.reshape(Q, GSTEPS, 128)[:, :, :NBPC].reshape(Q, NBLK)

    selb = pl.pallas_call(
        _k2_blocksel,
        in_specs=[pl.BlockSpec((Q, NBLK), lambda: (0, 0))],
        out_specs=pl.BlockSpec((Q, 128), lambda: (0, 0)),
        out_shape=jax.ShapeDtypeStruct((Q, 128), jnp.int32),
        scratch_shapes=[pltpu.VMEM((Q, NBLK), jnp.float32)],
    )(bmax)

    selb100 = selb[:, :TOPK]
    qrow = jnp.arange(Q, dtype=jnp.int32)[:, None]
    selg = (selb100 + NBLK * qrow).reshape(-1)

    cand = _sc_gather(sm.reshape(Q * NBLK, 128), selg, Q * TOPK, 128, 80)
    cand2 = cand.reshape(Q, CW)
    orig = (selb100[:, :, None] * 128 +
            jnp.arange(128, dtype=jnp.int32)).reshape(Q, CW)

    out10 = pl.pallas_call(
        _k4_extract,
        grid=(NQC,),
        in_specs=[
            pl.BlockSpec(memory_space=pltpu.SMEM),
            pl.BlockSpec((QC, CW), lambda i: (i, 0)),
            pl.BlockSpec((QC, CW), lambda i: (i, 0)),
        ],
        out_specs=pl.BlockSpec((QC, 16), lambda i: (i, 0)),
        out_shape=jax.ShapeDtypeStruct((Q, 16), jnp.int32),
        scratch_shapes=[
            pltpu.VMEM((QC, CW), jnp.float32),
            pltpu.VMEM((QC, 128), jnp.int32),
        ],
    )(random_slices, orig, cand2)

    idx_flat = out10[:, :NES].reshape(Q * NES)
    table128 = jnp.pad(all_items_embedd, ((0, 0), (0, 128 - D)))
    neg = _sc_gather(table128, idx_flat, Q * NES, 128, 40)
    return neg[:, :D].reshape(32, 20, NES, D)

# --- scband reference (transcript-rebuilt; emitter-appended) ---
"""Pipeline reference for scband-model-cosmetics-28570122453214 (READ-ONLY COPY).

The authoritative reference and input builder live on the scoring server;
editing this copy changes nothing except your own understanding.
"""

import jax, jax.numpy as jnp
import numpy as np

NUM_COARSE_SAMPLING = 100
NUM_EXPANDED_SAMPLES = 10


def setup_inputs(seed: int = 0) -> dict:
    key = jax.random.key(seed)
    k1, k2, k3 = jax.random.split(key, 3)
    sample_items_embedd = jax.random.normal(k1, (32, 20, 1, 64), dtype=jnp.float32) * 0.1
    all_items_embedd = jax.random.normal(k2, (100000, 64), dtype=jnp.float32) * 0.1
    # torch.randint(low=num_expanded_samples, high=num_coarse_sampling, size=(num_expanded_samples,))
    random_slices = jax.random.randint(k3, (NUM_EXPANDED_SAMPLES,), NUM_EXPANDED_SAMPLES, NUM_COARSE_SAMPLING, dtype=jnp.int32)
    return {
        'sample_items_embedd': sample_items_embedd,
        'all_items_embedd': all_items_embedd,
        'random_slices': random_slices,
    }


def reference(sample_items_embedd, all_items_embedd, random_slices):
    # Faithful JAX port of Model_cosmetics.extract_topk_samples (the kNN retrieval core):
    #   sim_items = matmul(sample_items_embedd, all_items_embedd.T)
    #   sim_items = softmax(sim_items, -1)
    #   values, pos_items = sim_items.topk(num_coarse_sampling)
    #   neg = all_items_embedd[pos_items[:, :, :, random_slices]]
    b, l, s, d = sample_items_embedd.shape
    sim_items = jnp.einsum('blsd,nd->blsn', sample_items_embedd, all_items_embedd)
    sim_items = jax.nn.softmax(sim_items, axis=-1)
    values, pos_items = jax.lax.top_k(sim_items, NUM_COARSE_SAMPLING)
    sel = pos_items[:, :, :, random_slices]  # [b, l, s, num_expanded_samples]
    neg_items_embedd = jnp.take(all_items_embedd, sel, axis=0)  # [b, l, s, k, d]
    neg_items_embedd = neg_items_embedd.reshape(b, l, -1, d)
    return neg_items_embedd

if __name__ == "__main__":
    import jax
    _d = setup_inputs()
    print(jax.jit(kernel)(*tuple(_d.values())))

</pallas_src>

<mosaic_0001>
#map = affine_map<(d0, d1) -> (0, 0)>
#map1 = affine_map<(d0, d1) -> (0)>
module attributes {stable_mosaic.version = 14 : i64} {
  func.func @k(%arg0: i32, %arg1: i32, %arg2: memref<100000x128xf32, #tpu.memory_space<hbm>>, %arg3: memref<6400xi32, #tpu.memory_space<hbm>>, %arg4: memref<6400x128xf32, #tpu.memory_space<hbm>>, %arg5: memref<40xi32, #tpu.memory_space<vmem>>, %arg6: memref<40x128xf32, #tpu.memory_space<vmem>>, %arg7: memref<!tpu.dma_semaphore, #tpu.memory_space<semaphore_mem>>) attributes {dimension_semantics = [#tpu.dimension_semantics<core_parallel>, #tpu.dimension_semantics<subcore_parallel>], iteration_bounds = array<i64: 2, 16>, scalar_prefetch = 0 : i64, scratch_operands = 3 : i64, tpu.core_type = #tpu.core_type<sc_vector_subcore>, window_params = [{transform_indices = #map}, {transform_indices = #map1}, {transform_indices = #map}]} {
    %mul3A = arith.constant 2 : i32
    %mul3A_0 = arith.muli %arg1, %mul3A : i32
    %add3A = arith.addi %mul3A_0, %arg0 : i32
    %mul3A_1 = arith.constant 200 : i32
    %mul3A_2 = arith.muli %add3A, %mul3A_1 : i32
    %add3A_3 = arith.constant 0 : i32
    %add3A_4 = arith.addi %mul3A_2, %add3A_3 : i32
    "tpu.region"() ({
      %run_scoped3A = tpu.sem_alloc : memref<!tpu.dma_semaphore, #tpu.memory_space<semaphore_mem>>
      %dma_start3A_49 = tpu.memref_slice %arg3[%add3A_4] : memref<6400xi32, #tpu.memory_space<hbm>> -> memref<40xi32, #tpu.memory_space<hbm>>
      %dma_start3A_50 = tpu.memref_slice %arg3[%add3A_4] : memref<6400xi32, #tpu.memory_space<hbm>> -> memref<40xi32, #tpu.memory_space<hbm>>
      tpu.enqueue_dma source(%dma_start3A_50 : memref<40xi32, #tpu.memory_space<hbm>>) target(%arg5 : memref<40xi32, #tpu.memory_space<vmem>>) target_semaphore(%run_scoped3A : memref<!tpu.dma_semaphore, #tpu.memory_space<semaphore_mem>>)
      %dma_wait3A_51 = tpu.memref_slice %arg3[%add3A_4] : memref<6400xi32, #tpu.memory_space<hbm>> -> memref<40xi32, #tpu.memory_space<hbm>>
      %dma_wait3A_52 = tpu.memref_slice %arg3[%add3A_4] : memref<6400xi32, #tpu.memory_space<hbm>> -> memref<40xi32, #tpu.memory_space<hbm>>
      tpu.wait_dma2 semaphore(%run_scoped3A : memref<!tpu.dma_semaphore, #tpu.memory_space<semaphore_mem>>) src(%dma_wait3A_52 : memref<40xi32, #tpu.memory_space<hbm>>) dst(%arg5 : memref<40xi32, #tpu.memory_space<vmem>>)
      tpu.yield
    }) : () -> ()
    %dma_start3A = arith.constant 0 : i32
    %dma_start3A_5 = arith.constant 0 : i32
    %dma_start3A_6 = tpu.memref_slice %arg2[%dma_start3A, %dma_start3A_5] : memref<100000x128xf32, #tpu.memory_space<hbm>> -> memref<100000x128xf32, #tpu.memory_space<hbm>>
    tpu.enqueue_indirect_dma source(%dma_start3A_6 : memref<100000x128xf32, #tpu.memory_space<hbm>>) target(%arg6 : memref<40x128xf32, #tpu.memory_space<vmem>>) offsets(%arg5 : memref<40xi32, #tpu.memory_space<vmem>>) semaphore(%arg7 : memref<!tpu.dma_semaphore, #tpu.memory_space<semaphore_mem>>)
    %dma_wait3A = arith.constant 0 : i32
    %dma_wait3A_7 = arith.constant 0 : i32
    %dma_wait3A_8 = tpu.memref_slice %arg2[%dma_wait3A, %dma_wait3A_7] : memref<100000x128xf32, #tpu.memory_space<hbm>> -> memref<100000x128xf32, #tpu.memory_space<hbm>>
    tpu.wait_indirect_dma semaphore(%arg7 : memref<!tpu.dma_semaphore, #tpu.memory_space<semaphore_mem>>) src(%dma_wait3A_8 : memref<100000x128xf32, #tpu.memory_space<hbm>>) dst(%arg6 : memref<40x128xf32, #tpu.memory_space<vmem>>)
    "tpu.region"() ({
      %run_scoped3A = tpu.sem_alloc : memref<!tpu.dma_semaphore, #tpu.memory_space<semaphore_mem>>
      %dma_start3A_49 = arith.constant 0 : i32
      %dma_start3A_50 = tpu.memref_slice %arg4[%add3A_4, %dma_start3A_49] : memref<6400x128xf32, #tpu.memory_space<hbm>> -> memref<40x128xf32, #tpu.memory_space<hbm>>
      %dma_start3A_51 = arith.constant 0 : i32
      %dma_start3A_52 = tpu.memref_slice %arg4[%add3A_4, %dma_start3A_51] : memref<6400x128xf32, #tpu.memory_space<hbm>> -> memref<40x128xf32, #tpu.memory_space<hbm>>
      tpu.enqueue_dma source(%arg6 : memref<40x128xf32, #tpu.memory_space<vmem>>) target(%dma_start3A_52 : memref<40x128xf32, #tpu.memory_space<hbm>>) target_semaphore(%run_scoped3A : memref<!tpu.dma_semaphore, #tpu.memory_space<semaphore_mem>>)
      %dma_wait3A_53 = arith.constant 0 : i32
      %dma_wait3A_54 = tpu.memref_slice %arg4[%add3A_4, %dma_wait3A_53] : memref<6400x128xf32, #tpu.memory_space<hbm>> -> memref<40x128xf32, #tpu.memory_space<hbm>>
      %dma_wait3A_55 = arith.constant 0 : i32
      %dma_wait3A_56 = tpu.memref_slice %arg4[%add3A_4, %dma_wait3A_55] : memref<6400x128xf32, #tpu.memory_space<hbm>> -> memref<40x128xf32, #tpu.memory_space<hbm>>
      tpu.wait_dma2 semaphore(%run_scoped3A : memref<!tpu.dma_semaphore, #tpu.memory_space<semaphore_mem>>) src(%arg6 : memref<40x128xf32, #tpu.memory_space<vmem>>) dst(%dma_wait3A_56 : memref<40x128xf32, #tpu.memory_space<hbm>>)
      tpu.yield
    }) : () -> ()
    %mul3A_9 = arith.constant 200 : i32
    %mul3A_10 = arith.muli %add3A, %mul3A_9 : i32
    %add3A_11 = arith.constant 40 : i32
    %add3A_12 = arith.addi %mul3A_10, %add3A_11 : i32
    "tpu.region"() ({
      %run_scoped3A = tpu.sem_alloc : memref<!tpu.dma_semaphore, #tpu.memory_space<semaphore_mem>>
      %dma_start3A_49 = tpu.memref_slice %arg3[%add3A_12] : memref<6400xi32, #tpu.memory_space<hbm>> -> memref<40xi32, #tpu.memory_space<hbm>>
      %dma_start3A_50 = tpu.memref_slice %arg3[%add3A_12] : memref<6400xi32, #tpu.memory_space<hbm>> -> memref<40xi32, #tpu.memory_space<hbm>>
      tpu.enqueue_dma source(%dma_start3A_50 : memref<40xi32, #tpu.memory_space<hbm>>) target(%arg5 : memref<40xi32, #tpu.memory_space<vmem>>) target_semaphore(%run_scoped3A : memref<!tpu.dma_semaphore, #tpu.memory_space<semaphore_mem>>)
      %dma_wait3A_51 = tpu.memref_slice %arg3[%add3A_12] : memref<6400xi32, #tpu.memory_space<hbm>> -> memref<40xi32, #tpu.memory_space<hbm>>
      %dma_wait3A_52 = tpu.memref_slice %arg3[%add3A_12] : memref<6400xi32, #tpu.memory_space<hbm>> -> memref<40xi32, #tpu.memory_space<hbm>>
      tpu.wait_dma2 semaphore(%run_scoped3A : memref<!tpu.dma_semaphore, #tpu.memory_space<semaphore_mem>>) src(%dma_wait3A_52 : memref<40xi32, #tpu.memory_space<hbm>>) dst(%arg5 : memref<40xi32, #tpu.memory_space<vmem>>)
      tpu.yield
    }) : () -> ()
    %dma_start3A_13 = arith.constant 0 : i32
    %dma_start3A_14 = arith.constant 0 : i32
    %dma_start3A_15 = tpu.memref_slice %arg2[%dma_start3A_13, %dma_start3A_14] : memref<100000x128xf32, #tpu.memory_space<hbm>> -> memref<100000x128xf32, #tpu.memory_space<hbm>>
    tpu.enqueue_indirect_dma source(%dma_start3A_15 : memref<100000x128xf32, #tpu.memory_space<hbm>>) target(%arg6 : memref<40x128xf32, #tpu.memory_space<vmem>>) offsets(%arg5 : memref<40xi32, #tpu.memory_space<vmem>>) semaphore(%arg7 : memref<!tpu.dma_semaphore, #tpu.memory_space<semaphore_mem>>)
    %dma_wait3A_16 = arith.constant 0 : i32
    %dma_wait3A_17 = arith.constant 0 : i32
    %dma_wait3A_18 = tpu.memref_slice %arg2[%dma_wait3A_16, %dma_wait3A_17] : memref<100000x128xf32, #tpu.memory_space<hbm>> -> memref<100000x128xf32, #tpu.memory_space<hbm>>
    tpu.wait_indirect_dma semaphore(%arg7 : memref<!tpu.dma_semaphore, #tpu.memory_space<semaphore_mem>>) src(%dma_wait3A_18 : memref<100000x128xf32, #tpu.memory_space<hbm>>) dst(%arg6 : memref<40x128xf32, #tpu.memory_space<vmem>>)
    "tpu.region"() ({
      %run_scoped3A = tpu.sem_alloc : memref<!tpu.dma_semaphore, #tpu.memory_space<semaphore_mem>>
      %dma_start3A_49 = arith.constant 0 : i32
      %dma_start3A_50 = tpu.memref_slice %arg4[%add3A_12, %dma_start3A_49] : memref<6400x128xf32, #tpu.memory_space<hbm>> -> memref<40x128xf32, #tpu.memory_space<hbm>>
      %dma_start3A_51 = arith.constant 0 : i32
      %dma_start3A_52 = tpu.memref_slice %arg4[%add3A_12, %dma_start3A_51] : memref<6400x128xf32, #tpu.memory_space<hbm>> -> memref<40x128xf32, #tpu.memory_space<hbm>>
      tpu.enqueue_dma source(%arg6 : memref<40x128xf32, #tpu.memory_space<vmem>>) target(%dma_start3A_52 : memref<40x128xf32, #tpu.memory_space<hbm>>) target_semaphore(%run_scoped3A : memref<!tpu.dma_semaphore, #tpu.memory_space<semaphore_mem>>)
      %dma_wait3A_53 = arith.constant 0 : i32
      %dma_wait3A_54 = tpu.memref_slice %arg4[%add3A_12, %dma_wait3A_53] : memref<6400x128xf32, #tpu.memory_space<hbm>> -> memref<40x128xf32, #tpu.memory_space<hbm>>
      %dma_wait3A_55 = arith.constant 0 : i32
      %dma_wait3A_56 = tpu.memref_slice %arg4[%add3A_12, %dma_wait3A_55] : memref<6400x128xf32, #tpu.memory_space<hbm>> -> memref<40x128xf32, #tpu.memory_space<hbm>>
      tpu.wait_dma2 semaphore(%run_scoped3A : memref<!tpu.dma_semaphore, #tpu.memory_space<semaphore_mem>>) src(%arg6 : memref<40x128xf32, #tpu.memory_space<vmem>>) dst(%dma_wait3A_56 : memref<40x128xf32, #tpu.memory_space<hbm>>)
      tpu.yield
    }) : () -> ()
    %mul3A_19 = arith.constant 200 : i32
    %mul3A_20 = arith.muli %add3A, %mul3A_19 : i32
    %add3A_21 = arith.constant 80 : i32
    %add3A_22 = arith.addi %mul3A_20, %add3A_21 : i32
    "tpu.region"() ({
      %run_scoped3A = tpu.sem_alloc : memref<!tpu.dma_semaphore, #tpu.memory_space<semaphore_mem>>
      %dma_start3A_49 = tpu.memref_slice %arg3[%add3A_22] : memref<6400xi32, #tpu.memory_space<hbm>> -> memref<40xi32, #tpu.memory_space<hbm>>
      %dma_start3A_50 = tpu.memref_slice %arg3[%add3A_22] : memref<6400xi32, #tpu.memory_space<hbm>> -> memref<40xi32, #tpu.memory_space<hbm>>
      tpu.enqueue_dma source(%dma_start3A_50 : memref<40xi32, #tpu.memory_space<hbm>>) target(%arg5 : memref<40xi32, #tpu.memory_space<vmem>>) target_semaphore(%run_scoped3A : memref<!tpu.dma_semaphore, #tpu.memory_space<semaphore_mem>>)
      %dma_wait3A_51 = tpu.memref_slice %arg3[%add3A_22] : memref<6400xi32, #tpu.memory_space<hbm>> -> memref<40xi32, #tpu.memory_space<hbm>>
      %dma_wait3A_52 = tpu.memref_slice %arg3[%add3A_22] : memref<6400xi32, #tpu.memory_space<hbm>> -> memref<40xi32, #tpu.memory_space<hbm>>
      tpu.wait_dma2 semaphore(%run_scoped3A : memref<!tpu.dma_semaphore, #tpu.memory_space<semaphore_mem>>) src(%dma_wait3A_52 : memref<40xi32, #tpu.memory_space<hbm>>) dst(%arg5 : memref<40xi32, #tpu.memory_space<vmem>>)
      tpu.yield
    }) : () -> ()
    %dma_start3A_23 = arith.constant 0 : i32
    %dma_start3A_24 = arith.constant 0 : i32
    %dma_start3A_25 = tpu.memref_slice %arg2[%dma_start3A_23, %dma_start3A_24] : memref<100000x128xf32, #tpu.memory_space<hbm>> -> memref<100000x128xf32, #tpu.memory_space<hbm>>
    tpu.enqueue_indirect_dma source(%dma_start3A_25 : memref<100000x128xf32, #tpu.memory_space<hbm>>) target(%arg6 : memref<40x128xf32, #tpu.memory_space<vmem>>) offsets(%arg5 : memref<40xi32, #tpu.memory_space<vmem>>) semaphore(%arg7 : memref<!tpu.dma_semaphore, #tpu.memory_space<semaphore_mem>>)
    %dma_wait3A_26 = arith.constant 0 : i32
    %dma_wait3A_27 = arith.constant 0 : i32
    %dma_wait3A_28 = tpu.memref_slice %arg2[%dma_wait3A_26, %dma_wait3A_27] : memref<100000x128xf32, #tpu.memory_space<hbm>> -> memref<100000x128xf32, #tpu.memory_space<hbm>>
    tpu.wait_indirect_dma semaphore(%arg7 : memref<!tpu.dma_semaphore, #tpu.memory_space<semaphore_mem>>) src(%dma_wait3A_28 : memref<100000x128xf32, #tpu.memory_space<hbm>>) dst(%arg6 : memref<40x128xf32, #tpu.memory_space<vmem>>)
    "tpu.region"() ({
      %run_scoped3A = tpu.sem_alloc : memref<!tpu.dma_semaphore, #tpu.memory_space<semaphore_mem>>
      %dma_start3A_49 = arith.constant 0 : i32
      %dma_start3A_50 = tpu.memref_slice %arg4[%add3A_22, %dma_start3A_49] : memref<6400x128xf32, #tpu.memory_space<hbm>> -> memref<40x128xf32, #tpu.memory_space<hbm>>
      %dma_start3A_51 = arith.constant 0 : i32
      %dma_start3A_52 = tpu.memref_slice %arg4[%add3A_22, %dma_start3A_51] : memref<6400x128xf32, #tpu.memory_space<hbm>> -> memref<40x128xf32, #tpu.memory_space<hbm>>
      tpu.enqueue_dma source(%arg6 : memref<40x128xf32, #tpu.memory_space<vmem>>) target(%dma_start3A_52 : memref<40x128xf32, #tpu.memory_space<hbm>>) target_semaphore(%run_scoped3A : memref<!tpu.dma_semaphore, #tpu.memory_space<semaphore_mem>>)
      %dma_wait3A_53 = arith.constant 0 : i32
      %dma_wait3A_54 = tpu.memref_slice %arg4[%add3A_22, %dma_wait3A_53] : memref<6400x128xf32, #tpu.memory_space<hbm>> -> memref<40x128xf32, #tpu.memory_space<hbm>>
      %dma_wait3A_55 = arith.constant 0 : i32
      %dma_wait3A_56 = tpu.memref_slice %arg4[%add3A_22, %dma_wait3A_55] : memref<6400x128xf32, #tpu.memory_space<hbm>> -> memref<40x128xf32, #tpu.memory_space<hbm>>
      tpu.wait_dma2 semaphore(%run_scoped3A : memref<!tpu.dma_semaphore, #tpu.memory_space<semaphore_mem>>) src(%arg6 : memref<40x128xf32, #tpu.memory_space<vmem>>) dst(%dma_wait3A_56 : memref<40x128xf32, #tpu.memory_space<hbm>>)
      tpu.yield
    }) : () -> ()
    %mul3A_29 = arith.constant 200 : i32
    %mul3A_30 = arith.muli %add3A, %mul3A_29 : i32
    %add3A_31 = arith.constant 120 : i32
    %add3A_32 = arith.addi %mul3A_30, %add3A_31 : i32
    "tpu.region"() ({
      %run_scoped3A = tpu.sem_alloc : memref<!tpu.dma_semaphore, #tpu.memory_space<semaphore_mem>>
      %dma_start3A_49 = tpu.memref_slice %arg3[%add3A_32] : memref<6400xi32, #tpu.memory_space<hbm>> -> memref<40xi32, #tpu.memory_space<hbm>>
      %dma_start3A_50 = tpu.memref_slice %arg3[%add3A_32] : memref<6400xi32, #tpu.memory_space<hbm>> -> memref<40xi32, #tpu.memory_space<hbm>>
      tpu.enqueue_dma source(%dma_start3A_50 : memref<40xi32, #tpu.memory_space<hbm>>) target(%arg5 : memref<40xi32, #tpu.memory_space<vmem>>) target_semaphore(%run_scoped3A : memref<!tpu.dma_semaphore, #tpu.memory_space<semaphore_mem>>)
      %dma_wait3A_51 = tpu.memref_slice %arg3[%add3A_32] : memref<6400xi32, #tpu.memory_space<hbm>> -> memref<40xi32, #tpu.memory_space<hbm>>
      %dma_wait3A_52 = tpu.memref_slice %arg3[%add3A_32] : memref<6400xi32, #tpu.memory_space<hbm>> -> memref<40xi32, #tpu.memory_space<hbm>>
      tpu.wait_dma2 semaphore(%run_scoped3A : memref<!tpu.dma_semaphore, #tpu.memory_space<semaphore_mem>>) src(%dma_wait3A_52 : memref<40xi32, #tpu.memory_space<hbm>>) dst(%arg5 : memref<40xi32, #tpu.memory_space<vmem>>)
      tpu.yield
    }) : () -> ()
    %dma_start3A_33 = arith.constant 0 : i32
    %dma_start3A_34 = arith.constant 0 : i32
    %dma_start3A_35 = tpu.memref_slice %arg2[%dma_start3A_33, %dma_start3A_34] : memref<100000x128xf32, #tpu.memory_space<hbm>> -> memref<100000x128xf32, #tpu.memory_space<hbm>>
    tpu.enqueue_indirect_dma source(%dma_start3A_35 : memref<100000x128xf32, #tpu.memory_space<hbm>>) target(%arg6 : memref<40x128xf32, #tpu.memory_space<vmem>>) offsets(%arg5 : memref<40xi32, #tpu.memory_space<vmem>>) semaphore(%arg7 : memref<!tpu.dma_semaphore, #tpu.memory_space<semaphore_mem>>)
    %dma_wait3A_36 = arith.constant 0 : i32
    %dma_wait3A_37 = arith.constant 0 : i32
    %dma_wait3A_38 = tpu.memref_slice %arg2[%dma_wait3A_36, %dma_wait3A_37] : memref<100000x128xf32, #tpu.memory_space<hbm>> -> memref<100000x128xf32, #tpu.memory_space<hbm>>
    tpu.wait_indirect_dma semaphore(%arg7 : memref<!tpu.dma_semaphore, #tpu.memory_space<semaphore_mem>>) src(%dma_wait3A_38 : memref<100000x128xf32, #tpu.memory_space<hbm>>) dst(%arg6 : memref<40x128xf32, #tpu.memory_space<vmem>>)
    "tpu.region"() ({
      %run_scoped3A = tpu.sem_alloc : memref<!tpu.dma_semaphore, #tpu.memory_space<semaphore_mem>>
      %dma_start3A_49 = arith.constant 0 : i32
      %dma_start3A_50 = tpu.memref_slice %arg4[%add3A_32, %dma_start3A_49] : memref<6400x128xf32, #tpu.memory_space<hbm>> -> memref<40x128xf32, #tpu.memory_space<hbm>>
      %dma_start3A_51 = arith.constant 0 : i32
      %dma_start3A_52 = tpu.memref_slice %arg4[%add3A_32, %dma_start3A_51] : memref<6400x128xf32, #tpu.memory_space<hbm>> -> memref<40x128xf32, #tpu.memory_space<hbm>>
      tpu.enqueue_dma source(%arg6 : memref<40x128xf32, #tpu.memory_space<vmem>>) target(%dma_start3A_52 : memref<40x128xf32, #tpu.memory_space<hbm>>) target_semaphore(%run_scoped3A : memref<!tpu.dma_semaphore, #tpu.memory_space<semaphore_mem>>)
      %dma_wait3A_53 = arith.constant 0 : i32
      %dma_wait3A_54 = tpu.memref_slice %arg4[%add3A_32, %dma_wait3A_53] : memref<6400x128xf32, #tpu.memory_space<hbm>> -> memref<40x128xf32, #tpu.memory_space<hbm>>
      %dma_wait3A_55 = arith.constant 0 : i32
      %dma_wait3A_56 = tpu.memref_slice %arg4[%add3A_32, %dma_wait3A_55] : memref<6400x128xf32, #tpu.memory_space<hbm>> -> memref<40x128xf32, #tpu.memory_space<hbm>>
      tpu.wait_dma2 semaphore(%run_scoped3A : memref<!tpu.dma_semaphore, #tpu.memory_space<semaphore_mem>>) src(%arg6 : memref<40x128xf32, #tpu.memory_space<vmem>>) dst(%dma_wait3A_56 : memref<40x128xf32, #tpu.memory_space<hbm>>)
      tpu.yield
    }) : () -> ()
    %mul3A_39 = arith.constant 200 : i32
    %mul3A_40 = arith.muli %add3A, %mul3A_39 : i32
    %add3A_41 = arith.constant 160 : i32
    %add3A_42 = arith.addi %mul3A_40, %add3A_41 : i32
    "tpu.region"() ({
      %run_scoped3A = tpu.sem_alloc : memref<!tpu.dma_semaphore, #tpu.memory_space<semaphore_mem>>
      %dma_start3A_49 = tpu.memref_slice %arg3[%add3A_42] : memref<6400xi32, #tpu.memory_space<hbm>> -> memref<40xi32, #tpu.memory_space<hbm>>
      %dma_start3A_50 = tpu.memref_slice %arg3[%add3A_42] : memref<6400xi32, #tpu.memory_space<hbm>> -> memref<40xi32, #tpu.memory_space<hbm>>
      tpu.enqueue_dma source(%dma_start3A_50 : memref<40xi32, #tpu.memory_space<hbm>>) target(%arg5 : memref<40xi32, #tpu.memory_space<vmem>>) target_semaphore(%run_scoped3A : memref<!tpu.dma_semaphore, #tpu.memory_space<semaphore_mem>>)
      %dma_wait3A_51 = tpu.memref_slice %arg3[%add3A_42] : memref<6400xi32, #tpu.memory_space<hbm>> -> memref<40xi32, #tpu.memory_space<hbm>>
      %dma_wait3A_52 = tpu.memref_slice %arg3[%add3A_42] : memref<6400xi32, #tpu.memory_space<hbm>> -> memref<40xi32, #tpu.memory_space<hbm>>
      tpu.wait_dma2 semaphore(%run_scoped3A : memref<!tpu.dma_semaphore, #tpu.memory_space<semaphore_mem>>) src(%dma_wait3A_52 : memref<40xi32, #tpu.memory_space<hbm>>) dst(%arg5 : memref<40xi32, #tpu.memory_space<vmem>>)
      tpu.yield
    }) : () -> ()
    %dma_start3A_43 = arith.constant 0 : i32
    %dma_start3A_44 = arith.constant 0 : i32
    %dma_start3A_45 = tpu.memref_slice %arg2[%dma_start3A_43, %dma_start3A_44] : memref<100000x128xf32, #tpu.memory_space<hbm>> -> memref<100000x128xf32, #tpu.memory_space<hbm>>
    tpu.enqueue_indirect_dma source(%dma_start3A_45 : memref<100000x128xf32, #tpu.memory_space<hbm>>) target(%arg6 : memref<40x128xf32, #tpu.memory_space<vmem>>) offsets(%arg5 : memref<40xi32, #tpu.memory_space<vmem>>) semaphore(%arg7 : memref<!tpu.dma_semaphore, #tpu.memory_space<semaphore_mem>>)
    %dma_wait3A_46 = arith.constant 0 : i32
    %dma_wait3A_47 = arith.constant 0 : i32
    %dma_wait3A_48 = tpu.memref_slice %arg2[%dma_wait3A_46, %dma_wait3A_47] : memref<100000x128xf32, #tpu.memory_space<hbm>> -> memref<100000x128xf32, #tpu.memory_space<hbm>>
    tpu.wait_indirect_dma semaphore(%arg7 : memref<!tpu.dma_semaphore, #tpu.memory_space<semaphore_mem>>) src(%dma_wait3A_48 : memref<100000x128xf32, #tpu.memory_space<hbm>>) dst(%arg6 : memref<40x128xf32, #tpu.memory_space<vmem>>)
    "tpu.region"() ({
      %run_scoped3A = tpu.sem_alloc : memref<!tpu.dma_semaphore, #tpu.memory_space<semaphore_mem>>
      %dma_start3A_49 = arith.constant 0 : i32
      %dma_start3A_50 = tpu.memref_slice %arg4[%add3A_42, %dma_start3A_49] : memref<6400x128xf32, #tpu.memory_space<hbm>> -> memref<40x128xf32, #tpu.memory_space<hbm>>
      %dma_start3A_51 = arith.constant 0 : i32
      %dma_start3A_52 = tpu.memref_slice %arg4[%add3A_42, %dma_start3A_51] : memref<6400x128xf32, #tpu.memory_space<hbm>> -> memref<40x128xf32, #tpu.memory_space<hbm>>
      tpu.enqueue_dma source(%arg6 : memref<40x128xf32, #tpu.memory_space<vmem>>) target(%dma_start3A_52 : memref<40x128xf32, #tpu.memory_space<hbm>>) target_semaphore(%run_scoped3A : memref<!tpu.dma_semaphore, #tpu.memory_space<semaphore_mem>>)
      %dma_wait3A_53 = arith.constant 0 : i32
      %dma_wait3A_54 = tpu.memref_slice %arg4[%add3A_42, %dma_wait3A_53] : memref<6400x128xf32, #tpu.memory_space<hbm>> -> memref<40x128xf32, #tpu.memory_space<hbm>>
      %dma_wait3A_55 = arith.constant 0 : i32
      %dma_wait3A_56 = tpu.memref_slice %arg4[%add3A_42, %dma_wait3A_55] : memref<6400x128xf32, #tpu.memory_space<hbm>> -> memref<40x128xf32, #tpu.memory_space<hbm>>
      tpu.wait_dma2 semaphore(%run_scoped3A : memref<!tpu.dma_semaphore, #tpu.memory_space<semaphore_mem>>) src(%arg6 : memref<40x128xf32, #tpu.memory_space<vmem>>) dst(%dma_wait3A_56 : memref<40x128xf32, #tpu.memory_space<hbm>>)
      tpu.yield
    }) : () -> ()
    return
  }
}

#map = affine_map<(d0, d1) -> (0, 0)>
#map1 = affine_map<(d0, d1) -> (0)>
module attributes {stable_mosaic.version = 14 : i64} {
  func.func @k(%arg0: i32, %arg1: i32, %arg2: memref<501760x128xf32, #tpu.memory_space<hbm>>, %arg3: memref<64000xi32, #tpu.memory_space<hbm>>, %arg4: memref<64000x128xf32, #tpu.memory_space<hbm>>, %arg5: memref<80xi32, #tpu.memory_space<vmem>>, %arg6: memref<80x128xf32, #tpu.memory_space<vmem>>, %arg7: memref<!tpu.dma_semaphore, #tpu.memory_space<semaphore_mem>>) attributes {dimension_semantics = [#tpu.dimension_semantics<core_parallel>, #tpu.dimension_semantics<subcore_parallel>], iteration_bounds = array<i64: 2, 16>, scalar_prefetch = 0 : i64, scratch_operands = 3 : i64, tpu.core_type = #tpu.core_type<sc_vector_subcore>, window_params = [{transform_indices = #map}, {transform_indices = #map1}, {transform_indices = #map}]} {
    %mul3A = arith.constant 2 : i32
    %mul3A_0 = arith.muli %arg1, %mul3A : i32
    %add3A = arith.addi %mul3A_0, %arg0 : i32
    %mul3A_1 = arith.constant 2000 : i32
    %mul3A_2 = arith.muli %add3A, %mul3A_1 : i32
    %add3A_3 = arith.constant 0 : i32
    %add3A_4 = arith.addi %mul3A_2, %add3A_3 : i32
    "tpu.region"() ({
      %run_scoped3A = tpu.sem_alloc : memref<!tpu.dma_semaphore, #tpu.memory_space<semaphore_mem>>
      %dma_start3A_249 = tpu.memref_slice %arg3[%add3A_4] : memref<64000xi32, #tpu.memory_space<hbm>> -> memref<80xi32, #tpu.memory_space<hbm>>
      %dma_start3A_250 = tpu.memref_slice %arg3[%add3A_4] : memref<64000xi32, #tpu.memory_space<hbm>> -> memref<80xi32, #tpu.memory_space<hbm>>
      tpu.enqueue_dma source(%dma_start3A_250 : memref<80xi32, #tpu.memory_space<hbm>>) target(%arg5 : memref<80xi32, #tpu.memory_space<vmem>>) target_semaphore(%run_scoped3A : memref<!tpu.dma_semaphore, #tpu.memory_space<semaphore_mem>>)
      %dma_wait3A_251 = tpu.memref_slice %arg3[%add3A_4] : memref<64000xi32, #tpu.memory_space<hbm>> -> memref<80xi32, #tpu.memory_space<hbm>>
      %dma_wait3A_252 = tpu.memref_slice %arg3[%add3A_4] : memref<64000xi32, #tpu.memory_space<hbm>> -> memref<80xi32, #tpu.memory_space<hbm>>
      tpu.wait_dma2 semaphore(%run_scoped3A : memref<!tpu.dma_semaphore, #tpu.memory_space<semaphore_mem>>) src(%dma_wait3A_252 : memref<80xi32, #tpu.memory_space<hbm>>) dst(%arg5 : memref<80xi32, #tpu.memory_space<vmem>>)
      tpu.yield
    }) : () -> ()
    %dma_start3A = arith.constant 0 : i32
    %dma_start3A_5 = arith.constant 0 : i32
    %dma_start3A_6 = tpu.memref_slice %arg2[%dma_start3A, %dma_start3A_5] : memref<501760x128xf32, #tpu.memory_space<hbm>> -> memref<501760x128xf32, #tpu.memory_space<hbm>>
    tpu.enqueue_indirect_dma source(%dma_start3A_6 : memref<501760x128xf32, #tpu.memory_space<hbm>>) target(%arg6 : memref<80x128xf32, #tpu.memory_space<vmem>>) offsets(%arg5 : memref<80xi32, #tpu.memory_space<vmem>>) semaphore(%arg7 : memref<!tpu.dma_semaphore, #tpu.memory_space<semaphore_mem>>)
    %dma_wait3A = arith.constant 0 : i32
    %dma_wait3A_7 = arith.constant 0 : i32
    %dma_wait3A_8 = tpu.memref_slice %arg2[%dma_wait3A, %dma_wait3A_7] : memref<501760x128xf32, #tpu.memory_space<hbm>> -> memref<501760x128xf32, #tpu.memory_space<hbm>>
    tpu.wait_indirect_dma semaphore(%arg7 : memref<!tpu.dma_semaphore, #tpu.memory_space<semaphore_mem>>) src(%dma_wait3A_8 : memref<501760x128xf32, #tpu.memory_space<hbm>>) dst(%arg6 : memref<80x128xf32, #tpu.memory_space<vmem>>)
    "tpu.region"() ({
      %run_scoped3A = tpu.sem_alloc : memref<!tpu.dma_semaphore, #tpu.memory_space<semaphore_mem>>
      %dma_start3A_249 = arith.constant 0 : i32
      %dma_start3A_250 = tpu.memref_slice %arg4[%add3A_4, %dma_start3A_249] : memref<64000x128xf32, #tpu.memory_space<hbm>> -> memref<80x128xf32, #tpu.memory_space<hbm>>
      %dma_start3A_251 = arith.constant 0 : i32
      %dma_start3A_252 = tpu.memref_slice %arg4[%add3A_4, %dma_start3A_251] : memref<64000x128xf32, #tpu.memory_space<hbm>> -> memref<80x128xf32, #tpu.memory_space<hbm>>
      tpu.enqueue_dma source(%arg6 : memref<80x128xf32, #tpu.memory_space<vmem>>) target(%dma_start3A_252 : memref<80x128xf32, #tpu.memory_space<hbm>>) target_semaphore(%run_scoped3A : memref<!tpu.dma_semaphore, #tpu.memory_space<semaphore_mem>>)
      %dma_wait3A_253 = arith.constant 0 : i32
      %dma_wait3A_254 = tpu.memref_slice %arg4[%add3A_4, %dma_wait3A_253] : memref<64000x128xf32, #tpu.memory_space<hbm>> -> memref<80x128xf32, #tpu.memory_space<hbm>>
      %dma_wait3A_255 = arith.constant 0 : i32
      %dma_wait3A_256 = tpu.memref_slice %arg4[%add3A_4, %dma_wait3A_255] : memref<64000x128xf32, #tpu.memory_space<hbm>> -> memref<80x128xf32, #tpu.memory_space<hbm>>
      tpu.wait_dma2 semaphore(%run_scoped3A : memref<!tpu.dma_semaphore, #tpu.memory_space<semaphore_mem>>) src(%arg6 : memref<80x128xf32, #tpu.memory_space<vmem>>) dst(%dma_wait3A_256 : memref<80x128xf32, #tpu.memory_space<hbm>>)
      tpu.yield
    }) : () -> ()
    %mul3A_9 = arith.constant 2000 : i32
    %mul3A_10 = arith.muli %add3A, %mul3A_9 : i32
    %add3A_11 = arith.constant 80 : i32
    %add3A_12 = arith.addi %mul3A_10, %add3A_11 : i32
    "tpu.region"() ({
      %run_scoped3A = tpu.sem_alloc : memref<!tpu.dma_semaphore, #tpu.memory_space<semaphore_mem>>
      %dma_start3A_249 = tpu.memref_slice %arg3[%add3A_12] : memref<64000xi32, #tpu.memory_space<hbm>> -> memref<80xi32, #tpu.memory_space<hbm>>
      %dma_start3A_250 = tpu.memref_slice %arg3[%add3A_12] : memref<64000xi32, #tpu.memory_space<hbm>> -> memref<80xi32, #tpu.memory_space<hbm>>
      tpu.enqueue_dma source(%dma_start3A_250 : memref<80xi32, #tpu.memory_space<hbm>>) target(%arg5 : memref<80xi32, #tpu.memory_space<vmem>>) target_semaphore(%run_scoped3A : memref<!tpu.dma_semaphore, #tpu.memory_space<semaphore_mem>>)
      %dma_wait3A_251 = tpu.memref_slice %arg3[%add3A_12] : memref<64000xi32, #tpu.memory_space<hbm>> -> memref<80xi32, #tpu.memory_space<hbm>>
      %dma_wait3A_252 = tpu.memref_slice %arg3[%add3A_12] : memref<64000xi32, #tpu.memory_space<hbm>> -> memref<80xi32, #tpu.memory_space<hbm>>
      tpu.wait_dma2 semaphore(%run_scoped3A : memref<!tpu.dma_semaphore, #tpu.memory_space<semaphore_mem>>) src(%dma_wait3A_252 : memref<80xi32, #tpu.memory_space<hbm>>) dst(%arg5 : memref<80xi32, #tpu.memory_space<vmem>>)
      tpu.yield
    }) : () -> ()
    %dma_start3A_13 = arith.constant 0 : i32
    %dma_start3A_14 = arith.constant 0 : i32
    %dma_start3A_15 = tpu.memref_slice %arg2[%dma_start3A_13, %dma_start3A_14] : memref<501760x128xf32, #tpu.memory_space<hbm>> -> memref<501760x128xf32, #tpu.memory_space<hbm>>
    tpu.enqueue_indirect_dma source(%dma_start3A_15 : memref<501760x128xf32, #tpu.memory_space<hbm>>) target(%arg6 : memref<80x128xf32, #tpu.memory_space<vmem>>) offsets(%arg5 : memref<80xi32, #tpu.memory_space<vmem>>) semaphore(%arg7 : memref<!tpu.dma_semaphore, #tpu.memory_space<semaphore_mem>>)
    %dma_wait3A_16 = arith.constant 0 : i32
    %dma_wait3A_17 = arith.constant 0 : i32
    %dma_wait3A_18 = tpu.memref_slice %arg2[%dma_wait3A_16, %dma_wait3A_17] : memref<501760x128xf32, #tpu.memory_space<hbm>> -> memref<501760x128xf32, #tpu.memory_space<hbm>>
    tpu.wait_indirect_dma semaphore(%arg7 : memref<!tpu.dma_semaphore, #tpu.memory_space<semaphore_mem>>) src(%dma_wait3A_18 : memref<501760x128xf32, #tpu.memory_space<hbm>>) dst(%arg6 : memref<80x128xf32, #tpu.memory_space<vmem>>)
    "tpu.region"() ({
      %run_scoped3A = tpu.sem_alloc : memref<!tpu.dma_semaphore, #tpu.memory_space<semaphore_mem>>
      %dma_start3A_249 = arith.constant 0 : i32
      %dma_start3A_250 = tpu.memref_slice %arg4[%add3A_12, %dma_start3A_249] : memref<64000x128xf32, #tpu.memory_space<hbm>> -> memref<80x128xf32, #tpu.memory_space<hbm>>
      %dma_start3A_251 = arith.constant 0 : i32
      %dma_start3A_252 = tpu.memref_slice %arg4[%add3A_12, %dma_start3A_251] : memref<64000x128xf32, #tpu.memory_space<hbm>> -> memref<80x128xf32, #tpu.memory_space<hbm>>
      tpu.enqueue_dma source(%arg6 : memref<80x128xf32, #tpu.memory_space<vmem>>) target(%dma_start3A_252 : memref<80x128xf32, #tpu.memory_space<hbm>>) target_semaphore(%run_scoped3A : memref<!tpu.dma_semaphore, #tpu.memory_space<semaphore_mem>>)
      %dma_wait3A_253 = arith.constant 0 : i32
      %dma_wait3A_254 = tpu.memref_slice %arg4[%add3A_12, %dma_wait3A_253] : memref<64000x128xf32, #tpu.memory_space<hbm>> -> memref<80x128xf32, #tpu.memory_space<hbm>>
      %dma_wait3A_255 = arith.constant 0 : i32
      %dma_wait3A_256 = tpu.memref_slice %arg4[%add3A_12, %dma_wait3A_255] : memref<64000x128xf32, #tpu.memory_space<hbm>> -> memref<80x128xf32, #tpu.memory_space<hbm>>
      tpu.wait_dma2 semaphore(%run_scoped3A : memref<!tpu.dma_semaphore, #tpu.memory_space<semaphore_mem>>) src(%arg6 : memref<80x128xf32, #tpu.memory_space<vmem>>) dst(%dma_wait3A_256 : memref<80x128xf32, #tpu.memory_space<hbm>>)
      tpu.yield
    }) : () -> ()
    %mul3A_19 = arith.constant 2000 : i32
    %mul3A_20 = arith.muli %add3A, %mul3A_19 : i32
    %add3A_21 = arith.constant 160 : i32
    %add3A_22 = arith.addi %mul3A_20, %add3A_21 : i32
    "tpu.region"() ({
      %run_scoped3A = tpu.sem_alloc : memref<!tpu.dma_semaphore, #tpu.memory_space<semaphore_mem>>
      %dma_start3A_249 = tpu.memref_slice %arg3[%add3A_22] : memref<64000xi32, #tpu.memory_space<hbm>> -> memref<80xi32, #tpu.memory_space<hbm>>
      %dma_start3A_250 = tpu.memref_slice %arg3[%add3A_22] : memref<64000xi32, #tpu.memory_space<hbm>> -> memref<80xi32, #tpu.memory_space<hbm>>
      tpu.enqueue_dma source(%dma_start3A_250 : memref<80xi32, #tpu.memory_space<hbm>>) target(%arg5 : memref<80xi32, #tpu.memory_space<vmem>>) target_semaphore(%run_scoped3A : memref<!tpu.dma_semaphore, #tpu.memory_space<semaphore_mem>>)
      %dma_wait3A_251 = tpu.memref_slice %arg3[%add3A_22] : memref<64000xi32, #tpu.memory_space<hbm>> -> memref<80xi32, #tpu.memory_space<hbm>>
      %dma_wait3A_252 = tpu.memref_slice %arg3[%add3A_22] : memref<64000xi32, #tpu.memory_space<hbm>> -> memref<80xi32, #tpu.memory_space<hbm>>
      tpu.wait_dma2 semaphore(%run_scoped3A : memref<!tpu.dma_semaphore, #tpu.memory_space<semaphore_mem>>) src(%dma_wait3A_252 : memref<80xi32, #tpu.memory_space<hbm>>) dst(%arg5 : memref<80xi32, #tpu.memory_space<vmem>>)
      tpu.yield
    }) : () -> ()
    %dma_start3A_23 = arith.constant 0 : i32
    %dma_start3A_24 = arith.constant 0 : i32
    %dma_start3A_25 = tpu.memref_slice %arg2[%dma_start3A_23, %dma_start3A_24] : memref<501760x128xf32, #tpu.memory_space<hbm>> -> memref<501760x128xf32, #tpu.memory_space<hbm>>
    tpu.enqueue_indirect_dma source(%dma_start3A_25 : memref<501760x128xf32, #tpu.memory_space<hbm>>) target(%arg6 : memref<80x128xf32, #tpu.memory_space<vmem>>) offsets(%arg5 : memref<80xi32, #tpu.memory_space<vmem>>) semaphore(%arg7 : memref<!tpu.dma_semaphore, #tpu.memory_space<semaphore_mem>>)
    %dma_wait3A_26 = arith.constant 0 : i32
    %dma_wait3A_27 = arith.constant 0 : i32
    %dma_wait3A_28 = tpu.memref_slice %arg2[%dma_wait3A_26, %dma_wait3A_27] : memref<501760x128xf32, #tpu.memory_space<hbm>> -> memref<501760x128xf32, #tpu.memory_space<hbm>>
    tpu.wait_indirect_dma semaphore(%arg7 : memref<!tpu.dma_semaphore, #tpu.memory_space<semaphore_mem>>) src(%dma_wait3A_28 : memref<501760x128xf32, #tpu.memory_space<hbm>>) dst(%arg6 : memref<80x128xf32, #tpu.memory_space<vmem>>)
    "tpu.region"() ({
      %run_scoped3A = tpu.sem_alloc : memref<!tpu.dma_semaphore, #tpu.memory_space<semaphore_mem>>
      %dma_start3A_249 = arith.constant 0 : i32
      %dma_start3A_250 = tpu.memref_slice %arg4[%add3A_22, %dma_start3A_249] : memref<64000x128xf32, #tpu.memory_space<hbm>> -> memref<80x128xf32, #tpu.memory_space<hbm>>
      %dma_start3A_251 = arith.constant 0 : i32
      %dma_start3A_252 = tpu.memref_slice %arg4[%add3A_22, %dma_start3A_251] : memref<64000x128xf32, #tpu.memory_space<hbm>> -> memref<80x128xf32, #tpu.memory_space<hbm>>
      tpu.enqueue_dma source(%arg6 : memref<80x128xf32, #tpu.memory_space<vmem>>) target(%dma_start3A_252 : memref<80x128xf32, #tpu.memory_space<hbm>>) target_semaphore(%run_scoped3A : memref<!tpu.dma_semaphore, #tpu.memory_space<semaphore_mem>>)
      %dma_wait3A_253 = arith.constant 0 : i32
      %dma_wait3A_254 = tpu.memref_slice %arg4[%add3A_22, %dma_wait3A_253] : memref<64000x128xf32, #tpu.memory_space<hbm>> -> memref<80x128xf32, #tpu.memory_space<hbm>>
      %dma_wait3A_255 = arith.constant 0 : i32
      %dma_wait3A_256 = tpu.memref_slice %arg4[%add3A_22, %dma_wait3A_255] : memref<64000x128xf32, #tpu.memory_space<hbm>> -> memref<80x128xf32, #tpu.memory_space<hbm>>
      tpu.wait_dma2 semaphore(%run_scoped3A : memref<!tpu.dma_semaphore, #tpu.memory_space<semaphore_mem>>) src(%arg6 : memref<80x128xf32, #tpu.memory_space<vmem>>) dst(%dma_wait3A_256 : memref<80x128xf32, #tpu.memory_space<hbm>>)
      tpu.yield
    }) : () -> ()
    %mul3A_29 = arith.constant 2000 : i32
    %mul3A_30 = arith.muli %add3A, %mul3A_29 : i32
    %add3A_31 = arith.constant 240 : i32
    %add3A_32 = arith.addi %mul3A_30, %add3A_31 : i32
    "tpu.region"() ({
      %run_scoped3A = tpu.sem_alloc : memref<!tpu.dma_semaphore, #tpu.memory_space<semaphore_mem>>
      %dma_start3A_249 = tpu.memref_slice %arg3[%add3A_32] : memref<64000xi32, #tpu.memory_space<hbm>> -> memref<80xi32, #tpu.memory_space<hbm>>
      %dma_start3A_250 = tpu.memref_slice %arg3[%add3A_32] : memref<64000xi32, #tpu.memory_space<hbm>> -> memref<80xi32, #tpu.memory_space<hbm>>
      tpu.enqueue_dma source(%dma_start3A_250 : memref<80xi32, #tpu.memory_space<hbm>>) target(%arg5 : memref<80xi32, #tpu.memory_space<vmem>>) target_semaphore(%run_scoped3A : memref<!tpu.dma_semaphore, #tpu.memory_space<semaphore_mem>>)
      %dma_wait3A_251 = tpu.memref_slice %arg3[%add3A_32] : memref<64000xi32, #tpu.memory_space<hbm>> -> memref<80xi32, #tpu.memory_space<hbm>>
      %dma_wait3A_252 = tpu.memref_slice %arg3[%add3A_32] : memref<64000xi32, #tpu.memory_space<hbm>> -> memref<80xi32, #tpu.memory_space<hbm>>
      tpu.wait_dma2 semaphore(%run_scoped3A : memref<!tpu.dma_semaphore, #tpu.memory_space<semaphore_mem>>) src(%dma_wait3A_252 : memref<80xi32, #tpu.memory_space<hbm>>) dst(%arg5 : memref<80xi32, #tpu.memory_space<vmem>>)
      tpu.yield
    }) : () -> ()
    %dma_start3A_33 = arith.constant 0 : i32
    %dma_start3A_34 = arith.constant 0 : i32
    %dma_start3A_35 = tpu.memref_slice %arg2[%dma_start3A_33, %dma_start3A_34] : memref<501760x128xf32, #tpu.memory_space<hbm>> -> memref<501760x128xf32, #tpu.memory_space<hbm>>
    tpu.enqueue_indirect_dma source(%dma_start3A_35 : memref<501760x128xf32, #tpu.memory_space<hbm>>) target(%arg6 : memref<80x128xf32, #tpu.memory_space<vmem>>) offsets(%arg5 : memref<80xi32, #tpu.memory_space<vmem>>) semaphore(%arg7 : memref<!tpu.dma_semaphore, #tpu.memory_space<semaphore_mem>>)
    %dma_wait3A_36 = arith.constant 0 : i32
    %dma_wait3A_37 = arith.constant 0 : i32
    %dma_wait3A_38 = tpu.memref_slice %arg2[%dma_wait3A_36, %dma_wait3A_37] : memref<501760x128xf32, #tpu.memory_space<hbm>> -> memref<501760x128xf32, #tpu.memory_space<hbm>>
    tpu.wait_indirect_dma semaphore(%arg7 : memref<!tpu.dma_semaphore, #tpu.memory_space<semaphore_mem>>) src(%dma_wait3A_38 : memref<501760x128xf32, #tpu.memory_space<hbm>>) dst(%arg6 : memref<80x128xf32, #tpu.memory_space<vmem>>)
    "tpu.region"() ({
      %run_scoped3A = tpu.sem_alloc : memref<!tpu.dma_semaphore, #tpu.memory_space<semaphore_mem>>
      %dma_start3A_249 = arith.constant 0 : i32
      %dma_start3A_250 = tpu.memref_slice %arg4[%add3A_32, %dma_start3A_249] : memref<64000x128xf32, #tpu.memory_space<hbm>> -> memref<80x128xf32, #tpu.memory_space<hbm>>
      %dma_start3A_251 = arith.constant 0 : i32
      %dma_start3A_252 = tpu.memref_slice %arg4[%add3A_32, %dma_start3A_251] : memref<64000x128xf32, #tpu.memory_space<hbm>> -> memref<80x128xf32, #tpu.memory_space<hbm>>
      tpu.enqueue_dma source(%arg6 : memref<80x128xf32, #tpu.memory_space<vmem>>) target(%dma_start3A_252 : memref<80x128xf32, #tpu.memory_space<hbm>>) target_semaphore(%run_scoped3A : memref<!tpu.dma_semaphore, #tpu.memory_space<semaphore_mem>>)
      %dma_wait3A_253 = arith.constant 0 : i32
      %dma_wait3A_254 = tpu.memref_slice %arg4[%add3A_32, %dma_wait3A_253] : memref<64000x128xf32, #tpu.memory_space<hbm>> -> memref<80x128xf32, #tpu.memory_space<hbm>>
      %dma_wait3A_255 = arith.constant 0 : i32
      %dma_wait3A_256 = tpu.memref_slice %arg4[%add3A_32, %dma_wait3A_255] : memref<64000x128xf32, #tpu.memory_space<hbm>> -> memref<80x128xf32, #tpu.memory_space<hbm>>
      tpu.wait_dma2 semaphore(%run_scoped3A : memref<!tpu.dma_semaphore, #tpu.memory_space<semaphore_mem>>) src(%arg6 : memref<80x128xf32, #tpu.memory_space<vmem>>) dst(%dma_wait3A_256 : memref<80x128xf32, #tpu.memory_space<hbm>>)
      tpu.yield
    }) : () -> ()
    %mul3A_39 = arith.constant 2000 : i32
    %mul3A_40 = arith.muli %add3A, %mul3A_39 : i32
    %add3A_41 = arith.constant 320 : i32
    %add3A_42 = arith.addi %mul3A_40, %add3A_41 : i32
    "tpu.region"() ({
      %run_scoped3A = tpu.sem_alloc : memref<!tpu.dma_semaphore, #tpu.memory_space<semaphore_mem>>
      %dma_start3A_249 = tpu.memref_slice %arg3[%add3A_42] : memref<64000xi32, #tpu.memory_space<hbm>> -> memref<80xi32, #tpu.memory_space<hbm>>
      %dma_start3A_250 = tpu.memref_slice %arg3[%add3A_42] : memref<64000xi32, #tpu.memory_space<hbm>> -> memref<80xi32, #tpu.memory_space<hbm>>
      tpu.enqueue_dma source(%dma_start3A_250 : memref<80xi32, #tpu.memory_space<hbm>>) target(%arg5 : memref<80xi32, #tpu.memory_space<vmem>>) target_semaphore(%run_scoped3A : memref<!tpu.dma_semaphore, #tpu.memory_space<semaphore_mem>>)
      %dma_wait3A_251 = tpu.memref_slice %arg3[%add3A_42] : memref<64000xi32, #tpu.memory_space<hbm>> -> memref<80xi32, #tpu.memory_space<hbm>>
      %dma_wait3A_252 = tpu.memref_slice %arg3[%add3A_42] : memref<64000xi32, #tpu.memory_space<hbm>> -> memref<80xi32, #tpu.memory_space<hbm>>
      tpu.wait_dma2 semaphore(%run_scoped3A : memref<!tpu.dma_semaphore, #tpu.memory_space<semaphore_mem>>) src(%dma_wait3A_252 : memref<80xi32, #tpu.memory_space<hbm>>) dst(%arg5 : memref<80xi32, #tpu.memory_space<vmem>>)
      tpu.yield
    }) : () -> ()
    %dma_start3A_43 = arith.constant 0 : i32
    %dma_start3A_44 = arith.constant 0 : i32
    %dma_start3A_45 = tpu.memref_slice %arg2[%dma_start3A_43, %dma_start3A_44] : memref<501760x128xf32, #tpu.memory_space<hbm>> -> memref<501760x128xf32, #tpu.memory_space<hbm>>
    tpu.enqueue_indirect_dma source(%dma_start3A_45 : memref<501760x128xf32, #tpu.memory_space<hbm>>) target(%arg6 : memref<80x128xf32, #tpu.memory_space<vmem>>) offsets(%arg5 : memref<80xi32, #tpu.memory_space<vmem>>) semaphore(%arg7 : memref<!tpu.dma_semaphore, #tpu.memory_space<semaphore_mem>>)
    %dma_wait3A_46 = arith.constant 0 : i32
    %dma_wait3A_47 = arith.constant 0 : i32
    %dma_wait3A_48 = tpu.memref_slice %arg2[%dma_wait3A_46, %dma_wait3A_47] : memref<501760x128xf32, #tpu.memory_space<hbm>> -> memref<501760x128xf32, #tpu.memory_space<hbm>>
    tpu.wait_indirect_dma semaphore(%arg7 : memref<!tpu.dma_semaphore, #tpu.memory_space<semaphore_mem>>) src(%dma_wait3A_48 : memref<501760x128xf32, #tpu.memory_space<hbm>>) dst(%arg6 : memref<80x128xf32, #tpu.memory_space<vmem>>)
    "tpu.region"() ({
      %run_scoped3A = tpu.sem_alloc : memref<!tpu.dma_semaphore, #tpu.memory_space<semaphore_mem>>
      %dma_start3A_249 = arith.constant 0 : i32
      %dma_start3A_250 = tpu.memref_slice %arg4[%add3A_42, %dma_start3A_249] : memref<64000x128xf32, #tpu.memory_space<hbm>> -> memref<80x128xf32, #tpu.memory_space<hbm>>
      %dma_start3A_251 = arith.constant 0 : i32
      %dma_start3A_252 = tpu.memref_slice %arg4[%add3A_42, %dma_start3A_251] : memref<64000x128xf32, #tpu.memory_space<hbm>> -> memref<80x128xf32, #tpu.memory_space<hbm>>
      tpu.enqueue_dma source(%arg6 : memref<80x128xf32, #tpu.memory_space<vmem>>) target(%dma_start3A_252 : memref<80x128xf32, #tpu.memory_space<hbm>>) target_semaphore(%run_scoped3A : memref<!tpu.dma_semaphore, #tpu.memory_space<semaphore_mem>>)
      %dma_wait3A_253 = arith.constant 0 : i32
      %dma_wait3A_254 = tpu.memref_slice %arg4[%add3A_42, %dma_wait3A_253] : memref<64000x128xf32, #tpu.memory_space<hbm>> -> memref<80x128xf32, #tpu.memory_space<hbm>>
      %dma_wait3A_255 = arith.constant 0 : i32
      %dma_wait3A_256 = tpu.memref_slice %arg4[%add3A_42, %dma_wait3A_255] : memref<64000x128xf32, #tpu.memory_space<hbm>> -> memref<80x128xf32, #tpu.memory_space<hbm>>
      tpu.wait_dma2 semaphore(%run_scoped3A : memref<!tpu.dma_semaphore, #tpu.memory_space<semaphore_mem>>) src(%arg6 : memref<80x128xf32, #tpu.memory_space<vmem>>) dst(%dma_wait3A_256 : memref<80x128xf32, #tpu.memory_space<hbm>>)
      tpu.yield
    }) : () -> ()
    %mul3A_49 = arith.constant 2000 : i32
    %mul3A_50 = arith.muli %add3A, %mul3A_49 : i32
    %add3A_51 = arith.constant 400 : i32
    %add3A_52 = arith.addi %mul3A_50, %add3A_51 : i32
    "tpu.region"() ({
      %run_scoped3A = tpu.sem_alloc : memref<!tpu.dma_semaphore, #tpu.memory_space<semaphore_mem>>
      %dma_start3A_249 = tpu.memref_slice %arg3[%add3A_52] : memref<64000xi32, #tpu.memory_space<hbm>> -> memref<80xi32, #tpu.memory_space<hbm>>
      %dma_start3A_250 = tpu.memref_slice %arg3[%add3A_52] : memref<64000xi32, #tpu.memory_space<hbm>> -> memref<80xi32, #tpu.memory_space<hbm>>
      tpu.enqueue_dma source(%dma_start3A_250 : memref<80xi32, #tpu.memory_space<hbm>>) target(%arg5 : memref<80xi32, #tpu.memory_space<vmem>>) target_semaphore(%run_scoped3A : memref<!tpu.dma_semaphore, #tpu.memory_space<semaphore_mem>>)
      %dma_wait3A_251 = tpu.memref_slice %arg3[%add3A_52] : memref<64000xi32, #tpu.memory_space<hbm>> -> memref<80xi32, #tpu.memory_space<hbm>>
      %dma_wait3A_252 = tpu.memref_slice %arg3[%add3A_52] : memref<64000xi32, #tpu.memory_space<hbm>> -> memref<80xi32, #tpu.memory_space<hbm>>
      tpu.wait_dma2 semaphore(%run_scoped3A : memref<!tpu.dma_semaphore, #tpu.memory_space<semaphore_mem>>) src(%dma_wait3A_252 : memref<80xi32, #tpu.memory_space<hbm>>) dst(%arg5 : memref<80xi32, #tpu.memory_space<vmem>>)
      tpu.yield
    }) : () -> ()
    %dma_start3A_53 = arith.constant 0 : i32
    %dma_start3A_54 = arith.constant 0 : i32
    %dma_start3A_55 = tpu.memref_slice %arg2[%dma_start3A_53, %dma_start3A_54] : memref<501760x128xf32, #tpu.memory_space<hbm>> -> memref<501760x128xf32, #tpu.memory_space<hbm>>
    tpu.enqueue_indirect_dma source(%dma_start3A_55 : memref<501760x128xf32, #tpu.memory_space<hbm>>) target(%arg6 : memref<80x128xf32, #tpu.memory_space<vmem>>) offsets(%arg5 : memref<80xi32, #tpu.memory_space<vmem>>) semaphore(%arg7 : memref<!tpu.dma_semaphore, #tpu.memory_space<semaphore_mem>>)
    %dma_wait3A_56 = arith.constant 0 : i32
    %dma_wait3A_57 = arith.constant 0 : i32
    %dma_wait3A_58 = tpu.memref_slice %arg2[%dma_wait3A_56, %dma_wait3A_57] : memref<501760x128xf32, #tpu.memory_space<hbm>> -> memref<501760x128xf32, #tpu.memory_space<hbm>>
    tpu.wait_indirect_dma semaphore(%arg7 : memref<!tpu.dma_semaphore, #tpu.memory_space<semaphore_mem>>) src(%dma_wait3A_58 : memref<501760x128xf32, #tpu.memory_space<hbm>>) dst(%arg6 : memref<80x128xf32, #tpu.memory_space<vmem>>)
    "tpu.region"() ({
      %run_scoped3A = tpu.sem_alloc : memref<!tpu.dma_semaphore, #tpu.memory_space<semaphore_mem>>
      %dma_start3A_249 = arith.constant 0 : i32
      %dma_start3A_250 = tpu.memref_slice %arg4[%add3A_52, %dma_start3A_249] : memref<64000x128xf32, #tpu.memory_space<hbm>> -> memref<80x128xf32, #tpu.memory_space<hbm>>
      %dma_start3A_251 = arith.constant 0 : i32
      %dma_start3A_252 = tpu.memref_slice %arg4[%add3A_52, %dma_start3A_251] : memref<64000x128xf32, #tpu.memory_space<hbm>> -> memref<80x128xf32, #tpu.memory_space<hbm>>
      tpu.enqueue_dma source(%arg6 : memref<80x128xf32, #tpu.memory_space<vmem>>) target(%dma_start3A_252 : memref<80x128xf32, #tpu.memory_space<hbm>>) target_semaphore(%run_scoped3A : memref<!tpu.dma_semaphore, #tpu.memory_space<semaphore_mem>>)
      %dma_wait3A_253 = arith.constant 0 : i32
      %dma_wait3A_254 = tpu.memref_slice %arg4[%add3A_52, %dma_wait3A_253] : memref<64000x128xf32, #tpu.memory_space<hbm>> -> memref<80x128xf32, #tpu.memory_space<hbm>>
      %dma_wait3A_255 = arith.constant 0 : i32
      %dma_wait3A_256 = tpu.memref_slice %arg4[%add3A_52, %dma_wait3A_255] : memref<64000x128xf32, #tpu.memory_space<hbm>> -> memref<80x128xf32, #tpu.memory_space<hbm>>
      tpu.wait_dma2 semaphore(%run_scoped3A : memref<!tpu.dma_semaphore, #tpu.memory_space<semaphore_mem>>) src(%arg6 : memref<80x128xf32, #tpu.memory_space<vmem>>) dst(%dma_wait3A_256 : memref<80x128xf32, #tpu.memory_space<hbm>>)
      tpu.yield
    }) : () -> ()
    %mul3A_59 = arith.constant 2000 : i32
    %mul3A_60 = arith.muli %add3A, %mul3A_59 : i32
    %add3A_61 = arith.constant 480 : i32
    %add3A_62 = arith.addi %mul3A_60, %add3A_61 : i32
    "tpu.region"() ({
      %run_scoped3A = tpu.sem_alloc : memref<!tpu.dma_semaphore, #tpu.memory_space<semaphore_mem>>
      %dma_start3A_249 = tpu.memref_slice %arg3[%add3A_62] : memref<64000xi32, #tpu.memory_space<hbm>> -> memref<80xi32, #tpu.memory_space<hbm>>
      %dma_start3A_250 = tpu.memref_slice %arg3[%add3A_62] : memref<64000xi32, #tpu.memory_space<hbm>> -> memref<80xi32, #tpu.memory_space<hbm>>
      tpu.enqueue_dma source(%dma_start3A_250 : memref<80xi32, #tpu.memory_space<hbm>>) target(%arg5 : memref<80xi32, #tpu.memory_space<vmem>>) target_semaphore(%run_scoped3A : memref<!tpu.dma_semaphore, #tpu.memory_space<semaphore_mem>>)
      %dma_wait3A_251 = tpu.memref_slice %arg3[%add3A_62] : memref<64000xi32, #tpu.memory_space<hbm>> -> memref<80xi32, #tpu.memory_space<hbm>>
      %dma_wait3A_252 = tpu.memref_slice %arg3[%add3A_62] : memref<64000xi32, #tpu.memory_space<hbm>> -> memref<80xi32, #tpu.memory_space<hbm>>
      tpu.wait_dma2 semaphore(%run_scoped3A : memref<!tpu.dma_semaphore, #tpu.memory_space<semaphore_mem>>) src(%dma_wait3A_252 : memref<80xi32, #tpu.memory_space<hbm>>) dst(%arg5 : memref<80xi32, #tpu.memory_space<vmem>>)
      tpu.yield
    }) : () -> ()
    %dma_start3A_63 = arith.constant 0 : i32
    %dma_start3A_64 = arith.constant 0 : i32
    %dma_start3A_65 = tpu.memref_slice %arg2[%dma_start3A_63, %dma_start3A_64] : memref<501760x128xf32, #tpu.memory_space<hbm>> -> memref<501760x128xf32, #tpu.memory_space<hbm>>
    tpu.enqueue_indirect_dma source(%dma_start3A_65 : memref<501760x128xf32, #tpu.memory_space<hbm>>) target(%arg6 : memref<80x128xf32, #tpu.memory_space<vmem>>) offsets(%arg5 : memref<80xi32, #tpu.memory_space<vmem>>) semaphore(%arg7 : memref<!tpu.dma_semaphore, #tpu.memory_space<semaphore_mem>>)
    %dma_wait3A_66 = arith.constant 0 : i32
    %dma_wait3A_67 = arith.constant 0 : i32
    %dma_wait3A_68 = tpu.memref_slice %arg2[%dma_wait3A_66, %dma_wait3A_67] : memref<501760x128xf32, #tpu.memory_space<hbm>> -> memref<501760x128xf32, #tpu.memory_space<hbm>>
    tpu.wait_indirect_dma semaphore(%arg7 : memref<!tpu.dma_semaphore, #tpu.memory_space<semaphore_mem>>) src(%dma_wait3A_68 : memref<501760x128xf32, #tpu.memory_space<hbm>>) dst(%arg6 : memref<80x128xf32, #tpu.memory_space<vmem>>)
    "tpu.region"() ({
      %run_scoped3A = tpu.sem_alloc : memref<!tpu.dma_semaphore, #tpu.memory_space<semaphore_mem>>
      %dma_start3A_249 = arith.constant 0 : i32
      %dma_start3A_250 = tpu.memref_slice %arg4[%add3A_62, %dma_start3A_249] : memref<64000x128xf32, #tpu.memory_space<hbm>> -> memref<80x128xf32, #tpu.memory_space<hbm>>
      %dma_start3A_251 = arith.constant 0 : i32
      %dma_start3A_252 = tpu.memref_slice %arg4[%add3A_62, %dma_start3A_251] : memref<64000x128xf32, #tpu.memory_space<hbm>> -> memref<80x128xf32, #tpu.memory_space<hbm>>
      tpu.enqueue_dma source(%arg6 : memref<80x128xf32, #tpu.memory_space<vmem>>) target(%dma_start3A_252 : memref<80x128xf32, #tpu.memory_space<hbm>>) target_semaphore(%run_scoped3A : memref<!tpu.dma_semaphore, #tpu.memory_space<semaphore_mem>>)
      %dma_wait3A_253 = arith.constant 0 : i32
      %dma_wait3A_254 = tpu.memref_slice %arg4[%add3A_62, %dma_wait3A_253] : memref<64000x128xf32, #tpu.memory_space<hbm>> -> memref<80x128xf32, #tpu.memory_space<hbm>>
      %dma_wait3A_255 = arith.constant 0 : i32
      %dma_wait3A_256 = tpu.memref_slice %arg4[%add3A_62, %dma_wait3A_255] : memref<64000x128xf32, #tpu.memory_space<hbm>> -> memref<80x128xf32, #tpu.memory_space<hbm>>
      tpu.wait_dma2 semaphore(%run_scoped3A : memref<!tpu.dma_semaphore, #tpu.memory_space<semaphore_mem>>) src(%arg6 : memref<80x128xf32, #tpu.memory_space<vmem>>) dst(%dma_wait3A_256 : memref<80x128xf32, #tpu.memory_space<hbm>>)
      tpu.yield
    }) : () -> ()
    %mul3A_69 = arith.constant 2000 : i32
    %mul3A_70 = arith.muli %add3A, %mul3A_69 : i32
    %add3A_71 = arith.constant 560 : i32
    %add3A_72 = arith.addi %mul3A_70, %add3A_71 : i32
    "tpu.region"() ({
      %run_scoped3A = tpu.sem_alloc : memref<!tpu.dma_semaphore, #tpu.memory_space<semaphore_mem>>
      %dma_start3A_249 = tpu.memref_slice %arg3[%add3A_72] : memref<64000xi32, #tpu.memory_space<hbm>> -> memref<80xi32, #tpu.memory_space<hbm>>
      %dma_start3A_250 = tpu.memref_slice %arg3[%add3A_72] : memref<64000xi32, #tpu.memory_space<hbm>> -> memref<80xi32, #tpu.memory_space<hbm>>
      tpu.enqueue_dma source(%dma_start3A_250 : memref<80xi32, #tpu.memory_space<hbm>>) target(%arg5 : memref<80xi32, #tpu.memory_space<vmem>>) target_semaphore(%run_scoped3A : memref<!tpu.dma_semaphore, #tpu.memory_space<semaphore_mem>>)
      %dma_wait3A_251 = tpu.memref_slice %arg3[%add3A_72] : memref<64000xi32, #tpu.memory_space<hbm>> -> memref<80xi32, #tpu.memory_space<hbm>>
      %dma_wait3A_252 = tpu.memref_slice %arg3[%add3A_72] : memref<64000xi32, #tpu.memory_space<hbm>> -> memref<80xi32, #tpu.memory_space<hbm>>
      tpu.wait_dma2 semaphore(%run_scoped3A : memref<!tpu.dma_semaphore, #tpu.memory_space<semaphore_mem>>) src(%dma_wait3A_252 : memref<80xi32, #tpu.memory_space<hbm>>) dst(%arg5 : memref<80xi32, #tpu.memory_space<vmem>>)
      tpu.yield
    }) : () -> ()
    %dma_start3A_73 = arith.constant 0 : i32
    %dma_start3A_74 = arith.constant 0 : i32
    %dma_start3A_75 = tpu.memref_slice %arg2[%dma_start3A_73, %dma_start3A_74] : memref<501760x128xf32, #tpu.memory_space<hbm>> -> memref<501760x128xf32, #tpu.memory_space<hbm>>
    tpu.enqueue_indirect_dma source(%dma_start3A_75 : memref<501760x128xf32, #tpu.memory_space<hbm>>) target(%arg6 : memref<80x128xf32, #tpu.memory_space<vmem>>) offsets(%arg5 : memref<80xi32, #tpu.memory_space<vmem>>) semaphore(%arg7 : memref<!tpu.dma_semaphore, #tpu.memory_space<semaphore_mem>>)
    %dma_wait3A_76 = arith.constant 0 : i32
    %dma_wait3A_77 = arith.constant 0 : i32
    %dma_wait3A_78 = tpu.memref_slice %arg2[%dma_wait3A_76, %dma_wait3A_77] : memref<501760x128xf32, #tpu.memory_space<hbm>> -> memref<501760x128xf32, #tpu.memory_space<hbm>>
    tpu.wait_indirect_dma semaphore(%arg7 : memref<!tpu.dma_semaphore, #tpu.memory_space<semaphore_mem>>) src(%dma_wait3A_78 : memref<501760x128xf32, #tpu.memory_space<hbm>>) dst(%arg6 : memref<80x128xf32, #tpu.memory_space<vmem>>)
    "tpu.region"() ({
      %run_scoped3A = tpu.sem_alloc : memref<!tpu.dma_semaphore, #tpu.memory_space<semaphore_mem>>
      %dma_start3A_249 = arith.constant 0 : i32
      %dma_start3A_250 = tpu.memref_slice %arg4[%add3A_72, %dma_start3A_249] : memref<64000x128xf32, #tpu.memory_space<hbm>> -> memref<80x128xf32, #tpu.memory_space<hbm>>
      %dma_start3A_251 = arith.constant 0 : i32
      %dma_start3A_252 = tpu.memref_slice %arg4[%add3A_72, %dma_start3A_251] : memref<64000x128xf32, #tpu.memory_space<hbm>> -> memref<80x128xf32, #tpu.memory_space<hbm>>
      tpu.enqueue_dma source(%arg6 : memref<80x128xf32, #tpu.memory_space<vmem>>) target(%dma_start3A_252 : memref<80x128xf32, #tpu.memory_space<hbm>>) target_semaphore(%run_scoped3A : memref<!tpu.dma_semaphore, #tpu.memory_space<semaphore_mem>>)
      %dma_wait3A_253 = arith.constant 0 : i32
      %dma_wait3A_254 = tpu.memref_slice %arg4[%add3A_72, %dma_wait3A_253] : memref<64000x128xf32, #tpu.memory_space<hbm>> -> memref<80x128xf32, #tpu.memory_space<hbm>>
      %dma_wait3A_255 = arith.constant 0 : i32
      %dma_wait3A_256 = tpu.memref_slice %arg4[%add3A_72, %dma_wait3A_255] : memref<64000x128xf32, #tpu.memory_space<hbm>> -> memref<80x128xf32, #tpu.memory_space<hbm>>
      tpu.wait_dma2 semaphore(%run_scoped3A : memref<!tpu.dma_semaphore, #tpu.memory_space<semaphore_mem>>) src(%arg6 : memref<80x128xf32, #tpu.memory_space<vmem>>) dst(%dma_wait3A_256 : memref<80x128xf32, #tpu.memory_space<hbm>>)
      tpu.yield
    }) : () -> ()
    %mul3A_79 = arith.constant 2000 : i32
    %mul3A_80 = arith.muli %add3A, %mul3A_79 : i32
    %add3A_81 = arith.constant 640 : i32
    %add3A_82 = arith.addi %mul3A_80, %add3A_81 : i32
    "tpu.region"() ({
      %run_scoped3A = tpu.sem_alloc : memref<!tpu.dma_semaphore, #tpu.memory_space<semaphore_mem>>
      %dma_start3A_249 = tpu.memref_slice %arg3[%add3A_82] : memref<64000xi32, #tpu.memory_space<hbm>> -> memref<80xi32, #tpu.memory_space<hbm>>
      %dma_start3A_250 = tpu.memref_slice %arg3[%add3A_82] : memref<64000xi32, #tpu.memory_space<hbm>> -> memref<80xi32, #tpu.memory_space<hbm>>
      tpu.enqueue_dma source(%dma_start3A_250 : memref<80xi32, #tpu.memory_space<hbm>>) target(%arg5 : memref<80xi32, #tpu.memory_space<vmem>>) target_semaphore(%run_scoped3A : memref<!tpu.dma_semaphore, #tpu.memory_space<semaphore_mem>>)
      %dma_wait3A_251 = tpu.memref_slice %arg3[%add3A_82] : memref<64000xi32, #tpu.memory_space<hbm>> -> memref<80xi32, #tpu.memory_space<hbm>>
      %dma_wait3A_252 = tpu.memref_slice %arg3[%add3A_82] : memref<64000xi32, #tpu.memory_space<hbm>> -> memref<80xi32, #tpu.memory_space<hbm>>
      tpu.wait_dma2 semaphore(%run_scoped3A : memref<!tpu.dma_semaphore, #tpu.memory_space<semaphore_mem>>) src(%dma_wait3A_252 : memref<80xi32, #tpu.memory_space<hbm>>) dst(%arg5 : memref<80xi32, #tpu.memory_space<vmem>>)
      tpu.yield
    }) : () -> ()
    %dma_start3A_83 = arith.constant 0 : i32
    %dma_start3A_84 = arith.constant 0 : i32
    %dma_start3A_85 = tpu.memref_slice %arg2[%dma_start3A_83, %dma_start3A_84] : memref<501760x128xf32, #tpu.memory_space<hbm>> -> memref<501760x128xf32, #tpu.memory_space<hbm>>
    tpu.enqueue_indirect_dma source(%dma_start3A_85 : memref<501760x128xf32, #tpu.memory_space<hbm>>) target(%arg6 : memref<80x128xf32, #tpu.memory_space<vmem>>) offsets(%arg5 : memref<80xi32, #tpu.memory_space<vmem>>) semaphore(%arg7 : memref<!tpu.dma_semaphore, #tpu.memory_space<semaphore_mem>>)
    %dma_wait3A_86 = arith.constant 0 : i32
    %dma_wait3A_87 = arith.constant 0 : i32
    %dma_wait3A_88 = tpu.memref_slice %arg2[%dma_wait3A_86, %dma_wait3A_87] : memref<501760x128xf32, #tpu.memory_space<hbm>> -> memref<501760x128xf32, #tpu.memory_space<hbm>>
    tpu.wait_indirect_dma semaphore(%arg7 : memref<!tpu.dma_semaphore, #tpu.memory_space<semaphore_mem>>) src(%dma_wait3A_88 : memref<501760x128xf32, #tpu.memory_space<hbm>>) dst(%arg6 : memref<80x128xf32, #tpu.memory_space<vmem>>)
    "tpu.region"() ({
      %run_scoped3A = tpu.sem_alloc : memref<!tpu.dma_semaphore, #tpu.memory_space<semaphore_mem>>
      %dma_start3A_249 = arith.constant 0 : i32
      %dma_start3A_250 = tpu.memref_slice %arg4[%add3A_82, %dma_start3A_249] : memref<64000x128xf32, #tpu.memory_space<hbm>> -> memref<80x128xf32, #tpu.memory_space<hbm>>
      %dma_start3A_251 = arith.constant 0 : i32
      %dma_start3A_252 = tpu.memref_slice %arg4[%add3A_82, %dma_start3A_251] : memref<64000x128xf32, #tpu.memory_space<hbm>> -> memref<80x128xf32, #tpu.memory_space<hbm>>
      tpu.enqueue_dma source(%arg6 : memref<80x128xf32, #tpu.memory_space<vmem>>) target(%dma_start3A_252 : memref<80x128xf32, #tpu.memory_space<hbm>>) target_semaphore(%run_scoped3A : memref<!tpu.dma_semaphore, #tpu.memory_space<semaphore_mem>>)
      %dma_wait3A_253 = arith.constant 0 : i32
      %dma_wait3A_254 = tpu.memref_slice %arg4[%add3A_82, %dma_wait3A_253] : memref<64000x128xf32, #tpu.memory_space<hbm>> -> memref<80x128xf32, #tpu.memory_space<hbm>>
      %dma_wait3A_255 = arith.constant 0 : i32
      %dma_wait3A_256 = tpu.memref_slice %arg4[%add3A_82, %dma_wait3A_255] : memref<64000x128xf32, #tpu.memory_space<hbm>> -> memref<80x128xf32, #tpu.memory_space<hbm>>
      tpu.wait_dma2 semaphore(%run_scoped3A : memref<!tpu.dma_semaphore, #tpu.memory_space<semaphore_mem>>) src(%arg6 : memref<80x128xf32, #tpu.memory_space<vmem>>) dst(%dma_wait3A_256 : memref<80x128xf32, #tpu.memory_space<hbm>>)
      tpu.yield
    }) : () -> ()
    %mul3A_89 = arith.constant 2000 : i32
    %mul3A_90 = arith.muli %add3A, %mul3A_89 : i32
    %add3A_91 = arith.constant 720 : i32
    %add3A_92 = arith.addi %mul3A_90, %add3A_91 : i32
    "tpu.region"() ({
      %run_scoped3A = tpu.sem_alloc : memref<!tpu.dma_semaphore, #tpu.memory_space<semaphore_mem>>
      %dma_start3A_249 = tpu.memref_slice %arg3[%add3A_92] : memref<64000xi32, #tpu.memory_space<hbm>> -> memref<80xi32, #tpu.memory_space<hbm>>
      %dma_start3A_250 = tpu.memref_slice %arg3[%add3A_92] : memref<64000xi32, #tpu.memory_space<hbm>> -> memref<80xi32, #tpu.memory_space<hbm>>
      tpu.enqueue_dma source(%dma_start3A_250 : memref<80xi32, #tpu.memory_space<hbm>>) target(%arg5 : memref<80xi32, #tpu.memory_space<vmem>>) target_semaphore(%run_scoped3A : memref<!tpu.dma_semaphore, #tpu.memory_space<semaphore_mem>>)
      %dma_wait3A_251 = tpu.memref_slice %arg3[%add3A_92] : memref<64000xi32, #tpu.memory_space<hbm>> -> memref<80xi32, #tpu.memory_space<hbm>>
      %dma_wait3A_252 = tpu.memref_slice %arg3[%add3A_92] : memref<64000xi32, #tpu.memory_space<hbm>> -> memref<80xi32, #tpu.memory_space<hbm>>
      tpu.wait_dma2 semaphore(%run_scoped3A : memref<!tpu.dma_semaphore, #tpu.memory_space<semaphore_mem>>) src(%dma_wait3A_252 : memref<80xi32, #tpu.memory_space<hbm>>) dst(%arg5 : memref<80xi32, #tpu.memory_space<vmem>>)
      tpu.yield
    }) : () -> ()
    %dma_start3A_93 = arith.constant 0 : i32
    %dma_start3A_94 = arith.constant 0 : i32
    %dma_start3A_95 = tpu.memref_slice %arg2[%dma_start3A_93, %dma_start3A_94] : memref<501760x128xf32, #tpu.memory_space<hbm>> -> memref<501760x128xf32, #tpu.memory_space<hbm>>
    tpu.enqueue_indirect_dma source(%dma_start3A_95 : memref<501760x128xf32, #tpu.memory_space<hbm>>) target(%arg6 : memref<80x128xf32, #tpu.memory_space<vmem>>) offsets(%arg5 : memref<80xi32, #tpu.memory_space<vmem>>) semaphore(%arg7 : memref<!tpu.dma_semaphore, #tpu.memory_space<semaphore_mem>>)
    %dma_wait3A_96 = arith.constant 0 : i32
    %dma_wait3A_97 = arith.constant 0 : i32
    %dma_wait3A_98 = tpu.memref_slice %arg2[%dma_wait3A_96, %dma_wait3A_97] : memref<501760x128xf32, #tpu.memory_space<hbm>> -> memref<501760x128xf32, #tpu.memory_space<hbm>>
    tpu.wait_indirect_dma semaphore(%arg7 : memref<!tpu.dma_semaphore, #tpu.memory_space<semaphore_mem>>) src(%dma_wait3A_98 : memref<501760x128xf32, #tpu.memory_space<hbm>>) dst(%arg6 : memref<80x128xf32, #tpu.memory_space<vmem>>)
    "tpu.region"() ({
      %run_scoped3A = tpu.sem_alloc : memref<!tpu.dma_semaphore, #tpu.memory_space<semaphore_mem>>
      %dma_start3A_249 = arith.constant 0 : i32
      %dma_start3A_250 = tpu.memref_slice %arg4[%add3A_92, %dma_start3A_249] : memref<64000x128xf32, #tpu.memory_space<hbm>> -> memref<80x128xf32, #tpu.memory_space<hbm>>
      %dma_start3A_251 = arith.constant 0 : i32
      %dma_start3A_252 = tpu.memref_slice %arg4[%add3A_92, %dma_start3A_251] : memref<64000x128xf32, #tpu.memory_space<hbm>> -> memref<80x128xf32, #tpu.memory_space<hbm>>
      tpu.enqueue_dma source(%arg6 : memref<80x128xf32, #tpu.memory_space<vmem>>) target(%dma_start3A_252 : memref<80x128xf32, #tpu.memory_space<hbm>>) target_semaphore(%run_scoped3A : memref<!tpu.dma_semaphore, #tpu.memory_space<semaphore_mem>>)
      %dma_wait3A_253 = arith.constant 0 : i32
      %dma_wait3A_254 = tpu.memref_slice %arg4[%add3A_92, %dma_wait3A_253] : memref<64000x128xf32, #tpu.memory_space<hbm>> -> memref<80x128xf32, #tpu.memory_space<hbm>>
      %dma_wait3A_255 = arith.constant 0 : i32
      %dma_wait3A_256 = tpu.memref_slice %arg4[%add3A_92, %dma_wait3A_255] : memref<64000x128xf32, #tpu.memory_space<hbm>> -> memref<80x128xf32, #tpu.memory_space<hbm>>
      tpu.wait_dma2 semaphore(%run_scoped3A : memref<!tpu.dma_semaphore, #tpu.memory_space<semaphore_mem>>) src(%arg6 : memref<80x128xf32, #tpu.memory_space<vmem>>) dst(%dma_wait3A_256 : memref<80x128xf32, #tpu.memory_space<hbm>>)
      tpu.yield
    }) : () -> ()
    %mul3A_99 = arith.constant 2000 : i32
    %mul3A_100 = arith.muli %add3A, %mul3A_99 : i32
    %add3A_101 = arith.constant 800 : i32
    %add3A_102 = arith.addi %mul3A_100, %add3A_101 : i32
    "tpu.region"() ({
      %run_scoped3A = tpu.sem_alloc : memref<!tpu.dma_semaphore, #tpu.memory_space<semaphore_mem>>
      %dma_start3A_249 = tpu.memref_slice %arg3[%add3A_102] : memref<64000xi32, #tpu.memory_space<hbm>> -> memref<80xi32, #tpu.memory_space<hbm>>
      %dma_start3A_250 = tpu.memref_slice %arg3[%add3A_102] : memref<64000xi32, #tpu.memory_space<hbm>> -> memref<80xi32, #tpu.memory_space<hbm>>
      tpu.enqueue_dma source(%dma_start3A_250 : memref<80xi32, #tpu.memory_space<hbm>>) target(%arg5 : memref<80xi32, #tpu.memory_space<vmem>>) target_semaphore(%run_scoped3A : memref<!tpu.dma_semaphore, #tpu.memory_space<semaphore_mem>>)
      %dma_wait3A_251 = tpu.memref_slice %arg3[%add3A_102] : memref<64000xi32, #tpu.memory_space<hbm>> -> memref<80xi32, #tpu.memory_space<hbm>>
      %dma_wait3A_252 = tpu.memref_slice %arg3[%add3A_102] : memref<64000xi32, #tpu.memory_space<hbm>> -> memref<80xi32, #tpu.memory_space<hbm>>
      tpu.wait_dma2 semaphore(%run_scoped3A : memref<!tpu.dma_semaphore, #tpu.memory_space<semaphore_mem>>) src(%dma_wait3A_252 : memref<80xi32, #tpu.memory_space<hbm>>) dst(%arg5 : memref<80xi32, #tpu.memory_space<vmem>>)
      tpu.yield
    }) : () -> ()
    %dma_start3A_103 = arith.constant 0 : i32
    %dma_start3A_104 = arith.constant 0 : i32
    %dma_start3A_105 = tpu.memref_slice %arg2[%dma_start3A_103, %dma_start3A_104] : memref<501760x128xf32, #tpu.memory_space<hbm>> -> memref<501760x128xf32, #tpu.memory_space<hbm>>
    tpu.enqueue_indirect_dma source(%dma_start3A_105 : memref<501760x128xf32, #tpu.memory_space<hbm>>) target(%arg6 : memref<80x128xf32, #tpu.memory_space<vmem>>) offsets(%arg5 : memref<80xi32, #tpu.memory_space<vmem>>) semaphore(%arg7 : memref<!tpu.dma_semaphore, #tpu.memory_space<semaphore_mem>>)
    %dma_wait3A_106 = arith.constant 0 : i32
    %dma_wait3A_107 = arith.constant 0 : i32
    %dma_wait3A_108 = tpu.memref_slice %arg2[%dma_wait3A_106, %dma_wait3A_107] : memref<501760x128xf32, #tpu.memory_space<hbm>> -> memref<501760x128xf32, #tpu.memory_space<hbm>>
    tpu.wait_indirect_dma semaphore(%arg7 : memref<!tpu.dma_semaphore, #tpu.memory_space<semaphore_mem>>) src(%dma_wait3A_108 : memref<501760x128xf32, #tpu.memory_space<hbm>>) dst(%arg6 : memref<80x128xf32, #tpu.memory_space<vmem>>)
    "tpu.region"() ({
      %run_scoped3A = tpu.sem_alloc : memref<!tpu.dma_semaphore, #tpu.memory_space<semaphore_mem>>
      %dma_start3A_249 = arith.constant 0 : i32
      %dma_start3A_250 = tpu.memref_slice %arg4[%add3A_102, %dma_start3A_249] : memref<64000x128xf32, #tpu.memory_space<hbm>> -> memref<80x128xf32, #tpu.memory_space<hbm>>
      %dma_start3A_251 = arith.constant 0 : i32
      %dma_start3A_252 = tpu.memref_slice %arg4[%add3A_102, %dma_start3A_251] : memref<64000x128xf32, #tpu.memory_space<hbm>> -> memref<80x128xf32, #tpu.memory_space<hbm>>
      tpu.enqueue_dma source(%arg6 : memref<80x128xf32, #tpu.memory_space<vmem>>) target(%dma_start3A_252 : memref<80x128xf32, #tpu.memory_space<hbm>>) target_semaphore(%run_scoped3A : memref<!tpu.dma_semaphore, #tpu.memory_space<semaphore_mem>>)
      %dma_wait3A_253 = arith.constant 0 : i32
      %dma_wait3A_254 = tpu.memref_slice %arg4[%add3A_102, %dma_wait3A_253] : memref<64000x128xf32, #tpu.memory_space<hbm>> -> memref<80x128xf32, #tpu.memory_space<hbm>>
      %dma_wait3A_255 = arith.constant 0 : i32
      %dma_wait3A_256 = tpu.memref_slice %arg4[%add3A_102, %dma_wait3A_255] : memref<64000x128xf32, #tpu.memory_space<hbm>> -> memref<80x128xf32, #tpu.memory_space<hbm>>
      tpu.wait_dma2 semaphore(%run_scoped3A : memref<!tpu.dma_semaphore, #tpu.memory_space<semaphore_mem>>) src(%arg6 : memref<80x128xf32, #tpu.memory_space<vmem>>) dst(%dma_wait3A_256 : memref<80x128xf32, #tpu.memory_space<hbm>>)
      tpu.yield
    }) : () -> ()
    %mul3A_109 = arith.constant 2000 : i32
    %mul3A_110 = arith.muli %add3A, %mul3A_109 : i32
    %add3A_111 = arith.constant 880 : i32
    %add3A_112 = arith.addi %mul3A_110, %add3A_111 : i32
    "tpu.region"() ({
      %run_scoped3A = tpu.sem_alloc : memref<!tpu.dma_semaphore, #tpu.memory_space<semaphore_mem>>
      %dma_start3A_249 = tpu.memref_slice %arg3[%add3A_112] : memref<64000xi32, #tpu.memory_space<hbm>> -> memref<80xi32, #tpu.memory_space<hbm>>
      %dma_start3A_250 = tpu.memref_slice %arg3[%add3A_112] : memref<64000xi32, #tpu.memory_space<hbm>> -> memref<80xi32, #tpu.memory_space<hbm>>
      tpu.enqueue_dma source(%dma_start3A_250 : memref<80xi32, #tpu.memory_space<hbm>>) target(%arg5 : memref<80xi32, #tpu.memory_space<vmem>>) target_semaphore(%run_scoped3A : memref<!tpu.dma_semaphore, #tpu.memory_space<semaphore_mem>>)
      %dma_wait3A_251 = tpu.memref_slice %arg3[%add3A_112] : memref<64000xi32, #tpu.memory_space<hbm>> -> memref<80xi32, #tpu.memory_space<hbm>>
      %dma_wait3A_252 = tpu.memref_slice %arg3[%add3A_112] : memref<64000xi32, #tpu.memory_space<hbm>> -> memref<80xi32, #tpu.memory_space<hbm>>
      tpu.wait_dma2 semaphore(%run_scoped3A : memref<!tpu.dma_semaphore, #tpu.memory_space<semaphore_mem>>) src(%dma_wait3A_252 : memref<80xi32, #tpu.memory_space<hbm>>) dst(%arg5 : memref<80xi32, #tpu.memory_space<vmem>>)
      tpu.yield
    }) : () -> ()
    %dma_start3A_113 = arith.constant 0 : i32
    %dma_start3A_114 = arith.constant 0 : i32
    %dma_start3A_115 = tpu.memref_slice %arg2[%dma_start3A_113, %dma_start3A_114] : memref<501760x128xf32, #tpu.memory_space<hbm>> -> memref<501760x128xf32, #tpu.memory_space<hbm>>
    tpu.enqueue_indirect_dma source(%dma_start3A_115 : memref<501760x128xf32, #tpu.memory_space<hbm>>) target(%arg6 : memref<80x128xf32, #tpu.memory_space<vmem>>) offsets(%arg5 : memref<80xi32, #tpu.memory_space<vmem>>) semaphore(%arg7 : memref<!tpu.dma_semaphore, #tpu.memory_space<semaphore_mem>>)
    %dma_wait3A_116 = arith.constant 0 : i32
    %dma_wait3A_117 = arith.constant 0 : i32
    %dma_wait3A_118 = tpu.memref_slice %arg2[%dma_wait3A_116, %dma_wait3A_117] : memref<501760x128xf32, #tpu.memory_space<hbm>> -> memref<501760x128xf32, #tpu.memory_space<hbm>>
    tpu.wait_indirect_dma semaphore(%arg7 : memref<!tpu.dma_semaphore, #tpu.memory_space<semaphore_mem>>) src(%dma_wait3A_118 : memref<501760x128xf32, #tpu.memory_space<hbm>>) dst(%arg6 : memref<80x128xf32, #tpu.memory_space<vmem>>)
    "tpu.region"() ({
      %run_scoped3A = tpu.sem_alloc : memref<!tpu.dma_semaphore, #tpu.memory_space<semaphore_mem>>
      %dma_start3A_249 = arith.constant 0 : i32
      %dma_start3A_250 = tpu.memref_slice %arg4[%add3A_112, %dma_start3A_249] : memref<64000x128xf32, #tpu.memory_space<hbm>> -> memref<80x128xf32, #tpu.memory_space<hbm>>
      %dma_start3A_251 = arith.constant 0 : i32
      %dma_start3A_252 = tpu.memref_slice %arg4[%add3A_112, %dma_start3A_251] : memref<64000x128xf32, #tpu.memory_space<hbm>> -> memref<80x128xf32, #tpu.memory_space<hbm>>
      tpu.enqueue_dma source(%arg6 : memref<80x128xf32, #tpu.memory_space<vmem>>) target(%dma_start3A_252 : memref<80x128xf32, #tpu.memory_space<hbm>>) target_semaphore(%run_scoped3A : memref<!tpu.dma_semaphore, #tpu.memory_space<semaphore_mem>>)
      %dma_wait3A_253 = arith.constant 0 : i32
      %dma_wait3A_254 = tpu.memref_slice %arg4[%add3A_112, %dma_wait3A_253] : memref<64000x128xf32, #tpu.memory_space<hbm>> -> memref<80x128xf32, #tpu.memory_space<hbm>>
      %dma_wait3A_255 = arith.constant 0 : i32
      %dma_wait3A_256 = tpu.memref_slice %arg4[%add3A_112, %dma_wait3A_255] : memref<64000x128xf32, #tpu.memory_space<hbm>> -> memref<80x128xf32, #tpu.memory_space<hbm>>
      tpu.wait_dma2 semaphore(%run_scoped3A : memref<!tpu.dma_semaphore, #tpu.memory_space<semaphore_mem>>) src(%arg6 : memref<80x128xf32, #tpu.memory_space<vmem>>) dst(%dma_wait3A_256 : memref<80x128xf32, #tpu.memory_space<hbm>>)
      tpu.yield
    }) : () -> ()
    %mul3A_119 = arith.constant 2000 : i32
    %mul3A_120 = arith.muli %add3A, %mul3A_119 : i32
    %add3A_121 = arith.constant 960 : i32
    %add3A_122 = arith.addi %mul3A_120, %add3A_121 : i32
    "tpu.region"() ({
      %run_scoped3A = tpu.sem_alloc : memref<!tpu.dma_semaphore, #tpu.memory_space<semaphore_mem>>
      %dma_start3A_249 = tpu.memref_slice %arg3[%add3A_122] : memref<64000xi32, #tpu.memory_space<hbm>> -> memref<80xi32, #tpu.memory_space<hbm>>
      %dma_start3A_250 = tpu.memref_slice %arg3[%add3A_122] : memref<64000xi32, #tpu.memory_space<hbm>> -> memref<80xi32, #tpu.memory_space<hbm>>
      tpu.enqueue_dma source(%dma_start3A_250 : memref<80xi32, #tpu.memory_space<hbm>>) target(%arg5 : memref<80xi32, #tpu.memory_space<vmem>>) target_semaphore(%run_scoped3A : memref<!tpu.dma_semaphore, #tpu.memory_space<semaphore_mem>>)
      %dma_wait3A_251 = tpu.memref_slice %arg3[%add3A_122] : memref<64000xi32, #tpu.memory_space<hbm>> -> memref<80xi32, #tpu.memory_space<hbm>>
      %dma_wait3A_252 = tpu.memref_slice %arg3[%add3A_122] : memref<64000xi32, #tpu.memory_space<hbm>> -> memref<80xi32, #tpu.memory_space<hbm>>
      tpu.wait_dma2 semaphore(%run_scoped3A : memref<!tpu.dma_semaphore, #tpu.memory_space<semaphore_mem>>) src(%dma_wait3A_252 : memref<80xi32, #tpu.memory_space<hbm>>) dst(%arg5 : memref<80xi32, #tpu.memory_space<vmem>>)
      tpu.yield
    }) : () -> ()
    %dma_start3A_123 = arith.constant 0 : i32
    %dma_start3A_124 = arith.constant 0 : i32
    %dma_start3A_125 = tpu.memref_slice %arg2[%dma_start3A_123, %dma_start3A_124] : memref<501760x128xf32, #tpu.memory_space<hbm>> -> memref<501760x128xf32, #tpu.memory_space<hbm>>
    tpu.enqueue_indirect_dma source(%dma_start3A_125 : memref<501760x128xf32, #tpu.memory_space<hbm>>) target(%arg6 : memref<80x128xf32, #tpu.memory_space<vmem>>) offsets(%arg5 : memref<80xi32, #tpu.memory_space<vmem>>) semaphore(%arg7 : memref<!tpu.dma_semaphore, #tpu.memory_space<semaphore_mem>>)
    %dma_wait3A_126 = arith.constant 0 : i32
    %dma_wait3A_127 = arith.constant 0 : i32
    %dma_wait3A_128 = tpu.memref_slice %arg2[%dma_wait3A_126, %dma_wait3A_127] : memref<501760x128xf32, #tpu.memory_space<hbm>> -> memref<501760x128xf32, #tpu.memory_space<hbm>>
    tpu.wait_indirect_dma semaphore(%arg7 : memref<!tpu.dma_semaphore, #tpu.memory_space<semaphore_mem>>) src(%dma_wait3A_128 : memref<501760x128xf32, #tpu.memory_space<hbm>>) dst(%arg6 : memref<80x128xf32, #tpu.memory_space<vmem>>)
    "tpu.region"() ({
      %run_scoped3A = tpu.sem_alloc : memref<!tpu.dma_semaphore, #tpu.memory_space<semaphore_mem>>
      %dma_start3A_249 = arith.constant 0 : i32
      %dma_start3A_250 = tpu.memref_slice %arg4[%add3A_122, %dma_start3A_249] : memref<64000x128xf32, #tpu.memory_space<hbm>> -> memref<80x128xf32, #tpu.memory_space<hbm>>
      %dma_start3A_251 = arith.constant 0 : i32
      %dma_start3A_252 = tpu.memref_slice %arg4[%add3A_122, %dma_start3A_251] : memref<64000x128xf32, #tpu.memory_space<hbm>> -> memref<80x128xf32, #tpu.memory_space<hbm>>
      tpu.enqueue_dma source(%arg6 : memref<80x128xf32, #tpu.memory_space<vmem>>) target(%dma_start3A_252 : memref<80x128xf32, #tpu.memory_space<hbm>>) target_semaphore(%run_scoped3A : memref<!tpu.dma_semaphore, #tpu.memory_space<semaphore_mem>>)
      %dma_wait3A_253 = arith.constant 0 : i32
      %dma_wait3A_254 = tpu.memref_slice %arg4[%add3A_122, %dma_wait3A_253] : memref<64000x128xf32, #tpu.memory_space<hbm>> -> memref<80x128xf32, #tpu.memory_space<hbm>>
      %dma_wait3A_255 = arith.constant 0 : i32
      %dma_wait3A_256 = tpu.memref_slice %arg4[%add3A_122, %dma_wait3A_255] : memref<64000x128xf32, #tpu.memory_space<hbm>> -> memref<80x128xf32, #tpu.memory_space<hbm>>
      tpu.wait_dma2 semaphore(%run_scoped3A : memref<!tpu.dma_semaphore, #tpu.memory_space<semaphore_mem>>) src(%arg6 : memref<80x128xf32, #tpu.memory_space<vmem>>) dst(%dma_wait3A_256 : memref<80x128xf32, #tpu.memory_space<hbm>>)
      tpu.yield
    }) : () -> ()
    %mul3A_129 = arith.constant 2000 : i32
    %mul3A_130 = arith.muli %add3A, %mul3A_129 : i32
    %add3A_131 = arith.constant 1040 : i32
    %add3A_132 = arith.addi %mul3A_130, %add3A_131 : i32
    "tpu.region"() ({
      %run_scoped3A = tpu.sem_alloc : memref<!tpu.dma_semaphore, #tpu.memory_space<semaphore_mem>>
      %dma_start3A_249 = tpu.memref_slice %arg3[%add3A_132] : memref<64000xi32, #tpu.memory_space<hbm>> -> memref<80xi32, #tpu.memory_space<hbm>>
      %dma_start3A_250 = tpu.memref_slice %arg3[%add3A_132] : memref<64000xi32, #tpu.memory_space<hbm>> -> memref<80xi32, #tpu.memory_space<hbm>>
      tpu.enqueue_dma source(%dma_start3A_250 : memref<80xi32, #tpu.memory_space<hbm>>) target(%arg5 : memref<80xi32, #tpu.memory_space<vmem>>) target_semaphore(%run_scoped3A : memref<!tpu.dma_semaphore, #tpu.memory_space<semaphore_mem>>)
      %dma_wait3A_251 = tpu.memref_slice %arg3[%add3A_132] : memref<64000xi32, #tpu.memory_space<hbm>> -> memref<80xi32, #tpu.memory_space<hbm>>
      %dma_wait3A_252 = tpu.memref_slice %arg3[%add3A_132] : memref<64000xi32, #tpu.memory_space<hbm>> -> memref<80xi32, #tpu.memory_space<hbm>>
      tpu.wait_dma2 semaphore(%run_scoped3A : memref<!tpu.dma_semaphore, #tpu.memory_space<semaphore_mem>>) src(%dma_wait3A_252 : memref<80xi32, #tpu.memory_space<hbm>>) dst(%arg5 : memref<80xi32, #tpu.memory_space<vmem>>)
      tpu.yield
    }) : () -> ()
    %dma_start3A_133 = arith.constant 0 : i32
    %dma_start3A_134 = arith.constant 0 : i32
    %dma_start3A_135 = tpu.memref_slice %arg2[%dma_start3A_133, %dma_start3A_134] : memref<501760x128xf32, #tpu.memory_space<hbm>> -> memref<501760x128xf32, #tpu.memory_space<hbm>>
    tpu.enqueue_indirect_dma source(%dma_start3A_135 : memref<501760x128xf32, #tpu.memory_space<hbm>>) target(%arg6 : memref<80x128xf32, #tpu.memory_space<vmem>>) offsets(%arg5 : memref<80xi32, #tpu.memory_space<vmem>>) semaphore(%arg7 : memref<!tpu.dma_semaphore, #tpu.memory_space<semaphore_mem>>)
    %dma_wait3A_136 = arith.constant 0 : i32
    %dma_wait3A_137 = arith.constant 0 : i32
    %dma_wait3A_138 = tpu.memref_slice %arg2[%dma_wait3A_136, %dma_wait3A_137] : memref<501760x128xf32, #tpu.memory_space<hbm>> -> memref<501760x128xf32, #tpu.memory_space<hbm>>
    tpu.wait_indirect_dma semaphore(%arg7 : memref<!tpu.dma_semaphore, #tpu.memory_space<semaphore_mem>>) src(%dma_wait3A_138 : memref<501760x128xf32, #tpu.memory_space<hbm>>) dst(%arg6 : memref<80x128xf32, #tpu.memory_space<vmem>>)
    "tpu.region"() ({
      %run_scoped3A = tpu.sem_alloc : memref<!tpu.dma_semaphore, #tpu.memory_space<semaphore_mem>>
      %dma_start3A_249 = arith.constant 0 : i32
      %dma_start3A_250 = tpu.memref_slice %arg4[%add3A_132, %dma_start3A_249] : memref<64000x128xf32, #tpu.memory_space<hbm>> -> memref<80x128xf32, #tpu.memory_space<hbm>>
      %dma_start3A_251 = arith.constant 0 : i32
      %dma_start3A_252 = tpu.memref_slice %arg4[%add3A_132, %dma_start3A_251] : memref<64000x128xf32, #tpu.memory_space<hbm>> -> memref<80x128xf32, #tpu.memory_space<hbm>>
      tpu.enqueue_dma source(%arg6 : memref<80x128xf32, #tpu.memory_space<vmem>>) target(%dma_start3A_252 : memref<80x128xf32, #tpu.memory_space<hbm>>) target_semaphore(%run_scoped3A : memref<!tpu.dma_semaphore, #tpu.memory_space<semaphore_mem>>)
      %dma_wait3A_253 = arith.constant 0 : i32
      %dma_wait3A_254 = tpu.memref_slice %arg4[%add3A_132, %dma_wait3A_253] : memref<64000x128xf32, #tpu.memory_space<hbm>> -> memref<80x128xf32, #tpu.memory_space<hbm>>
      %dma_wait3A_255 = arith.constant 0 : i32
      %dma_wait3A_256 = tpu.memref_slice %arg4[%add3A_132, %dma_wait3A_255] : memref<64000x128xf32, #tpu.memory_space<hbm>> -> memref<80x128xf32, #tpu.memory_space<hbm>>
      tpu.wait_dma2 semaphore(%run_scoped3A : memref<!tpu.dma_semaphore, #tpu.memory_space<semaphore_mem>>) src(%arg6 : memref<80x128xf32, #tpu.memory_space<vmem>>) dst(%dma_wait3A_256 : memref<80x128xf32, #tpu.memory_space<hbm>>)
      tpu.yield
    }) : () -> ()
    %mul3A_139 = arith.constant 2000 : i32
    %mul3A_140 = arith.muli %add3A, %mul3A_139 : i32
    %add3A_141 = arith.constant 1120 : i32
    %add3A_142 = arith.addi %mul3A_140, %add3A_141 : i32
    "tpu.region"() ({
      %run_scoped3A = tpu.sem_alloc : memref<!tpu.dma_semaphore, #tpu.memory_space<semaphore_mem>>
      %dma_start3A_249 = tpu.memref_slice %arg3[%add3A_142] : memref<64000xi32, #tpu.memory_space<hbm>> -> memref<80xi32, #tpu.memory_space<hbm>>
      %dma_start3A_250 = tpu.memref_slice %arg3[%add3A_142] : memref<64000xi32, #tpu.memory_space<hbm>> -> memref<80xi32, #tpu.memory_space<hbm>>
      tpu.enqueue_dma source(%dma_start3A_250 : memref<80xi32, #tpu.memory_space<hbm>>) target(%arg5 : memref<80xi32, #tpu.memory_space<vmem>>) target_semaphore(%run_scoped3A : memref<!tpu.dma_semaphore, #tpu.memory_space<semaphore_mem>>)
      %dma_wait3A_251 = tpu.memref_slice %arg3[%add3A_142] : memref<64000xi32, #tpu.memory_space<hbm>> -> memref<80xi32, #tpu.memory_space<hbm>>
      %dma_wait3A_252 = tpu.memref_slice %arg3[%add3A_142] : memref<64000xi32, #tpu.memory_space<hbm>> -> memref<80xi32, #tpu.memory_space<hbm>>
      tpu.wait_dma2 semaphore(%run_scoped3A : memref<!tpu.dma_semaphore, #tpu.memory_space<semaphore_mem>>) src(%dma_wait3A_252 : memref<80xi32, #tpu.memory_space<hbm>>) dst(%arg5 : memref<80xi32, #tpu.memory_space<vmem>>)
      tpu.yield
    }) : () -> ()
    %dma_start3A_143 = arith.constant 0 : i32
    %dma_start3A_144 = arith.constant 0 : i32
    %dma_start3A_145 = tpu.memref_slice %arg2[%dma_start3A_143, %dma_start3A_144] : memref<501760x128xf32, #tpu.memory_space<hbm>> -> memref<501760x128xf32, #tpu.memory_space<hbm>>
    tpu.enqueue_indirect_dma source(%dma_start3A_145 : memref<501760x128xf32, #tpu.memory_space<hbm>>) target(%arg6 : memref<80x128xf32, #tpu.memory_space<vmem>>) offsets(%arg5 : memref<80xi32, #tpu.memory_space<vmem>>) semaphore(%arg7 : memref<!tpu.dma_semaphore, #tpu.memory_space<semaphore_mem>>)
    %dma_wait3A_146 = arith.constant 0 : i32
    %dma_wait3A_147 = arith.constant 0 : i32
    %dma_wait3A_148 = tpu.memref_slice %arg2[%dma_wait3A_146, %dma_wait3A_147] : memref<501760x128xf32, #tpu.memory_space<hbm>> -> memref<501760x128xf32, #tpu.memory_space<hbm>>
    tpu.wait_indirect_dma semaphore(%arg7 : memref<!tpu.dma_semaphore, #tpu.memory_space<semaphore_mem>>) src(%dma_wait3A_148 : memref<501760x128xf32, #tpu.memory_space<hbm>>) dst(%arg6 : memref<80x128xf32, #tpu.memory_space<vmem>>)
    "tpu.region"() ({
      %run_scoped3A = tpu.sem_alloc : memref<!tpu.dma_semaphore, #tpu.memory_space<semaphore_mem>>
      %dma_start3A_249 = arith.constant 0 : i32
      %dma_start3A_250 = tpu.memref_slice %arg4[%add3A_142, %dma_start3A_249] : memref<64000x128xf32, #tpu.memory_space<hbm>> -> memref<80x128xf32, #tpu.memory_space<hbm>>
      %dma_start3A_251 = arith.constant 0 : i32
      %dma_start3A_252 = tpu.memref_slice %arg4[%add3A_142, %dma_start3A_251] : memref<64000x128xf32, #tpu.memory_space<hbm>> -> memref<80x128xf32, #tpu.memory_space<hbm>>
      tpu.enqueue_dma source(%arg6 : memref<80x128xf32, #tpu.memory_space<vmem>>) target(%dma_start3A_252 : memref<80x128xf32, #tpu.memory_space<hbm>>) target_semaphore(%run_scoped3A : memref<!tpu.dma_semaphore, #tpu.memory_space<semaphore_mem>>)
      %dma_wait3A_253 = arith.constant 0 : i32
      %dma_wait3A_254 = tpu.memref_slice %arg4[%add3A_142, %dma_wait3A_253] : memref<64000x128xf32, #tpu.memory_space<hbm>> -> memref<80x128xf32, #tpu.memory_space<hbm>>
      %dma_wait3A_255 = arith.constant 0 : i32
      %dma_wait3A_256 = tpu.memref_slice %arg4[%add3A_142, %dma_wait3A_255] : memref<64000x128xf32, #tpu.memory_space<hbm>> -> memref<80x128xf32, #tpu.memory_space<hbm>>
      tpu.wait_dma2 semaphore(%run_scoped3A : memref<!tpu.dma_semaphore, #tpu.memory_space<semaphore_mem>>) src(%arg6 : memref<80x128xf32, #tpu.memory_space<vmem>>) dst(%dma_wait3A_256 : memref<80x128xf32, #tpu.memory_space<hbm>>)
      tpu.yield
    }) : () -> ()
    %mul3A_149 = arith.constant 2000 : i32
    %mul3A_150 = arith.muli %add3A, %mul3A_149 : i32
    %add3A_151 = arith.constant 1200 : i32
    %add3A_152 = arith.addi %mul3A_150, %add3A_151 : i32
    "tpu.region"() ({
      %run_scoped3A = tpu.sem_alloc : memref<!tpu.dma_semaphore, #tpu.memory_space<semaphore_mem>>
      %dma_start3A_249 = tpu.memref_slice %arg3[%add3A_152] : memref<64000xi32, #tpu.memory_space<hbm>> -> memref<80xi32, #tpu.memory_space<hbm>>
      %dma_start3A_250 = tpu.memref_slice %arg3[%add3A_152] : memref<64000xi32, #tpu.memory_space<hbm>> -> memref<80xi32, #tpu.memory_space<hbm>>
      tpu.enqueue_dma source(%dma_start3A_250 : memref<80xi32, #tpu.memory_space<hbm>>) target(%arg5 : memref<80xi32, #tpu.memory_space<vmem>>) target_semaphore(%run_scoped3A : memref<!tpu.dma_semaphore, #tpu.memory_space<semaphore_mem>>)
      %dma_wait3A_251 = tpu.memref_slice %arg3[%add3A_152] : memref<64000xi32, #tpu.memory_space<hbm>> -> memref<80xi32, #tpu.memory_space<hbm>>
      %dma_wait3A_252 = tpu.memref_slice %arg3[%add3A_152] : memref<64000xi32, #tpu.memory_space<hbm>> -> memref<80xi32, #tpu.memory_space<hbm>>
      tpu.wait_dma2 semaphore(%run_scoped3A : memref<!tpu.dma_semaphore, #tpu.memory_space<semaphore_mem>>) src(%dma_wait3A_252 : memref<80xi32, #tpu.memory_space<hbm>>) dst(%arg5 : memref<80xi32, #tpu.memory_space<vmem>>)
      tpu.yield
    }) : () -> ()
    %dma_start3A_153 = arith.constant 0 : i32
    %dma_start3A_154 = arith.constant 0 : i32
    %dma_start3A_155 = tpu.memref_slice %arg2[%dma_start3A_153, %dma_start3A_154] : memref<501760x128xf32, #tpu.memory_space<hbm>> -> memref<501760x128xf32, #tpu.memory_space<hbm>>
    tpu.enqueue_indirect_dma source(%dma_start3A_155 : memref<501760x128xf32, #tpu.memory_space<hbm>>) target(%arg6 : memref<80x128xf32, #tpu.memory_space<vmem>>) offsets(%arg5 : memref<80xi32, #tpu.memory_space<vmem>>) semaphore(%arg7 : memref<!tpu.dma_semaphore, #tpu.memory_space<semaphore_mem>>)
    %dma_wait3A_156 = arith.constant 0 : i32
    %dma_wait3A_157 = arith.constant 0 : i32
    %dma_wait3A_158 = tpu.memref_slice %arg2[%dma_wait3A_156, %dma_wait3A_157] : memref<501760x128xf32, #tpu.memory_space<hbm>> -> memref<501760x128xf32, #tpu.memory_space<hbm>>
    tpu.wait_indirect_dma semaphore(%arg7 : memref<!tpu.dma_semaphore, #tpu.memory_space<semaphore_mem>>) src(%dma_wait3A_158 : memref<501760x128xf32, #tpu.memory_space<hbm>>) dst(%arg6 : memref<80x128xf32, #tpu.memory_space<vmem>>)
    "tpu.region"() ({
      %run_scoped3A = tpu.sem_alloc : memref<!tpu.dma_semaphore, #tpu.memory_space<semaphore_mem>>
      %dma_start3A_249 = arith.constant 0 : i32
      %dma_start3A_250 = tpu.memref_slice %arg4[%add3A_152, %dma_start3A_249] : memref<64000x128xf32, #tpu.memory_space<hbm>> -> memref<80x128xf32, #tpu.memory_space<hbm>>
      %dma_start3A_251 = arith.constant 0 : i32
      %dma_start3A_252 = tpu.memref_slice %arg4[%add3A_152, %dma_start3A_251] : memref<64000x128xf32, #tpu.memory_space<hbm>> -> memref<80x128xf32, #tpu.memory_space<hbm>>
      tpu.enqueue_dma source(%arg6 : memref<80x128xf32, #tpu.memory_space<vmem>>) target(%dma_start3A_252 : memref<80x128xf32, #tpu.memory_space<hbm>>) target_semaphore(%run_scoped3A : memref<!tpu.dma_semaphore, #tpu.memory_space<semaphore_mem>>)
      %dma_wait3A_253 = arith.constant 0 : i32
      %dma_wait3A_254 = tpu.memref_slice %arg4[%add3A_152, %dma_wait3A_253] : memref<64000x128xf32, #tpu.memory_space<hbm>> -> memref<80x128xf32, #tpu.memory_space<hbm>>
      %dma_wait3A_255 = arith.constant 0 : i32
      %dma_wait3A_256 = tpu.memref_slice %arg4[%add3A_152, %dma_wait3A_255] : memref<64000x128xf32, #tpu.memory_space<hbm>> -> memref<80x128xf32, #tpu.memory_space<hbm>>
      tpu.wait_dma2 semaphore(%run_scoped3A : memref<!tpu.dma_semaphore, #tpu.memory_space<semaphore_mem>>) src(%arg6 : memref<80x128xf32, #tpu.memory_space<vmem>>) dst(%dma_wait3A_256 : memref<80x128xf32, #tpu.memory_space<hbm>>)
      tpu.yield
    }) : () -> ()
    %mul3A_159 = arith.constant 2000 : i32
    %mul3A_160 = arith.muli %add3A, %mul3A_159 : i32
    %add3A_161 = arith.constant 1280 : i32
    %add3A_162 = arith.addi %mul3A_160, %add3A_161 : i32
    "tpu.region"() ({
      %run_scoped3A = tpu.sem_alloc : memref<!tpu.dma_semaphore, #tpu.memory_space<semaphore_mem>>
      %dma_start3A_249 = tpu.memref_slice %arg3[%add3A_162] : memref<64000xi32, #tpu.memory_space<hbm>> -> memref<80xi32, #tpu.memory_space<hbm>>
      %dma_start3A_250 = tpu.memref_slice %arg3[%add3A_162] : memref<64000xi32, #tpu.memory_space<hbm>> -> memref<80xi32, #tpu.memory_space<hbm>>
      tpu.enqueue_dma source(%dma_start3A_250 : memref<80xi32, #tpu.memory_space<hbm>>) target(%arg5 : memref<80xi32, #tpu.memory_space<vmem>>) target_semaphore(%run_scoped3A : memref<!tpu.dma_semaphore, #tpu.memory_space<semaphore_mem>>)
      %dma_wait3A_251 = tpu.memref_slice %arg3[%add3A_162] : memref<64000xi32, #tpu.memory_space<hbm>> -> memref<80xi32, #tpu.memory_space<hbm>>
      %dma_wait3A_252 = tpu.memref_slice %arg3[%add3A_162] : memref<64000xi32, #tpu.memory_space<hbm>> -> memref<80xi32, #tpu.memory_space<hbm>>
      tpu.wait_dma2 semaphore(%run_scoped3A : memref<!tpu.dma_semaphore, #tpu.memory_space<semaphore_mem>>) src(%dma_wait3A_252 : memref<80xi32, #tpu.memory_space<hbm>>) dst(%arg5 : memref<80xi32, #tpu.memory_space<vmem>>)
      tpu.yield
    }) : () -> ()
    %dma_start3A_163 = arith.constant 0 : i32
    %dma_start3A_164 = arith.constant 0 : i32
    %dma_start3A_165 = tpu.memref_slice %arg2[%dma_start3A_163, %dma_start3A_164] : memref<501760x128xf32, #tpu.memory_space<hbm>> -> memref<501760x128xf32, #tpu.memory_space<hbm>>
    tpu.enqueue_indirect_dma source(%dma_start3A_165 : memref<501760x128xf32, #tpu.memory_space<hbm>>) target(%arg6 : memref<80x128xf32, #tpu.memory_space<vmem>>) offsets(%arg5 : memref<80xi32, #tpu.memory_space<vmem>>) semaphore(%arg7 : memref<!tpu.dma_semaphore, #tpu.memory_space<semaphore_mem>>)
    %dma_wait3A_166 = arith.constant 0 : i32
    %dma_wait3A_167 = arith.constant 0 : i32
    %dma_wait3A_168 = tpu.memref_slice %arg2[%dma_wait3A_166, %dma_wait3A_167] : memref<501760x128xf32, #tpu.memory_space<hbm>> -> memref<501760x128xf32, #tpu.memory_space<hbm>>
    tpu.wait_indirect_dma semaphore(%arg7 : memref<!tpu.dma_semaphore, #tpu.memory_space<semaphore_mem>>) src(%dma_wait3A_168 : memref<501760x128xf32, #tpu.memory_space<hbm>>) dst(%arg6 : memref<80x128xf32, #tpu.memory_space<vmem>>)
    "tpu.region"() ({
      %run_scoped3A = tpu.sem_alloc : memref<!tpu.dma_semaphore, #tpu.memory_space<semaphore_mem>>
      %dma_start3A_249 = arith.constant 0 : i32
      %dma_start3A_250 = tpu.memref_slice %arg4[%add3A_162, %dma_start3A_249] : memref<64000x128xf32, #tpu.memory_space<hbm>> -> memref<80x128xf32, #tpu.memory_space<hbm>>
      %dma_start3A_251 = arith.constant 0 : i32
      %dma_start3A_252 = tpu.memref_slice %arg4[%add3A_162, %dma_start3A_251] : memref<64000x128xf32, #tpu.memory_space<hbm>> -> memref<80x128xf32, #tpu.memory_space<hbm>>
      tpu.enqueue_dma source(%arg6 : memref<80x128xf32, #tpu.memory_space<vmem>>) target(%dma_start3A_252 : memref<80x128xf32, #tpu.memory_space<hbm>>) target_semaphore(%run_scoped3A : memref<!tpu.dma_semaphore, #tpu.memory_space<semaphore_mem>>)
      %dma_wait3A_253 = arith.constant 0 : i32
      %dma_wait3A_254 = tpu.memref_slice %arg4[%add3A_162, %dma_wait3A_253] : memref<64000x128xf32, #tpu.memory_space<hbm>> -> memref<80x128xf32, #tpu.memory_space<hbm>>
      %dma_wait3A_255 = arith.constant 0 : i32
      %dma_wait3A_256 = tpu.memref_slice %arg4[%add3A_162, %dma_wait3A_255] : memref<64000x128xf32, #tpu.memory_space<hbm>> -> memref<80x128xf32, #tpu.memory_space<hbm>>
      tpu.wait_dma2 semaphore(%run_scoped3A : memref<!tpu.dma_semaphore, #tpu.memory_space<semaphore_mem>>) src(%arg6 : memref<80x128xf32, #tpu.memory_space<vmem>>) dst(%dma_wait3A_256 : memref<80x128xf32, #tpu.memory_space<hbm>>)
      tpu.yield
    }) : () -> ()
    %mul3A_169 = arith.constant 2000 : i32
    %mul3A_170 = arith.muli %add3A, %mul3A_169 : i32
    %add3A_171 = arith.constant 1360 : i32
    %add3A_172 = arith.addi %mul3A_170, %add3A_171 : i32
    "tpu.region"() ({
      %run_scoped3A = tpu.sem_alloc : memref<!tpu.dma_semaphore, #tpu.memory_space<semaphore_mem>>
      %dma_start3A_249 = tpu.memref_slice %arg3[%add3A_172] : memref<64000xi32, #tpu.memory_space<hbm>> -> memref<80xi32, #tpu.memory_space<hbm>>
      %dma_start3A_250 = tpu.memref_slice %arg3[%add3A_172] : memref<64000xi32, #tpu.memory_space<hbm>> -> memref<80xi32, #tpu.memory_space<hbm>>
      tpu.enqueue_dma source(%dma_start3A_250 : memref<80xi32, #tpu.memory_space<hbm>>) target(%arg5 : memref<80xi32, #tpu.memory_space<vmem>>) target_semaphore(%run_scoped3A : memref<!tpu.dma_semaphore, #tpu.memory_space<semaphore_mem>>)
      %dma_wait3A_251 = tpu.memref_slice %arg3[%add3A_172] : memref<64000xi32, #tpu.memory_space<hbm>> -> memref<80xi32, #tpu.memory_space<hbm>>
      %dma_wait3A_252 = tpu.memref_slice %arg3[%add3A_172] : memref<64000xi32, #tpu.memory_space<hbm>> -> memref<80xi32, #tpu.memory_space<hbm>>
      tpu.wait_dma2 semaphore(%run_scoped3A : memref<!tpu.dma_semaphore, #tpu.memory_space<semaphore_mem>>) src(%dma_wait3A_252 : memref<80xi32, #tpu.memory_space<hbm>>) dst(%arg5 : memref<80xi32, #tpu.memory_space<vmem>>)
      tpu.yield
    }) : () -> ()
    %dma_start3A_173 = arith.constant 0 : i32
    %dma_start3A_174 = arith.constant 0 : i32
    %dma_start3A_175 = tpu.memref_slice %arg2[%dma_start3A_173, %dma_start3A_174] : memref<501760x128xf32, #tpu.memory_space<hbm>> -> memref<501760x128xf32, #tpu.memory_space<hbm>>
    tpu.enqueue_indirect_dma source(%dma_start3A_175 : memref<501760x128xf32, #tpu.memory_space<hbm>>) target(%arg6 : memref<80x128xf32, #tpu.memory_space<vmem>>) offsets(%arg5 : memref<80xi32, #tpu.memory_space<vmem>>) semaphore(%arg7 : memref<!tpu.dma_semaphore, #tpu.memory_space<semaphore_mem>>)
    %dma_wait3A_176 = arith.constant 0 : i32
    %dma_wait3A_177 = arith.constant 0 : i32
    %dma_wait3A_178 = tpu.memref_slice %arg2[%dma_wait3A_176, %dma_wait3A_177] : memref<501760x128xf32, #tpu.memory_space<hbm>> -> memref<501760x128xf32, #tpu.memory_space<hbm>>
    tpu.wait_indirect_dma semaphore(%arg7 : memref<!tpu.dma_semaphore, #tpu.memory_space<semaphore_mem>>) src(%dma_wait3A_178 : memref<501760x128xf32, #tpu.memory_space<hbm>>) dst(%arg6 : memref<80x128xf32, #tpu.memory_space<vmem>>)
    "tpu.region"() ({
      %run_scoped3A = tpu.sem_alloc : memref<!tpu.dma_semaphore, #tpu.memory_space<semaphore_mem>>
      %dma_start3A_249 = arith.constant 0 : i32
      %dma_start3A_250 = tpu.memref_slice %arg4[%add3A_172, %dma_start3A_249] : memref<64000x128xf32, #tpu.memory_space<hbm>> -> memref<80x128xf32, #tpu.memory_space<hbm>>
      %dma_start3A_251 = arith.constant 0 : i32
      %dma_start3A_252 = tpu.memref_slice %arg4[%add3A_172, %dma_start3A_251] : memref<64000x128xf32, #tpu.memory_space<hbm>> -> memref<80x128xf32, #tpu.memory_space<hbm>>
      tpu.enqueue_dma source(%arg6 : memref<80x128xf32, #tpu.memory_space<vmem>>) target(%dma_start3A_252 : memref<80x128xf32, #tpu.memory_space<hbm>>) target_semaphore(%run_scoped3A : memref<!tpu.dma_semaphore, #tpu.memory_space<semaphore_mem>>)
      %dma_wait3A_253 = arith.constant 0 : i32
      %dma_wait3A_254 = tpu.memref_slice %arg4[%add3A_172, %dma_wait3A_253] : memref<64000x128xf32, #tpu.memory_space<hbm>> -> memref<80x128xf32, #tpu.memory_space<hbm>>
      %dma_wait3A_255 = arith.constant 0 : i32
      %dma_wait3A_256 = tpu.memref_slice %arg4[%add3A_172, %dma_wait3A_255] : memref<64000x128xf32, #tpu.memory_space<hbm>> -> memref<80x128xf32, #tpu.memory_space<hbm>>
      tpu.wait_dma2 semaphore(%run_scoped3A : memref<!tpu.dma_semaphore, #tpu.memory_space<semaphore_mem>>) src(%arg6 : memref<80x128xf32, #tpu.memory_space<vmem>>) dst(%dma_wait3A_256 : memref<80x128xf32, #tpu.memory_space<hbm>>)
      tpu.yield
    }) : () -> ()
    %mul3A_179 = arith.constant 2000 : i32
    %mul3A_180 = arith.muli %add3A, %mul3A_179 : i32
    %add3A_181 = arith.constant 1440 : i32
    %add3A_182 = arith.addi %mul3A_180, %add3A_181 : i32
    "tpu.region"() ({
      %run_scoped3A = tpu.sem_alloc : memref<!tpu.dma_semaphore, #tpu.memory_space<semaphore_mem>>
      %dma_start3A_249 = tpu.memref_slice %arg3[%add3A_182] : memref<64000xi32, #tpu.memory_space<hbm>> -> memref<80xi32, #tpu.memory_space<hbm>>
      %dma_start3A_250 = tpu.memref_slice %arg3[%add3A_182] : memref<64000xi32, #tpu.memory_space<hbm>> -> memref<80xi32, #tpu.memory_space<hbm>>
      tpu.enqueue_dma source(%dma_start3A_250 : memref<80xi32, #tpu.memory_space<hbm>>) target(%arg5 : memref<80xi32, #tpu.memory_space<vmem>>) target_semaphore(%run_scoped3A : memref<!tpu.dma_semaphore, #tpu.memory_space<semaphore_mem>>)
      %dma_wait3A_251 = tpu.memref_slice %arg3[%add3A_182] : memref<64000xi32, #tpu.memory_space<hbm>> -> memref<80xi32, #tpu.memory_space<hbm>>
      %dma_wait3A_252 = tpu.memref_slice %arg3[%add3A_182] : memref<64000xi32, #tpu.memory_space<hbm>> -> memref<80xi32, #tpu.memory_space<hbm>>
      tpu.wait_dma2 semaphore(%run_scoped3A : memref<!tpu.dma_semaphore, #tpu.memory_space<semaphore_mem>>) src(%dma_wait3A_252 : memref<80xi32, #tpu.memory_space<hbm>>) dst(%arg5 : memref<80xi32, #tpu.memory_space<vmem>>)
      tpu.yield
    }) : () -> ()
    %dma_start3A_183 = arith.constant 0 : i32
    %dma_start3A_184 = arith.constant 0 : i32
    %dma_start3A_185 = tpu.memref_slice %arg2[%dma_start3A_183, %dma_start3A_184] : memref<501760x128xf32, #tpu.memory_space<hbm>> -> memref<501760x128xf32, #tpu.memory_space<hbm>>
    tpu.enqueue_indirect_dma source(%dma_start3A_185 : memref<501760x128xf32, #tpu.memory_space<hbm>>) target(%arg6 : memref<80x128xf32, #tpu.memory_space<vmem>>) offsets(%arg5 : memref<80xi32, #tpu.memory_space<vmem>>) semaphore(%arg7 : memref<!tpu.dma_semaphore, #tpu.memory_space<semaphore_mem>>)
    %dma_wait3A_186 = arith.constant 0 : i32
    %dma_wait3A_187 = arith.constant 0 : i32
    %dma_wait3A_188 = tpu.memref_slice %arg2[%dma_wait3A_186, %dma_wait3A_187] : memref<501760x128xf32, #tpu.memory_space<hbm>> -> memref<501760x128xf32, #tpu.memory_space<hbm>>
    tpu.wait_indirect_dma semaphore(%arg7 : memref<!tpu.dma_semaphore, #tpu.memory_space<semaphore_mem>>) src(%dma_wait3A_188 : memref<501760x128xf32, #tpu.memory_space<hbm>>) dst(%arg6 : memref<80x128xf32, #tpu.memory_space<vmem>>)
    "tpu.region"() ({
      %run_scoped3A = tpu.sem_alloc : memref<!tpu.dma_semaphore, #tpu.memory_space<semaphore_mem>>
      %dma_start3A_249 = arith.constant 0 : i32
      %dma_start3A_250 = tpu.memref_slice %arg4[%add3A_182, %dma_start3A_249] : memref<64000x128xf32, #tpu.memory_space<hbm>> -> memref<80x128xf32, #tpu.memory_space<hbm>>
      %dma_start3A_251 = arith.constant 0 : i32
      %dma_start3A_252 = tpu.memref_slice %arg4[%add3A_182, %dma_start3A_251] : memref<64000x128xf32, #tpu.memory_space<hbm>> -> memref<80x128xf32, #tpu.memory_space<hbm>>
      tpu.enqueue_dma source(%arg6 : memref<80x128xf32, #tpu.memory_space<vmem>>) target(%dma_start3A_252 : memref<80x128xf32, #tpu.memory_space<hbm>>) target_semaphore(%run_scoped3A : memref<!tpu.dma_semaphore, #tpu.memory_space<semaphore_mem>>)
      %dma_wait3A_253 = arith.constant 0 : i32
      %dma_wait3A_254 = tpu.memref_slice %arg4[%add3A_182, %dma_wait3A_253] : memref<64000x128xf32, #tpu.memory_space<hbm>> -> memref<80x128xf32, #tpu.memory_space<hbm>>
      %dma_wait3A_255 = arith.constant 0 : i32
      %dma_wait3A_256 = tpu.memref_slice %arg4[%add3A_182, %dma_wait3A_255] : memref<64000x128xf32, #tpu.memory_space<hbm>> -> memref<80x128xf32, #tpu.memory_space<hbm>>
      tpu.wait_dma2 semaphore(%run_scoped3A : memref<!tpu.dma_semaphore, #tpu.memory_space<semaphore_mem>>) src(%arg6 : memref<80x128xf32, #tpu.memory_space<vmem>>) dst(%dma_wait3A_256 : memref<80x128xf32, #tpu.memory_space<hbm>>)
      tpu.yield
    }) : () -> ()
    %mul3A_189 = arith.constant 2000 : i32
    %mul3A_190 = arith.muli %add3A, %mul3A_189 : i32
    %add3A_191 = arith.constant 1520 : i32
    %add3A_192 = arith.addi %mul3A_190, %add3A_191 : i32
    "tpu.region"() ({
      %run_scoped3A = tpu.sem_alloc : memref<!tpu.dma_semaphore, #tpu.memory_space<semaphore_mem>>
      %dma_start3A_249 = tpu.memref_slice %arg3[%add3A_192] : memref<64000xi32, #tpu.memory_space<hbm>> -> memref<80xi32, #tpu.memory_space<hbm>>
      %dma_start3A_250 = tpu.memref_slice %arg3[%add3A_192] : memref<64000xi32, #tpu.memory_space<hbm>> -> memref<80xi32, #tpu.memory_space<hbm>>
      tpu.enqueue_dma source(%dma_start3A_250 : memref<80xi32, #tpu.memory_space<hbm>>) target(%arg5 : memref<80xi32, #tpu.memory_space<vmem>>) target_semaphore(%run_scoped3A : memref<!tpu.dma_semaphore, #tpu.memory_space<semaphore_mem>>)
      %dma_wait3A_251 = tpu.memref_slice %arg3[%add3A_192] : memref<64000xi32, #tpu.memory_space<hbm>> -> memref<80xi32, #tpu.memory_space<hbm>>
      %dma_wait3A_252 = tpu.memref_slice %arg3[%add3A_192] : memref<64000xi32, #tpu.memory_space<hbm>> -> memref<80xi32, #tpu.memory_space<hbm>>
      tpu.wait_dma2 semaphore(%run_scoped3A : memref<!tpu.dma_semaphore, #tpu.memory_space<semaphore_mem>>) src(%dma_wait3A_252 : memref<80xi32, #tpu.memory_space<hbm>>) dst(%arg5 : memref<80xi32, #tpu.memory_space<vmem>>)
      tpu.yield
    }) : () -> ()
    %dma_start3A_193 = arith.constant 0 : i32
    %dma_start3A_194 = arith.constant 0 : i32
    %dma_start3A_195 = tpu.memref_slice %arg2[%dma_start3A_193, %dma_start3A_194] : memref<501760x128xf32, #tpu.memory_space<hbm>> -> memref<501760x128xf32, #tpu.memory_space<hbm>>
    tpu.enqueue_indirect_dma source(%dma_start3A_195 : memref<501760x128xf32, #tpu.memory_space<hbm>>) target(%arg6 : memref<80x128xf32, #tpu.memory_space<vmem>>) offsets(%arg5 : memref<80xi32, #tpu.memory_space<vmem>>) semaphore(%arg7 : memref<!tpu.dma_semaphore, #tpu.memory_space<semaphore_mem>>)
    %dma_wait3A_196 = arith.constant 0 : i32
    %dma_wait3A_197 = arith.constant 0 : i32
    %dma_wait3A_198 = tpu.memref_slice %arg2[%dma_wait3A_196, %dma_wait3A_197] : memref<501760x128xf32, #tpu.memory_space<hbm>> -> memref<501760x128xf32, #tpu.memory_space<hbm>>
    tpu.wait_indirect_dma semaphore(%arg7 : memref<!tpu.dma_semaphore, #tpu.memory_space<semaphore_mem>>) src(%dma_wait3A_198 : memref<501760x128xf32, #tpu.memory_space<hbm>>) dst(%arg6 : memref<80x128xf32, #tpu.memory_space<vmem>>)
    "tpu.region"() ({
      %run_scoped3A = tpu.sem_alloc : memref<!tpu.dma_semaphore, #tpu.memory_space<semaphore_mem>>
      %dma_start3A_249 = arith.constant 0 : i32
      %dma_start3A_250 = tpu.memref_slice %arg4[%add3A_192, %dma_start3A_249] : memref<64000x128xf32, #tpu.memory_space<hbm>> -> memref<80x128xf32, #tpu.memory_space<hbm>>
      %dma_start3A_251 = arith.constant 0 : i32
      %dma_start3A_252 = tpu.memref_slice %arg4[%add3A_192, %dma_start3A_251] : memref<64000x128xf32, #tpu.memory_space<hbm>> -> memref<80x128xf32, #tpu.memory_space<hbm>>
      tpu.enqueue_dma source(%arg6 : memref<80x128xf32, #tpu.memory_space<vmem>>) target(%dma_start3A_252 : memref<80x128xf32, #tpu.memory_space<hbm>>) target_semaphore(%run_scoped3A : memref<!tpu.dma_semaphore, #tpu.memory_space<semaphore_mem>>)
      %dma_wait3A_253 = arith.constant 0 : i32
      %dma_wait3A_254 = tpu.memref_slice %arg4[%add3A_192, %dma_wait3A_253] : memref<64000x128xf32, #tpu.memory_space<hbm>> -> memref<80x128xf32, #tpu.memory_space<hbm>>
      %dma_wait3A_255 = arith.constant 0 : i32
      %dma_wait3A_256 = tpu.memref_slice %arg4[%add3A_192, %dma_wait3A_255] : memref<64000x128xf32, #tpu.memory_space<hbm>> -> memref<80x128xf32, #tpu.memory_space<hbm>>
      tpu.wait_dma2 semaphore(%run_scoped3A : memref<!tpu.dma_semaphore, #tpu.memory_space<semaphore_mem>>) src(%arg6 : memref<80x128xf32, #tpu.memory_space<vmem>>) dst(%dma_wait3A_256 : memref<80x128xf32, #tpu.memory_space<hbm>>)
      tpu.yield
    }) : () -> ()
    %mul3A_199 = arith.constant 2000 : i32
    %mul3A_200 = arith.muli %add3A, %mul3A_199 : i32
    %add3A_201 = arith.constant 1600 : i32
    %add3A_202 = arith.addi %mul3A_200, %add3A_201 : i32
    "tpu.region"() ({
      %run_scoped3A = tpu.sem_alloc : memref<!tpu.dma_semaphore, #tpu.memory_space<semaphore_mem>>
      %dma_start3A_249 = tpu.memref_slice %arg3[%add3A_202] : memref<64000xi32, #tpu.memory_space<hbm>> -> memref<80xi32, #tpu.memory_space<hbm>>
      %dma_start3A_250 = tpu.memref_slice %arg3[%add3A_202] : memref<64000xi32, #tpu.memory_space<hbm>> -> memref<80xi32, #tpu.memory_space<hbm>>
      tpu.enqueue_dma source(%dma_start3A_250 : memref<80xi32, #tpu.memory_space<hbm>>) target(%arg5 : memref<80xi32, #tpu.memory_space<vmem>>) target_semaphore(%run_scoped3A : memref<!tpu.dma_semaphore, #tpu.memory_space<semaphore_mem>>)
      %dma_wait3A_251 = tpu.memref_slice %arg3[%add3A_202] : memref<64000xi32, #tpu.memory_space<hbm>> -> memref<80xi32, #tpu.memory_space<hbm>>
      %dma_wait3A_252 = tpu.memref_slice %arg3[%add3A_202] : memref<64000xi32, #tpu.memory_space<hbm>> -> memref<80xi32, #tpu.memory_space<hbm>>
      tpu.wait_dma2 semaphore(%run_scoped3A : memref<!tpu.dma_semaphore, #tpu.memory_space<semaphore_mem>>) src(%dma_wait3A_252 : memref<80xi32, #tpu.memory_space<hbm>>) dst(%arg5 : memref<80xi32, #tpu.memory_space<vmem>>)
      tpu.yield
    }) : () -> ()
    %dma_start3A_203 = arith.constant 0 : i32
    %dma_start3A_204 = arith.constant 0 : i32
    %dma_start3A_205 = tpu.memref_slice %arg2[%dma_start3A_203, %dma_start3A_204] : memref<501760x128xf32, #tpu.memory_space<hbm>> -> memref<501760x128xf32, #tpu.memory_space<hbm>>
    tpu.enqueue_indirect_dma source(%dma_start3A_205 : memref<501760x128xf32, #tpu.memory_space<hbm>>) target(%arg6 : memref<80x128xf32, #tpu.memory_space<vmem>>) offsets(%arg5 : memref<80xi32, #tpu.memory_space<vmem>>) semaphore(%arg7 : memref<!tpu.dma_semaphore, #tpu.memory_space<semaphore_mem>>)
    %dma_wait3A_206 = arith.constant 0 : i32
    %dma_wait3A_207 = arith.constant 0 : i32
    %dma_wait3A_208 = tpu.memref_slice %arg2[%dma_wait3A_206, %dma_wait3A_207] : memref<501760x128xf32, #tpu.memory_space<hbm>> -> memref<501760x128xf32, #tpu.memory_space<hbm>>
    tpu.wait_indirect_dma semaphore(%arg7 : memref<!tpu.dma_semaphore, #tpu.memory_space<semaphore_mem>>) src(%dma_wait3A_208 : memref<501760x128xf32, #tpu.memory_space<hbm>>) dst(%arg6 : memref<80x128xf32, #tpu.memory_space<vmem>>)
    "tpu.region"() ({
      %run_scoped3A = tpu.sem_alloc : memref<!tpu.dma_semaphore, #tpu.memory_space<semaphore_mem>>
      %dma_start3A_249 = arith.constant 0 : i32
      %dma_start3A_250 = tpu.memref_slice %arg4[%add3A_202, %dma_start3A_249] : memref<64000x128xf32, #tpu.memory_space<hbm>> -> memref<80x128xf32, #tpu.memory_space<hbm>>
      %dma_start3A_251 = arith.constant 0 : i32
      %dma_start3A_252 = tpu.memref_slice %arg4[%add3A_202, %dma_start3A_251] : memref<64000x128xf32, #tpu.memory_space<hbm>> -> memref<80x128xf32, #tpu.memory_space<hbm>>
      tpu.enqueue_dma source(%arg6 : memref<80x128xf32, #tpu.memory_space<vmem>>) target(%dma_start3A_252 : memref<80x128xf32, #tpu.memory_space<hbm>>) target_semaphore(%run_scoped3A : memref<!tpu.dma_semaphore, #tpu.memory_space<semaphore_mem>>)
      %dma_wait3A_253 = arith.constant 0 : i32
      %dma_wait3A_254 = tpu.memref_slice %arg4[%add3A_202, %dma_wait3A_253] : memref<64000x128xf32, #tpu.memory_space<hbm>> -> memref<80x128xf32, #tpu.memory_space<hbm>>
      %dma_wait3A_255 = arith.constant 0 : i32
      %dma_wait3A_256 = tpu.memref_slice %arg4[%add3A_202, %dma_wait3A_255] : memref<64000x128xf32, #tpu.memory_space<hbm>> -> memref<80x128xf32, #tpu.memory_space<hbm>>
      tpu.wait_dma2 semaphore(%run_scoped3A : memref<!tpu.dma_semaphore, #tpu.memory_space<semaphore_mem>>) src(%arg6 : memref<80x128xf32, #tpu.memory_space<vmem>>) dst(%dma_wait3A_256 : memref<80x128xf32, #tpu.memory_space<hbm>>)
      tpu.yield
    }) : () -> ()
    %mul3A_209 = arith.constant 2000 : i32
    %mul3A_210 = arith.muli %add3A, %mul3A_209 : i32
    %add3A_211 = arith.constant 1680 : i32
    %add3A_212 = arith.addi %mul3A_210, %add3A_211 : i32
    "tpu.region"() ({
      %run_scoped3A = tpu.sem_alloc : memref<!tpu.dma_semaphore, #tpu.memory_space<semaphore_mem>>
      %dma_start3A_249 = tpu.memref_slice %arg3[%add3A_212] : memref<64000xi32, #tpu.memory_space<hbm>> -> memref<80xi32, #tpu.memory_space<hbm>>
      %dma_start3A_250 = tpu.memref_slice %arg3[%add3A_212] : memref<64000xi32, #tpu.memory_space<hbm>> -> memref<80xi32, #tpu.memory_space<hbm>>
      tpu.enqueue_dma source(%dma_start3A_250 : memref<80xi32, #tpu.memory_space<hbm>>) target(%arg5 : memref<80xi32, #tpu.memory_space<vmem>>) target_semaphore(%run_scoped3A : memref<!tpu.dma_semaphore, #tpu.memory_space<semaphore_mem>>)
      %dma_wait3A_251 = tpu.memref_slice %arg3[%add3A_212] : memref<64000xi32, #tpu.memory_space<hbm>> -> memref<80xi32, #tpu.memory_space<hbm>>
      %dma_wait3A_252 = tpu.memref_slice %arg3[%add3A_212] : memref<64000xi32, #tpu.memory_space<hbm>> -> memref<80xi32, #tpu.memory_space<hbm>>
      tpu.wait_dma2 semaphore(%run_scoped3A : memref<!tpu.dma_semaphore, #tpu.memory_space<semaphore_mem>>) src(%dma_wait3A_252 : memref<80xi32, #tpu.memory_space<hbm>>) dst(%arg5 : memref<80xi32, #tpu.memory_space<vmem>>)
      tpu.yield
    }) : () -> ()
    %dma_start3A_213 = arith.constant 0 : i32
    %dma_start3A_214 = arith.constant 0 : i32
    %dma_start3A_215 = tpu.memref_slice %arg2[%dma_start3A_213, %dma_start3A_214] : memref<501760x128xf32, #tpu.memory_space<hbm>> -> memref<501760x128xf32, #tpu.memory_space<hbm>>
    tpu.enqueue_indirect_dma source(%dma_start3A_215 : memref<501760x128xf32, #tpu.memory_space<hbm>>) target(%arg6 : memref<80x128xf32, #tpu.memory_space<vmem>>) offsets(%arg5 : memref<80xi32, #tpu.memory_space<vmem>>) semaphore(%arg7 : memref<!tpu.dma_semaphore, #tpu.memory_space<semaphore_mem>>)
    %dma_wait3A_216 = arith.constant 0 : i32
    %dma_wait3A_217 = arith.constant 0 : i32
    %dma_wait3A_218 = tpu.memref_slice %arg2[%dma_wait3A_216, %dma_wait3A_217] : memref<501760x128xf32, #tpu.memory_space<hbm>> -> memref<501760x128xf32, #tpu.memory_space<hbm>>
    tpu.wait_indirect_dma semaphore(%arg7 : memref<!tpu.dma_semaphore, #tpu.memory_space<semaphore_mem>>) src(%dma_wait3A_218 : memref<501760x128xf32, #tpu.memory_space<hbm>>) dst(%arg6 : memref<80x128xf32, #tpu.memory_space<vmem>>)
    "tpu.region"() ({
      %run_scoped3A = tpu.sem_alloc : memref<!tpu.dma_semaphore, #tpu.memory_space<semaphore_mem>>
      %dma_start3A_249 = arith.constant 0 : i32
      %dma_start3A_250 = tpu.memref_slice %arg4[%add3A_212, %dma_start3A_249] : memref<64000x128xf32, #tpu.memory_space<hbm>> -> memref<80x128xf32, #tpu.memory_space<hbm>>
      %dma_start3A_251 = arith.constant 0 : i32
      %dma_start3A_252 = tpu.memref_slice %arg4[%add3A_212, %dma_start3A_251] : memref<64000x128xf32, #tpu.memory_space<hbm>> -> memref<80x128xf32, #tpu.memory_space<hbm>>
      tpu.enqueue_dma source(%arg6 : memref<80x128xf32, #tpu.memory_space<vmem>>) target(%dma_start3A_252 : memref<80x128xf32, #tpu.memory_space<hbm>>) target_semaphore(%run_scoped3A : memref<!tpu.dma_semaphore, #tpu.memory_space<semaphore_mem>>)
      %dma_wait3A_253 = arith.constant 0 : i32
      %dma_wait3A_254 = tpu.memref_slice %arg4[%add3A_212, %dma_wait3A_253] : memref<64000x128xf32, #tpu.memory_space<hbm>> -> memref<80x128xf32, #tpu.memory_space<hbm>>
      %dma_wait3A_255 = arith.constant 0 : i32
      %dma_wait3A_256 = tpu.memref_slice %arg4[%add3A_212, %dma_wait3A_255] : memref<64000x128xf32, #tpu.memory_space<hbm>> -> memref<80x128xf32, #tpu.memory_space<hbm>>
      tpu.wait_dma2 semaphore(%run_scoped3A : memref<!tpu.dma_semaphore, #tpu.memory_space<semaphore_mem>>) src(%arg6 : memref<80x128xf32, #tpu.memory_space<vmem>>) dst(%dma_wait3A_256 : memref<80x128xf32, #tpu.memory_space<hbm>>)
      tpu.yield
    }) : () -> ()
    %mul3A_219 = arith.constant 2000 : i32
    %mul3A_220 = arith.muli %add3A, %mul3A_219 : i32
    %add3A_221 = arith.constant 1760 : i32
    %add3A_222 = arith.addi %mul3A_220, %add3A_221 : i32
    "tpu.region"() ({
      %run_scoped3A = tpu.sem_alloc : memref<!tpu.dma_semaphore, #tpu.memory_space<semaphore_mem>>
      %dma_start3A_249 = tpu.memref_slice %arg3[%add3A_222] : memref<64000xi32, #tpu.memory_space<hbm>> -> memref<80xi32, #tpu.memory_space<hbm>>
      %dma_start3A_250 = tpu.memref_slice %arg3[%add3A_222] : memref<64000xi32, #tpu.memory_space<hbm>> -> memref<80xi32, #tpu.memory_space<hbm>>
      tpu.enqueue_dma source(%dma_start3A_250 : memref<80xi32, #tpu.memory_space<hbm>>) target(%arg5 : memref<80xi32, #tpu.memory_space<vmem>>) target_semaphore(%run_scoped3A : memref<!tpu.dma_semaphore, #tpu.memory_space<semaphore_mem>>)
      %dma_wait3A_251 = tpu.memref_slice %arg3[%add3A_222] : memref<64000xi32, #tpu.memory_space<hbm>> -> memref<80xi32, #tpu.memory_space<hbm>>
      %dma_wait3A_252 = tpu.memref_slice %arg3[%add3A_222] : memref<64000xi32, #tpu.memory_space<hbm>> -> memref<80xi32, #tpu.memory_space<hbm>>
      tpu.wait_dma2 semaphore(%run_scoped3A : memref<!tpu.dma_semaphore, #tpu.memory_space<semaphore_mem>>) src(%dma_wait3A_252 : memref<80xi32, #tpu.memory_space<hbm>>) dst(%arg5 : memref<80xi32, #tpu.memory_space<vmem>>)
      tpu.yield
    }) : () -> ()
    %dma_start3A_223 = arith.constant 0 : i32
    %dma_start3A_224 = arith.constant 0 : i32
    %dma_start3A_225 = tpu.memref_slice %arg2[%dma_start3A_223, %dma_start3A_224] : memref<501760x128xf32, #tpu.memory_space<hbm>> -> memref<501760x128xf32, #tpu.memory_space<hbm>>
    tpu.enqueue_indirect_dma source(%dma_start3A_225 : memref<501760x128xf32, #tpu.memory_space<hbm>>) target(%arg6 : memref<80x128xf32, #tpu.memory_space<vmem>>) offsets(%arg5 : memref<80xi32, #tpu.memory_space<vmem>>) semaphore(%arg7 : memref<!tpu.dma_semaphore, #tpu.memory_space<semaphore_mem>>)
    %dma_wait3A_226 = arith.constant 0 : i32
    %dma_wait3A_227 = arith.constant 0 : i32
    %dma_wait3A_228 = tpu.memref_slice %arg2[%dma_wait3A_226, %dma_wait3A_227] : memref<501760x128xf32, #tpu.memory_space<hbm>> -> memref<501760x128xf32, #tpu.memory_space<hbm>>
    tpu.wait_indirect_dma semaphore(%arg7 : memref<!tpu.dma_semaphore, #tpu.memory_space<semaphore_mem>>) src(%dma_wait3A_228 : memref<501760x128xf32, #tpu.memory_space<hbm>>) dst(%arg6 : memref<80x128xf32, #tpu.memory_space<vmem>>)
    "tpu.region"() ({
      %run_scoped3A = tpu.sem_alloc : memref<!tpu.dma_semaphore, #tpu.memory_space<semaphore_mem>>
      %dma_start3A_249 = arith.constant 0 : i32
      %dma_start3A_250 = tpu.memref_slice %arg4[%add3A_222, %dma_start3A_249] : memref<64000x128xf32, #tpu.memory_space<hbm>> -> memref<80x128xf32, #tpu.memory_space<hbm>>
      %dma_start3A_251 = arith.constant 0 : i32
      %dma_start3A_252 = tpu.memref_slice %arg4[%add3A_222, %dma_start3A_251] : memref<64000x128xf32, #tpu.memory_space<hbm>> -> memref<80x128xf32, #tpu.memory_space<hbm>>
      tpu.enqueue_dma source(%arg6 : memref<80x128xf32, #tpu.memory_space<vmem>>) target(%dma_start3A_252 : memref<80x128xf32, #tpu.memory_space<hbm>>) target_semaphore(%run_scoped3A : memref<!tpu.dma_semaphore, #tpu.memory_space<semaphore_mem>>)
      %dma_wait3A_253 = arith.constant 0 : i32
      %dma_wait3A_254 = tpu.memref_slice %arg4[%add3A_222, %dma_wait3A_253] : memref<64000x128xf32, #tpu.memory_space<hbm>> -> memref<80x128xf32, #tpu.memory_space<hbm>>
      %dma_wait3A_255 = arith.constant 0 : i32
      %dma_wait3A_256 = tpu.memref_slice %arg4[%add3A_222, %dma_wait3A_255] : memref<64000x128xf32, #tpu.memory_space<hbm>> -> memref<80x128xf32, #tpu.memory_space<hbm>>
      tpu.wait_dma2 semaphore(%run_scoped3A : memref<!tpu.dma_semaphore, #tpu.memory_space<semaphore_mem>>) src(%arg6 : memref<80x128xf32, #tpu.memory_space<vmem>>) dst(%dma_wait3A_256 : memref<80x128xf32, #tpu.memory_space<hbm>>)
      tpu.yield
    }) : () -> ()
    %mul3A_229 = arith.constant 2000 : i32
    %mul3A_230 = arith.muli %add3A, %mul3A_229 : i32
    %add3A_231 = arith.constant 1840 : i32
    %add3A_232 = arith.addi %mul3A_230, %add3A_231 : i32
    "tpu.region"() ({
      %run_scoped3A = tpu.sem_alloc : memref<!tpu.dma_semaphore, #tpu.memory_space<semaphore_mem>>
      %dma_start3A_249 = tpu.memref_slice %arg3[%add3A_232] : memref<64000xi32, #tpu.memory_space<hbm>> -> memref<80xi32, #tpu.memory_space<hbm>>
      %dma_start3A_250 = tpu.memref_slice %arg3[%add3A_232] : memref<64000xi32, #tpu.memory_space<hbm>> -> memref<80xi32, #tpu.memory_space<hbm>>
      tpu.enqueue_dma source(%dma_start3A_250 : memref<80xi32, #tpu.memory_space<hbm>>) target(%arg5 : memref<80xi32, #tpu.memory_space<vmem>>) target_semaphore(%run_scoped3A : memref<!tpu.dma_semaphore, #tpu.memory_space<semaphore_mem>>)
      %dma_wait3A_251 = tpu.memref_slice %arg3[%add3A_232] : memref<64000xi32, #tpu.memory_space<hbm>> -> memref<80xi32, #tpu.memory_space<hbm>>
      %dma_wait3A_252 = tpu.memref_slice %arg3[%add3A_232] : memref<64000xi32, #tpu.memory_space<hbm>> -> memref<80xi32, #tpu.memory_space<hbm>>
      tpu.wait_dma2 semaphore(%run_scoped3A : memref<!tpu.dma_semaphore, #tpu.memory_space<semaphore_mem>>) src(%dma_wait3A_252 : memref<80xi32, #tpu.memory_space<hbm>>) dst(%arg5 : memref<80xi32, #tpu.memory_space<vmem>>)
      tpu.yield
    }) : () -> ()
    %dma_start3A_233 = arith.constant 0 : i32
    %dma_start3A_234 = arith.constant 0 : i32
    %dma_start3A_235 = tpu.memref_slice %arg2[%dma_start3A_233, %dma_start3A_234] : memref<501760x128xf32, #tpu.memory_space<hbm>> -> memref<501760x128xf32, #tpu.memory_space<hbm>>
    tpu.enqueue_indirect_dma source(%dma_start3A_235 : memref<501760x128xf32, #tpu.memory_space<hbm>>) target(%arg6 : memref<80x128xf32, #tpu.memory_space<vmem>>) offsets(%arg5 : memref<80xi32, #tpu.memory_space<vmem>>) semaphore(%arg7 : memref<!tpu.dma_semaphore, #tpu.memory_space<semaphore_mem>>)
    %dma_wait3A_236 = arith.constant 0 : i32
    %dma_wait3A_237 = arith.constant 0 : i32
    %dma_wait3A_238 = tpu.memref_slice %arg2[%dma_wait3A_236, %dma_wait3A_237] : memref<501760x128xf32, #tpu.memory_space<hbm>> -> memref<501760x128xf32, #tpu.memory_space<hbm>>
    tpu.wait_indirect_dma semaphore(%arg7 : memref<!tpu.dma_semaphore, #tpu.memory_space<semaphore_mem>>) src(%dma_wait3A_238 : memref<501760x128xf32, #tpu.memory_space<hbm>>) dst(%arg6 : memref<80x128xf32, #tpu.memory_space<vmem>>)
    "tpu.region"() ({
      %run_scoped3A = tpu.sem_alloc : memref<!tpu.dma_semaphore, #tpu.memory_space<semaphore_mem>>
      %dma_start3A_249 = arith.constant 0 : i32
      %dma_start3A_250 = tpu.memref_slice %arg4[%add3A_232, %dma_start3A_249] : memref<64000x128xf32, #tpu.memory_space<hbm>> -> memref<80x128xf32, #tpu.memory_space<hbm>>
      %dma_start3A_251 = arith.constant 0 : i32
      %dma_start3A_252 = tpu.memref_slice %arg4[%add3A_232, %dma_start3A_251] : memref<64000x128xf32, #tpu.memory_space<hbm>> -> memref<80x128xf32, #tpu.memory_space<hbm>>
      tpu.enqueue_dma source(%arg6 : memref<80x128xf32, #tpu.memory_space<vmem>>) target(%dma_start3A_252 : memref<80x128xf32, #tpu.memory_space<hbm>>) target_semaphore(%run_scoped3A : memref<!tpu.dma_semaphore, #tpu.memory_space<semaphore_mem>>)
      %dma_wait3A_253 = arith.constant 0 : i32
      %dma_wait3A_254 = tpu.memref_slice %arg4[%add3A_232, %dma_wait3A_253] : memref<64000x128xf32, #tpu.memory_space<hbm>> -> memref<80x128xf32, #tpu.memory_space<hbm>>
      %dma_wait3A_255 = arith.constant 0 : i32
      %dma_wait3A_256 = tpu.memref_slice %arg4[%add3A_232, %dma_wait3A_255] : memref<64000x128xf32, #tpu.memory_space<hbm>> -> memref<80x128xf32, #tpu.memory_space<hbm>>
      tpu.wait_dma2 semaphore(%run_scoped3A : memref<!tpu.dma_semaphore, #tpu.memory_space<semaphore_mem>>) src(%arg6 : memref<80x128xf32, #tpu.memory_space<vmem>>) dst(%dma_wait3A_256 : memref<80x128xf32, #tpu.memory_space<hbm>>)
      tpu.yield
    }) : () -> ()
    %mul3A_239 = arith.constant 2000 : i32
    %mul3A_240 = arith.muli %add3A, %mul3A_239 : i32
    %add3A_241 = arith.constant 1920 : i32
    %add3A_242 = arith.addi %mul3A_240, %add3A_241 : i32
    "tpu.region"() ({
      %run_scoped3A = tpu.sem_alloc : memref<!tpu.dma_semaphore, #tpu.memory_space<semaphore_mem>>
      %dma_start3A_249 = tpu.memref_slice %arg3[%add3A_242] : memref<64000xi32, #tpu.memory_space<hbm>> -> memref<80xi32, #tpu.memory_space<hbm>>
      %dma_start3A_250 = tpu.memref_slice %arg3[%add3A_242] : memref<64000xi32, #tpu.memory_space<hbm>> -> memref<80xi32, #tpu.memory_space<hbm>>
      tpu.enqueue_dma source(%dma_start3A_250 : memref<80xi32, #tpu.memory_space<hbm>>) target(%arg5 : memref<80xi32, #tpu.memory_space<vmem>>) target_semaphore(%run_scoped3A : memref<!tpu.dma_semaphore, #tpu.memory_space<semaphore_mem>>)
      %dma_wait3A_251 = tpu.memref_slice %arg3[%add3A_242] : memref<64000xi32, #tpu.memory_space<hbm>> -> memref<80xi32, #tpu.memory_space<hbm>>
      %dma_wait3A_252 = tpu.memref_slice %arg3[%add3A_242] : memref<64000xi32, #tpu.memory_space<hbm>> -> memref<80xi32, #tpu.memory_space<hbm>>
      tpu.wait_dma2 semaphore(%run_scoped3A : memref<!tpu.dma_semaphore, #tpu.memory_space<semaphore_mem>>) src(%dma_wait3A_252 : memref<80xi32, #tpu.memory_space<hbm>>) dst(%arg5 : memref<80xi32, #tpu.memory_space<vmem>>)
      tpu.yield
    }) : () -> ()
    %dma_start3A_243 = arith.constant 0 : i32
    %dma_start3A_244 = arith.constant 0 : i32
    %dma_start3A_245 = tpu.memref_slice %arg2[%dma_start3A_243, %dma_start3A_244] : memref<501760x128xf32, #tpu.memory_space<hbm>> -> memref<501760x128xf32, #tpu.memory_space<hbm>>
    tpu.enqueue_indirect_dma source(%dma_start3A_245 : memref<501760x128xf32, #tpu.memory_space<hbm>>) target(%arg6 : memref<80x128xf32, #tpu.memory_space<vmem>>) offsets(%arg5 : memref<80xi32, #tpu.memory_space<vmem>>) semaphore(%arg7 : memref<!tpu.dma_semaphore, #tpu.memory_space<semaphore_mem>>)
    %dma_wait3A_246 = arith.constant 0 : i32
    %dma_wait3A_247 = arith.constant 0 : i32
    %dma_wait3A_248 = tpu.memref_slice %arg2[%dma_wait3A_246, %dma_wait3A_247] : memref<501760x128xf32, #tpu.memory_space<hbm>> -> memref<501760x128xf32, #tpu.memory_space<hbm>>
    tpu.wait_indirect_dma semaphore(%arg7 : memref<!tpu.dma_semaphore, #tpu.memory_space<semaphore_mem>>) src(%dma_wait3A_248 : memref<501760x128xf32, #tpu.memory_space<hbm>>) dst(%arg6 : memref<80x128xf32, #tpu.memory_space<vmem>>)
    "tpu.region"() ({
      %run_scoped3A = tpu.sem_alloc : memref<!tpu.dma_semaphore, #tpu.memory_space<semaphore_mem>>
      %dma_start3A_249 = arith.constant 0 : i32
      %dma_start3A_250 = tpu.memref_slice %arg4[%add3A_242, %dma_start3A_249] : memref<64000x128xf32, #tpu.memory_space<hbm>> -> memref<80x128xf32, #tpu.memory_space<hbm>>
      %dma_start3A_251 = arith.constant 0 : i32
      %dma_start3A_252 = tpu.memref_slice %arg4[%add3A_242, %dma_start3A_251] : memref<64000x128xf32, #tpu.memory_space<hbm>> -> memref<80x128xf32, #tpu.memory_space<hbm>>
      tpu.enqueue_dma source(%arg6 : memref<80x128xf32, #tpu.memory_space<vmem>>) target(%dma_start3A_252 : memref<80x128xf32, #tpu.memory_space<hbm>>) target_semaphore(%run_scoped3A : memref<!tpu.dma_semaphore, #tpu.memory_space<semaphore_mem>>)
      %dma_wait3A_253 = arith.constant 0 : i32
      %dma_wait3A_254 = tpu.memref_slice %arg4[%add3A_242, %dma_wait3A_253] : memref<64000x128xf32, #tpu.memory_space<hbm>> -> memref<80x128xf32, #tpu.memory_space<hbm>>
      %dma_wait3A_255 = arith.constant 0 : i32
      %dma_wait3A_256 = tpu.memref_slice %arg4[%add3A_242, %dma_wait3A_255] : memref<64000x128xf32, #tpu.memory_space<hbm>> -> memref<80x128xf32, #tpu.memory_space<hbm>>
      tpu.wait_dma2 semaphore(%run_scoped3A : memref<!tpu.dma_semaphore, #tpu.memory_space<semaphore_mem>>) src(%arg6 : memref<80x128xf32, #tpu.memory_space<vmem>>) dst(%dma_wait3A_256 : memref<80x128xf32, #tpu.memory_space<hbm>>)
      tpu.yield
    }) : () -> ()
    return
  }
}

module attributes {stable_mosaic.version = 14 : i64} {
  func.func @_k0a_rowmax(%arg0: i32, %arg1: memref<640x64xf32, #tpu.memory_space<vmem>>, %arg2: memref<3584x64xf32, #tpu.memory_space<vmem>>, %arg3: memref<640x1xf32, #tpu.memory_space<vmem>>, %arg4: memref<640x128xf32, #tpu.memory_space<vmem>>) attributes {dimension_semantics = [#tpu.dimension_semantics<arbitrary>], iteration_bounds = array<i64: 28>, scalar_prefetch = 0 : i64, scratch_operands = 1 : i64, tpu.core_type = #tpu.core_type<tc>, window_params = [{pipeline_mode = #tpu.pipeline_mode<synchronous>, transform_indices = @transform_0, window_bounds = array<i64: 640, 64>}, {transform_indices = @transform_1, window_bounds = array<i64: 3584, 64>}, {pipeline_mode = #tpu.pipeline_mode<synchronous>, transform_indices = @transform_2, window_bounds = array<i64: 640, 1>}]} {
    %eq3A = arith.constant 0 : i32
    %eq3A_0 = arith.cmpi eq, %arg0, %eq3A : i32
    %convert_element_type3A = arith.extui %eq3A_0 : i1 to i32
    %cond3A = arith.constant 0 : i32
    %cond3A_1 = arith.cmpi ne, %convert_element_type3A, %cond3A : i32
    scf.if %cond3A_1 {
      %broadcast_in_dim3A_25 = arith.constant 0xFF800000 : f32
      %broadcast_in_dim3A_26 = vector.broadcast %broadcast_in_dim3A_25 : f32 to vector<640x128xf32>
      %swap3A_27 = arith.constant 0 : index
      %swap3A_28 = arith.constant 0 : index
      %swap3A_29 = vector.load %arg4[%swap3A_27, %swap3A_28] : memref<640x128xf32, #tpu.memory_space<vmem>>, vector<640x128xf32>
      tpu.vector_store %arg4[%swap3A_27, %swap3A_28], %broadcast_in_dim3A_26 {strides = array<i32>} : memref<640x128xf32, #tpu.memory_space<vmem>>, vector<640x128xf32>,
    } else {
    }
    %get3A = arith.constant 0 : index
    %get3A_2 = arith.constant 0 : index
    %get3A_3 = vector.load %arg1[%get3A, %get3A_2] : memref<640x64xf32, #tpu.memory_space<vmem>>, vector<640x64xf32>
    %get3A_4 = arith.constant 0 : index
    %get3A_5 = arith.constant 0 : index
    %get3A_6 = vector.load %arg2[%get3A_4, %get3A_5] : memref<3584x64xf32, #tpu.memory_space<vmem>>, vector<3584x64xf32>
    %transpose3A = tpu.transpose %get3A_6, [1, 0] : vector<3584x64xf32> -> vector<64x3584xf32>
    %dot_general3A = arith.constant dense<0.000000e+00> : vector<640x3584xf32>
    %dot_general3A_7 = tpu.matmul %get3A_3, %transpose3A, %dot_general3A {dimension_numbers = #tpu.dot_dimension_numbers<[1], [0], [0], [1], [0, 0, 1, 1], [], []>, transpose_lhs_hint = false} : vector<640x64xf32>, vector<64x3584xf32>, vector<640x3584xf32> -> vector<640x3584xf32>
    %mul3A = arith.constant 3584 : i32
    %mul3A_8 = arith.muli %arg0, %mul3A : i32
    %iota3A = tpu.iota {dimensions = array<i32: 1>} : vector<640x3584xi32>
    %add3A = vector.broadcast %mul3A_8 : i32 to vector<640x3584xi32>
    %add3A_9 = arith.addi %add3A, %iota3A : vector<640x3584xi32>
    %lt3A = arith.constant 100000 : i32
    %lt3A_10 = vector.broadcast %lt3A : i32 to vector<640x3584xi32>
    %lt3A_11 = arith.cmpi slt, %add3A_9, %lt3A_10 : vector<640x3584xi32>
    %jit3A = arith.constant 0xFF800000 : f32
    %broadcast_in_dim3A = vector.broadcast %jit3A : f32 to vector<640x3584xf32>
    %select_n3A = arith.select %lt3A_11, %dot_general3A_7, %broadcast_in_dim3A : vector<640x3584xi1>, vector<640x3584xf32>
    %get3A_12 = arith.constant 0 : index
    %get3A_13 = arith.constant 0 : index
    %get3A_14 = vector.load %arg4[%get3A_12, %get3A_13] : memref<640x128xf32, #tpu.memory_space<vmem>>, vector<640x128xf32>
    %reduce_max3A = arith.constant dense<0xFF800000> : vector<640xf32>
    %reduce_max3A_15 = vector.multi_reduction <maximumf>, %select_n3A, %reduce_max3A [1] : vector<640x3584xf32> to vector<640xf32>
    %broadcast_in_dim3A_16 = vector.shape_cast %reduce_max3A_15 : vector<640xf32> to vector<640x1xf32>
    %max3A = vector.broadcast %broadcast_in_dim3A_16 : vector<640x1xf32> to vector<640x128xf32>
    %max3A_17 = arith.maximumf %get3A_14, %max3A : vector<640x128xf32>
    %swap3A = arith.constant 0 : index
    %swap3A_18 = arith.constant 0 : index
    %swap3A_19 = vector.load %arg4[%swap3A, %swap3A_18] : memref<640x128xf32, #tpu.memory_space<vmem>>, vector<640x128xf32>
    tpu.vector_store %arg4[%swap3A, %swap3A_18], %max3A_17 {strides = array<i32>} : memref<640x128xf32, #tpu.memory_space<vmem>>, vector<640x128xf32>,
    %eq3A_20 = arith.constant 27 : i32
    %eq3A_21 = arith.cmpi eq, %arg0, %eq3A_20 : i32
    %convert_element_type3A_22 = arith.extui %eq3A_21 : i1 to i32
    %cond3A_23 = arith.constant 0 : i32
    %cond3A_24 = arith.cmpi ne, %convert_element_type3A_22, %cond3A_23 : i32
    scf.if %cond3A_24 {
      %get3A_25 = arith.constant 0 : index
      %get3A_26 = arith.constant 0 : index
      %get3A_27 = vector.load %arg4[%get3A_25, %get3A_26] : memref<640x128xf32, #tpu.memory_space<vmem>>, vector<640x1xf32>
      %swap3A_28 = arith.constant 0 : index
      %swap3A_29 = arith.constant 0 : index
      %swap3A_30 = vector.load %arg3[%swap3A_28, %swap3A_29] : memref<640x1xf32, #tpu.memory_space<vmem>>, vector<640x1xf32>
      tpu.vector_store %arg3[%swap3A_28, %swap3A_29], %get3A_27 {strides = array<i32>} : memref<640x1xf32, #tpu.memory_space<vmem>>, vector<640x1xf32>,
    } else {
    }
    return
  }
  func.func @transform_0(%arg0: i32) -> (i32, i32) {
    %c0_i32 = arith.constant 0 : i32
    %c0_i32_0 = arith.constant 0 : i32
    %c0_i32_1 = arith.constant 0 : i32
    return %c0_i32, %c0_i32_0 : i32, i32
  }
  func.func @transform_1(%arg0: i32) -> (i32, i32) {
    %c0_i32 = arith.constant 0 : i32
    %c0_i32_0 = arith.constant 0 : i32
    return %arg0, %c0_i32 : i32, i32
  }
  func.func @transform_2(%arg0: i32) -> (i32, i32) {
    %c0_i32 = arith.constant 0 : i32
    %c0_i32_0 = arith.constant 0 : i32
    %c0_i32_1 = arith.constant 0 : i32
    return %c0_i32, %c0_i32_0 : i32, i32
  }
}

module attributes {stable_mosaic.version = 14 : i64} {
  func.func @_k0b_denom(%arg0: i32, %arg1: memref<640x64xf32, #tpu.memory_space<vmem>>, %arg2: memref<3584x64xf32, #tpu.memory_space<vmem>>, %arg3: memref<640x1xf32, #tpu.memory_space<vmem>>, %arg4: memref<640x1xf32, #tpu.memory_space<vmem>>, %arg5: memref<640x256xf32, #tpu.memory_space<vmem>>) attributes {dimension_semantics = [#tpu.dimension_semantics<arbitrary>], iteration_bounds = array<i64: 28>, scalar_prefetch = 0 : i64, scratch_operands = 1 : i64, tpu.core_type = #tpu.core_type<tc>, window_params = [{pipeline_mode = #tpu.pipeline_mode<synchronous>, transform_indices = @transform_0, window_bounds = array<i64: 640, 64>}, {transform_indices = @transform_1, window_bounds = array<i64: 3584, 64>}, {pipeline_mode = #tpu.pipeline_mode<synchronous>, transform_indices = @transform_2, window_bounds = array<i64: 640, 1>}, {pipeline_mode = #tpu.pipeline_mode<synchronous>, transform_indices = @transform_3, window_bounds = array<i64: 640, 1>}]} {
    %eq3A = arith.constant 0 : i32
    %eq3A_0 = arith.cmpi eq, %arg0, %eq3A : i32
    %convert_element_type3A = arith.extui %eq3A_0 : i1 to i32
    %cond3A = arith.constant 0 : i32
    %cond3A_1 = arith.cmpi ne, %convert_element_type3A, %cond3A : i32
    scf.if %cond3A_1 {
      %broadcast_in_dim3A_87 = arith.constant 0.000000e+00 : f32
      %broadcast_in_dim3A_88 = vector.broadcast %broadcast_in_dim3A_87 : f32 to vector<640x256xf32>
      %swap3A_89 = arith.constant 0 : index
      %swap3A_90 = arith.constant 0 : index
      %swap3A_91 = vector.load %arg5[%swap3A_89, %swap3A_90] : memref<640x256xf32, #tpu.memory_space<vmem>>, vector<640x256xf32>
      tpu.vector_store %arg5[%swap3A_89, %swap3A_90], %broadcast_in_dim3A_88 {strides = array<i32>} : memref<640x256xf32, #tpu.memory_space<vmem>>, vector<640x256xf32>,
    } else {
    }
    %get3A = arith.constant 0 : index
    %get3A_2 = arith.constant 0 : index
    %get3A_3 = vector.load %arg1[%get3A, %get3A_2] : memref<640x64xf32, #tpu.memory_space<vmem>>, vector<640x64xf32>
    %get3A_4 = arith.constant 0 : index
    %get3A_5 = arith.constant 0 : index
    %get3A_6 = vector.load %arg2[%get3A_4, %get3A_5] : memref<3584x64xf32, #tpu.memory_space<vmem>>, vector<3584x64xf32>
    %transpose3A = tpu.transpose %get3A_6, [1, 0] : vector<3584x64xf32> -> vector<64x3584xf32>
    %dot_general3A = arith.constant dense<0.000000e+00> : vector<640x3584xf32>
    %dot_general3A_7 = tpu.matmul %get3A_3, %transpose3A, %dot_general3A {dimension_numbers = #tpu.dot_dimension_numbers<[1], [0], [0], [1], [0, 0, 1, 1], [], []>, transpose_lhs_hint = false} : vector<640x64xf32>, vector<64x3584xf32>, vector<640x3584xf32> -> vector<640x3584xf32>
    %mul3A = arith.constant 3584 : i32
    %mul3A_8 = arith.muli %arg0, %mul3A : i32
    %iota3A = tpu.iota {dimensions = array<i32: 1>} : vector<640x3584xi32>
    %add3A = vector.broadcast %mul3A_8 : i32 to vector<640x3584xi32>
    %add3A_9 = arith.addi %add3A, %iota3A : vector<640x3584xi32>
    %lt3A = arith.constant 100000 : i32
    %lt3A_10 = vector.broadcast %lt3A : i32 to vector<640x3584xi32>
    %lt3A_11 = arith.cmpi slt, %add3A_9, %lt3A_10 : vector<640x3584xi32>
    %get3A_12 = arith.constant 0 : index
    %get3A_13 = arith.constant 0 : index
    %get3A_14 = vector.load %arg3[%get3A_12, %get3A_13] : memref<640x1xf32, #tpu.memory_space<vmem>>, vector<640x1xf32>
    %sub3A = vector.broadcast %get3A_14 : vector<640x1xf32> to vector<640x3584xf32>
    %sub3A_15 = arith.subf %dot_general3A_7, %sub3A : vector<640x3584xf32>
    %exp3A = math.exp %sub3A_15 : vector<640x3584xf32>
    %jit3A = arith.constant 0.000000e+00 : f32
    %broadcast_in_dim3A = vector.broadcast %jit3A : f32 to vector<640x3584xf32>
    %select_n3A = arith.select %lt3A_11, %exp3A, %broadcast_in_dim3A : vector<640x3584xi1>, vector<640x3584xf32>
    %get3A_16 = arith.constant 0 : index
    %get3A_17 = arith.constant 0 : index
    %get3A_18 = vector.load %arg5[%get3A_16, %get3A_17] : memref<640x256xf32, #tpu.memory_space<vmem>>, vector<640x128xf32>
    %get3A_19 = arith.constant 0 : index
    %get3A_20 = arith.constant 128 : index
    %get3A_21 = vector.load %arg5[%get3A_19, %get3A_20] : memref<640x256xf32, #tpu.memory_space<vmem>>, vector<640x128xf32>
    %slice3A = vector.extract_strided_slice %select_n3A {offsets = [0, 0], sizes = [640, 128], strides = [1, 1]} : vector<640x3584xf32> to vector<640x128xf32>
    %add3A_22 = arith.addf %get3A_18, %slice3A : vector<640x128xf32>
    %slice3A_23 = vector.extract_strided_slice %select_n3A {offsets = [0, 128], sizes = [640, 128], strides = [1, 1]} : vector<640x3584xf32> to vector<640x128xf32>
    %add3A_24 = arith.addf %get3A_21, %slice3A_23 : vector<640x128xf32>
    %slice3A_25 = vector.extract_strided_slice %select_n3A {offsets = [0, 256], sizes = [640, 128], strides = [1, 1]} : vector<640x3584xf32> to vector<640x128xf32>
    %add3A_26 = arith.addf %add3A_22, %slice3A_25 : vector<640x128xf32>
    %slice3A_27 = vector.extract_strided_slice %select_n3A {offsets = [0, 384], sizes = [640, 128], strides = [1, 1]} : vector<640x3584xf32> to vector<640x128xf32>
    %add3A_28 = arith.addf %add3A_24, %slice3A_27 : vector<640x128xf32>
    %slice3A_29 = vector.extract_strided_slice %select_n3A {offsets = [0, 512], sizes = [640, 128], strides = [1, 1]} : vector<640x3584xf32> to vector<640x128xf32>
    %add3A_30 = arith.addf %add3A_26, %slice3A_29 : vector<640x128xf32>
    %slice3A_31 = vector.extract_strided_slice %select_n3A {offsets = [0, 640], sizes = [640, 128], strides = [1, 1]} : vector<640x3584xf32> to vector<640x128xf32>
    %add3A_32 = arith.addf %add3A_28, %slice3A_31 : vector<640x128xf32>
    %slice3A_33 = vector.extract_strided_slice %select_n3A {offsets = [0, 768], sizes = [640, 128], strides = [1, 1]} : vector<640x3584xf32> to vector<640x128xf32>
    %add3A_34 = arith.addf %add3A_30, %slice3A_33 : vector<640x128xf32>
    %slice3A_35 = vector.extract_strided_slice %select_n3A {offsets = [0, 896], sizes = [640, 128], strides = [1, 1]} : vector<640x3584xf32> to vector<640x128xf32>
    %add3A_36 = arith.addf %add3A_32, %slice3A_35 : vector<640x128xf32>
    %slice3A_37 = vector.extract_strided_slice %select_n3A {offsets = [0, 1024], sizes = [640, 128], strides = [1, 1]} : vector<640x3584xf32> to vector<640x128xf32>
    %add3A_38 = arith.addf %add3A_34, %slice3A_37 : vector<640x128xf32>
    %slice3A_39 = vector.extract_strided_slice %select_n3A {offsets = [0, 1152], sizes = [640, 128], strides = [1, 1]} : vector<640x3584xf32> to vector<640x128xf32>
    %add3A_40 = arith.addf %add3A_36, %slice3A_39 : vector<640x128xf32>
    %slice3A_41 = vector.extract_strided_slice %select_n3A {offsets = [0, 1280], sizes = [640, 128], strides = [1, 1]} : vector<640x3584xf32> to vector<640x128xf32>
    %add3A_42 = arith.addf %add3A_38, %slice3A_41 : vector<640x128xf32>
    %slice3A_43 = vector.extract_strided_slice %select_n3A {offsets = [0, 1408], sizes = [640, 128], strides = [1, 1]} : vector<640x3584xf32> to vector<640x128xf32>
    %add3A_44 = arith.addf %add3A_40, %slice3A_43 : vector<640x128xf32>
    %slice3A_45 = vector.extract_strided_slice %select_n3A {offsets = [0, 1536], sizes = [640, 128], strides = [1, 1]} : vector<640x3584xf32> to vector<640x128xf32>
    %add3A_46 = arith.addf %add3A_42, %slice3A_45 : vector<640x128xf32>
    %slice3A_47 = vector.extract_strided_slice %select_n3A {offsets = [0, 1664], sizes = [640, 128], strides = [1, 1]} : vector<640x3584xf32> to vector<640x128xf32>
    %add3A_48 = arith.addf %add3A_44, %slice3A_47 : vector<640x128xf32>
    %slice3A_49 = vector.extract_strided_slice %select_n3A {offsets = [0, 1792], sizes = [640, 128], strides = [1, 1]} : vector<640x3584xf32> to vector<640x128xf32>
    %add3A_50 = arith.addf %add3A_46, %slice3A_49 : vector<640x128xf32>
    %slice3A_51 = vector.extract_strided_slice %select_n3A {offsets = [0, 1920], sizes = [640, 128], strides = [1, 1]} : vector<640x3584xf32> to vector<640x128xf32>
    %add3A_52 = arith.addf %add3A_48, %slice3A_51 : vector<640x128xf32>
    %slice3A_53 = vector.extract_strided_slice %select_n3A {offsets = [0, 2048], sizes = [640, 128], strides = [1, 1]} : vector<640x3584xf32> to vector<640x128xf32>
    %add3A_54 = arith.addf %add3A_50, %slice3A_53 : vector<640x128xf32>
    %slice3A_55 = vector.extract_strided_slice %select_n3A {offsets = [0, 2176], sizes = [640, 128], strides = [1, 1]} : vector<640x3584xf32> to vector<640x128xf32>
    %add3A_56 = arith.addf %add3A_52, %slice3A_55 : vector<640x128xf32>
    %slice3A_57 = vector.extract_strided_slice %select_n3A {offsets = [0, 2304], sizes = [640, 128], strides = [1, 1]} : vector<640x3584xf32> to vector<640x128xf32>
    %add3A_58 = arith.addf %add3A_54, %slice3A_57 : vector<640x128xf32>
    %slice3A_59 = vector.extract_strided_slice %select_n3A {offsets = [0, 2432], sizes = [640, 128], strides = [1, 1]} : vector<640x3584xf32> to vector<640x128xf32>
    %add3A_60 = arith.addf %add3A_56, %slice3A_59 : vector<640x128xf32>
    %slice3A_61 = vector.extract_strided_slice %select_n3A {offsets = [0, 2560], sizes = [640, 128], strides = [1, 1]} : vector<640x3584xf32> to vector<640x128xf32>
    %add3A_62 = arith.addf %add3A_58, %slice3A_61 : vector<640x128xf32>
    %slice3A_63 = vector.extract_strided_slice %select_n3A {offsets = [0, 2688], sizes = [640, 128], strides = [1, 1]} : vector<640x3584xf32> to vector<640x128xf32>
    %add3A_64 = arith.addf %add3A_60, %slice3A_63 : vector<640x128xf32>
    %slice3A_65 = vector.extract_strided_slice %select_n3A {offsets = [0, 2816], sizes = [640, 128], strides = [1, 1]} : vector<640x3584xf32> to vector<640x128xf32>
    %add3A_66 = arith.addf %add3A_62, %slice3A_65 : vector<640x128xf32>
    %slice3A_67 = vector.extract_strided_slice %select_n3A {offsets = [0, 2944], sizes = [640, 128], strides = [1, 1]} : vector<640x3584xf32> to vector<640x128xf32>
    %add3A_68 = arith.addf %add3A_64, %slice3A_67 : vector<640x128xf32>
    %slice3A_69 = vector.extract_strided_slice %select_n3A {offsets = [0, 3072], sizes = [640, 128], strides = [1, 1]} : vector<640x3584xf32> to vector<640x128xf32>
    %add3A_70 = arith.addf %add3A_66, %slice3A_69 : vector<640x128xf32>
    %slice3A_71 = vector.extract_strided_slice %select_n3A {offsets = [0, 3200], sizes = [640, 128], strides = [1, 1]} : vector<640x3584xf32> to vector<640x128xf32>
    %add3A_72 = arith.addf %add3A_68, %slice3A_71 : vector<640x128xf32>
    %slice3A_73 = vector.extract_strided_slice %select_n3A {offsets = [0, 3328], sizes = [640, 128], strides = [1, 1]} : vector<640x3584xf32> to vector<640x128xf32>
    %add3A_74 = arith.addf %add3A_70, %slice3A_73 : vector<640x128xf32>
    %slice3A_75 = vector.extract_strided_slice %select_n3A {offsets = [0, 3456], sizes = [640, 128], strides = [1, 1]} : vector<640x3584xf32> to vector<640x128xf32>
    %add3A_76 = arith.addf %add3A_72, %slice3A_75 : vector<640x128xf32>
    %swap3A = arith.constant 0 : index
    %swap3A_77 = arith.constant 0 : index
    %swap3A_78 = vector.load %arg5[%swap3A, %swap3A_77] : memref<640x256xf32, #tpu.memory_space<vmem>>, vector<640x128xf32>
    tpu.vector_store %arg5[%swap3A, %swap3A_77], %add3A_74 {strides = array<i32>} : memref<640x256xf32, #tpu.memory_space<vmem>>, vector<640x128xf32>,
    %swap3A_79 = arith.constant 0 : index
    %swap3A_80 = arith.constant 128 : index
    %swap3A_81 = vector.load %arg5[%swap3A_79, %swap3A_80] : memref<640x256xf32, #tpu.memory_space<vmem>>, vector<640x128xf32>
    tpu.vector_store %arg5[%swap3A_79, %swap3A_80], %add3A_76 {strides = array<i32>} : memref<640x256xf32, #tpu.memory_space<vmem>>, vector<640x128xf32>,
    %eq3A_82 = arith.constant 27 : i32
    %eq3A_83 = arith.cmpi eq, %arg0, %eq3A_82 : i32
    %convert_element_type3A_84 = arith.extui %eq3A_83 : i1 to i32
    %cond3A_85 = arith.constant 0 : i32
    %cond3A_86 = arith.cmpi ne, %convert_element_type3A_84, %cond3A_85 : i32
    scf.if %cond3A_86 {
      %get3A_87 = arith.constant 0 : index
      %get3A_88 = arith.constant 0 : index
      %get3A_89 = vector.load %arg5[%get3A_87, %get3A_88] : memref<640x256xf32, #tpu.memory_space<vmem>>, vector<640x128xf32>
      %get3A_90 = arith.constant 0 : index
      %get3A_91 = arith.constant 128 : index
      %get3A_92 = vector.load %arg5[%get3A_90, %get3A_91] : memref<640x256xf32, #tpu.memory_space<vmem>>, vector<640x128xf32>
      %add3A_93 = arith.addf %get3A_89, %get3A_92 : vector<640x128xf32>
      %roll3A = arith.constant 127 : i32
      %roll3A_94 = tpu.dynamic_rotate %add3A_93 by %roll3A dim 1 : vector<640x128xf32>, i32 -> vector<640x128xf32>
      %add3A_95 = arith.addf %add3A_93, %roll3A_94 : vector<640x128xf32>
      %roll3A_96 = arith.constant 126 : i32
      %roll3A_97 = tpu.dynamic_rotate %add3A_95 by %roll3A_96 dim 1 : vector<640x128xf32>, i32 -> vector<640x128xf32>
      %add3A_98 = arith.addf %add3A_95, %roll3A_97 : vector<640x128xf32>
      %roll3A_99 = arith.constant 124 : i32
      %roll3A_100 = tpu.dynamic_rotate %add3A_98 by %roll3A_99 dim 1 : vector<640x128xf32>, i32 -> vector<640x128xf32>
      %add3A_101 = arith.addf %add3A_98, %roll3A_100 : vector<640x128xf32>
      %roll3A_102 = arith.constant 120 : i32
      %roll3A_103 = tpu.dynamic_rotate %add3A_101 by %roll3A_102 dim 1 : vector<640x128xf32>, i32 -> vector<640x128xf32>
      %add3A_104 = arith.addf %add3A_101, %roll3A_103 : vector<640x128xf32>
      %roll3A_105 = arith.constant 112 : i32
      %roll3A_106 = tpu.dynamic_rotate %add3A_104 by %roll3A_105 dim 1 : vector<640x128xf32>, i32 -> vector<640x128xf32>
      %add3A_107 = arith.addf %add3A_104, %roll3A_106 : vector<640x128xf32>
      %roll3A_108 = arith.constant 96 : i32
      %roll3A_109 = tpu.dynamic_rotate %add3A_107 by %roll3A_108 dim 1 : vector<640x128xf32>, i32 -> vector<640x128xf32>
      %add3A_110 = arith.addf %add3A_107, %roll3A_109 : vector<640x128xf32>
      %roll3A_111 = arith.constant 64 : i32
      %roll3A_112 = tpu.dynamic_rotate %add3A_110 by %roll3A_111 dim 1 : vector<640x128xf32>, i32 -> vector<640x128xf32>
      %add3A_113 = arith.addf %add3A_110, %roll3A_112 : vector<640x128xf32>
      %slice3A_114 = vector.extract_strided_slice %add3A_113 {offsets = [0, 0], sizes = [640, 1], strides = [1, 1]} : vector<640x128xf32> to vector<640x1xf32>
      %swap3A_115 = arith.constant 0 : index
      %swap3A_116 = arith.constant 0 : index
      %swap3A_117 = vector.load %arg4[%swap3A_115, %swap3A_116] : memref<640x1xf32, #tpu.memory_space<vmem>>, vector<640x1xf32>
      tpu.vector_store %arg4[%swap3A_115, %swap3A_116], %slice3A_114 {strides = array<i32>} : memref<640x1xf32, #tpu.memory_space<vmem>>, vector<640x1xf32>,
    } else {
    }
    return
  }
  func.func @transform_0(%arg0: i32) -> (i32, i32) {
    %c0_i32 = arith.constant 0 : i32
    %c0_i32_0 = arith.constant 0 : i32
    %c0_i32_1 = arith.constant 0 : i32
    return %c0_i32, %c0_i32_0 : i32, i32
  }
  func.func @transform_1(%arg0: i32) -> (i32, i32) {
    %c0_i32 = arith.constant 0 : i32
    %c0_i32_0 = arith.constant 0 : i32
    return %arg0, %c0_i32 : i32, i32
  }
  func.func @transform_2(%arg0: i32) -> (i32, i32) {
    %c0_i32 = arith.constant 0 : i32
    %c0_i32_0 = arith.constant 0 : i32
    %c0_i32_1 = arith.constant 0 : i32
    return %c0_i32, %c0_i32_0 : i32, i32
  }
  func.func @transform_3(%arg0: i32) -> (i32, i32) {
    %c0_i32 = arith.constant 0 : i32
    %c0_i32_0 = arith.constant 0 : i32
    %c0_i32_1 = arith.constant 0 : i32
    return %c0_i32, %c0_i32_0 : i32, i32
  }
}

module attributes {stable_mosaic.version = 14 : i64} {
  func.func @_k1b_softmax_bmax(%arg0: i32, %arg1: memref<640x64xf32, #tpu.memory_space<vmem>>, %arg2: memref<3584x64xf32, #tpu.memory_space<vmem>>, %arg3: memref<640x1xf32, #tpu.memory_space<vmem>>, %arg4: memref<640x1xf32, #tpu.memory_space<vmem>>, %arg5: memref<640x3584xf32, #tpu.memory_space<vmem>>, %arg6: memref<640x128xf32, #tpu.memory_space<vmem>>) attributes {dimension_semantics = [#tpu.dimension_semantics<arbitrary>], iteration_bounds = array<i64: 28>, scalar_prefetch = 0 : i64, scratch_operands = 0 : i64, tpu.core_type = #tpu.core_type<tc>, window_params = [{pipeline_mode = #tpu.pipeline_mode<synchronous>, transform_indices = @transform_0, window_bounds = array<i64: 640, 64>}, {transform_indices = @transform_1, window_bounds = array<i64: 3584, 64>}, {pipeline_mode = #tpu.pipeline_mode<synchronous>, transform_indices = @transform_2, window_bounds = array<i64: 640, 1>}, {pipeline_mode = #tpu.pipeline_mode<synchronous>, transform_indices = @transform_3, window_bounds = array<i64: 640, 1>}, {transform_indices = @transform_4, window_bounds = array<i64: 640, 3584>}, {transform_indices = @transform_5, window_bounds = array<i64: 640, 128>}]} {
    %get3A = arith.constant 0 : index
    %get3A_0 = arith.constant 0 : index
    %get3A_1 = vector.load %arg1[%get3A, %get3A_0] : memref<640x64xf32, #tpu.memory_space<vmem>>, vector<640x64xf32>
    %get3A_2 = arith.constant 0 : index
    %get3A_3 = arith.constant 0 : index
    %get3A_4 = vector.load %arg2[%get3A_2, %get3A_3] : memref<3584x64xf32, #tpu.memory_space<vmem>>, vector<3584x64xf32>
    %transpose3A = tpu.transpose %get3A_4, [1, 0] : vector<3584x64xf32> -> vector<64x3584xf32>
    %dot_general3A = arith.constant dense<0.000000e+00> : vector<640x3584xf32>
    %dot_general3A_5 = tpu.matmul %get3A_1, %transpose3A, %dot_general3A {dimension_numbers = #tpu.dot_dimension_numbers<[1], [0], [0], [1], [0, 0, 1, 1], [], []>, transpose_lhs_hint = false} : vector<640x64xf32>, vector<64x3584xf32>, vector<640x3584xf32> -> vector<640x3584xf32>
    %mul3A = arith.constant 3584 : i32
    %mul3A_6 = arith.muli %arg0, %mul3A : i32
    %iota3A = tpu.iota {dimensions = array<i32: 1>} : vector<640x3584xi32>
    %add3A = vector.broadcast %mul3A_6 : i32 to vector<640x3584xi32>
    %add3A_7 = arith.addi %add3A, %iota3A : vector<640x3584xi32>
    %lt3A = arith.constant 100000 : i32
    %lt3A_8 = vector.broadcast %lt3A : i32 to vector<640x3584xi32>
    %lt3A_9 = arith.cmpi slt, %add3A_7, %lt3A_8 : vector<640x3584xi32>
    %get3A_10 = arith.constant 0 : index
    %get3A_11 = arith.constant 0 : index
    %get3A_12 = vector.load %arg3[%get3A_10, %get3A_11] : memref<640x1xf32, #tpu.memory_space<vmem>>, vector<640x1xf32>
    %sub3A = vector.broadcast %get3A_12 : vector<640x1xf32> to vector<640x3584xf32>
    %sub3A_13 = arith.subf %dot_general3A_5, %sub3A : vector<640x3584xf32>
    %exp3A = math.exp %sub3A_13 : vector<640x3584xf32>
    %jit3A = arith.constant 0.000000e+00 : f32
    %broadcast_in_dim3A = vector.broadcast %jit3A : f32 to vector<640x3584xf32>
    %select_n3A = arith.select %lt3A_9, %exp3A, %broadcast_in_dim3A : vector<640x3584xi1>, vector<640x3584xf32>
    %get3A_14 = arith.constant 0 : index
    %get3A_15 = arith.constant 0 : index
    %get3A_16 = vector.load %arg4[%get3A_14, %get3A_15] : memref<640x1xf32, #tpu.memory_space<vmem>>, vector<640x1xf32>
    %div3A = vector.broadcast %get3A_16 : vector<640x1xf32> to vector<640x3584xf32>
    %div3A_17 = arith.divf %select_n3A, %div3A : vector<640x3584xf32>
    %swap3A = arith.constant 0 : index
    %swap3A_18 = arith.constant 0 : index
    %swap3A_19 = vector.load %arg5[%swap3A, %swap3A_18] : memref<640x3584xf32, #tpu.memory_space<vmem>>, vector<640x3584xf32>
    tpu.vector_store %arg5[%swap3A, %swap3A_18], %div3A_17 {strides = array<i32>} : memref<640x3584xf32, #tpu.memory_space<vmem>>, vector<640x3584xf32>,
    %iota3A_20 = tpu.iota {dimensions = array<i32: 1>} : vector<640x128xi32>
    %broadcast_in_dim3A_21 = arith.constant 0xFF800000 : f32
    %broadcast_in_dim3A_22 = vector.broadcast %broadcast_in_dim3A_21 : f32 to vector<640x128xf32>
    %slice3A = vector.extract_strided_slice %div3A_17 {offsets = [0, 0], sizes = [640, 128], strides = [1, 1]} : vector<640x3584xf32> to vector<640x128xf32>
    %reduce_max3A = arith.constant dense<0xFF800000> : vector<640xf32>
    %reduce_max3A_23 = vector.multi_reduction <maximumf>, %slice3A, %reduce_max3A [1] : vector<640x128xf32> to vector<640xf32>
    %broadcast_in_dim3A_24 = vector.shape_cast %reduce_max3A_23 : vector<640xf32> to vector<640x1xf32>
    %eq3A = arith.constant 0 : i32
    %eq3A_25 = vector.broadcast %eq3A : i32 to vector<640x128xi32>
    %eq3A_26 = arith.cmpi eq, %iota3A_20, %eq3A_25 : vector<640x128xi32>
    %broadcast_in_dim3A_27 = vector.shape_cast %broadcast_in_dim3A_24 : vector<640x1xf32> to vector<640x1xf32>
    %broadcast_in_dim3A_28 = vector.broadcast %broadcast_in_dim3A_27 : vector<640x1xf32> to vector<640x128xf32>
    %select_n3A_29 = arith.select %eq3A_26, %broadcast_in_dim3A_28, %broadcast_in_dim3A_22 : vector<640x128xi1>, vector<640x128xf32>
    %slice3A_30 = vector.extract_strided_slice %div3A_17 {offsets = [0, 128], sizes = [640, 128], strides = [1, 1]} : vector<640x3584xf32> to vector<640x128xf32>
    %reduce_max3A_31 = arith.constant dense<0xFF800000> : vector<640xf32>
    %reduce_max3A_32 = vector.multi_reduction <maximumf>, %slice3A_30, %reduce_max3A_31 [1] : vector<640x128xf32> to vector<640xf32>
    %broadcast_in_dim3A_33 = vector.shape_cast %reduce_max3A_32 : vector<640xf32> to vector<640x1xf32>
    %eq3A_34 = arith.constant 1 : i32
    %eq3A_35 = vector.broadcast %eq3A_34 : i32 to vector<640x128xi32>
    %eq3A_36 = arith.cmpi eq, %iota3A_20, %eq3A_35 : vector<640x128xi32>
    %broadcast_in_dim3A_37 = vector.shape_cast %broadcast_in_dim3A_33 : vector<640x1xf32> to vector<640x1xf32>
    %broadcast_in_dim3A_38 = vector.broadcast %broadcast_in_dim3A_37 : vector<640x1xf32> to vector<640x128xf32>
    %select_n3A_39 = arith.select %eq3A_36, %broadcast_in_dim3A_38, %select_n3A_29 : vector<640x128xi1>, vector<640x128xf32>
    %slice3A_40 = vector.extract_strided_slice %div3A_17 {offsets = [0, 256], sizes = [640, 128], strides = [1, 1]} : vector<640x3584xf32> to vector<640x128xf32>
    %reduce_max3A_41 = arith.constant dense<0xFF800000> : vector<640xf32>
    %reduce_max3A_42 = vector.multi_reduction <maximumf>, %slice3A_40, %reduce_max3A_41 [1] : vector<640x128xf32> to vector<640xf32>
    %broadcast_in_dim3A_43 = vector.shape_cast %reduce_max3A_42 : vector<640xf32> to vector<640x1xf32>
    %eq3A_44 = arith.constant 2 : i32
    %eq3A_45 = vector.broadcast %eq3A_44 : i32 to vector<640x128xi32>
    %eq3A_46 = arith.cmpi eq, %iota3A_20, %eq3A_45 : vector<640x128xi32>
    %broadcast_in_dim3A_47 = vector.shape_cast %broadcast_in_dim3A_43 : vector<640x1xf32> to vector<640x1xf32>
    %broadcast_in_dim3A_48 = vector.broadcast %broadcast_in_dim3A_47 : vector<640x1xf32> to vector<640x128xf32>
    %select_n3A_49 = arith.select %eq3A_46, %broadcast_in_dim3A_48, %select_n3A_39 : vector<640x128xi1>, vector<640x128xf32>
    %slice3A_50 = vector.extract_strided_slice %div3A_17 {offsets = [0, 384], sizes = [640, 128], strides = [1, 1]} : vector<640x3584xf32> to vector<640x128xf32>
    %reduce_max3A_51 = arith.constant dense<0xFF800000> : vector<640xf32>
    %reduce_max3A_52 = vector.multi_reduction <maximumf>, %slice3A_50, %reduce_max3A_51 [1] : vector<640x128xf32> to vector<640xf32>
    %broadcast_in_dim3A_53 = vector.shape_cast %reduce_max3A_52 : vector<640xf32> to vector<640x1xf32>
    %eq3A_54 = arith.constant 3 : i32
    %eq3A_55 = vector.broadcast %eq3A_54 : i32 to vector<640x128xi32>
    %eq3A_56 = arith.cmpi eq, %iota3A_20, %eq3A_55 : vector<640x128xi32>
    %broadcast_in_dim3A_57 = vector.shape_cast %broadcast_in_dim3A_53 : vector<640x1xf32> to vector<640x1xf32>
    %broadcast_in_dim3A_58 = vector.broadcast %broadcast_in_dim3A_57 : vector<640x1xf32> to vector<640x128xf32>
    %select_n3A_59 = arith.select %eq3A_56, %broadcast_in_dim3A_58, %select_n3A_49 : vector<640x128xi1>, vector<640x128xf32>
    %slice3A_60 = vector.extract_strided_slice %div3A_17 {offsets = [0, 512], sizes = [640, 128], strides = [1, 1]} : vector<640x3584xf32> to vector<640x128xf32>
    %reduce_max3A_61 = arith.constant dense<0xFF800000> : vector<640xf32>
    %reduce_max3A_62 = vector.multi_reduction <maximumf>, %slice3A_60, %reduce_max3A_61 [1] : vector<640x128xf32> to vector<640xf32>
    %broadcast_in_dim3A_63 = vector.shape_cast %reduce_max3A_62 : vector<640xf32> to vector<640x1xf32>
    %eq3A_64 = arith.constant 4 : i32
    %eq3A_65 = vector.broadcast %eq3A_64 : i32 to vector<640x128xi32>
    %eq3A_66 = arith.cmpi eq, %iota3A_20, %eq3A_65 : vector<640x128xi32>
    %broadcast_in_dim3A_67 = vector.shape_cast %broadcast_in_dim3A_63 : vector<640x1xf32> to vector<640x1xf32>
    %broadcast_in_dim3A_68 = vector.broadcast %broadcast_in_dim3A_67 : vector<640x1xf32> to vector<640x128xf32>
    %select_n3A_69 = arith.select %eq3A_66, %broadcast_in_dim3A_68, %select_n3A_59 : vector<640x128xi1>, vector<640x128xf32>
    %slice3A_70 = vector.extract_strided_slice %div3A_17 {offsets = [0, 640], sizes = [640, 128], strides = [1, 1]} : vector<640x3584xf32> to vector<640x128xf32>
    %reduce_max3A_71 = arith.constant dense<0xFF800000> : vector<640xf32>
    %reduce_max3A_72 = vector.multi_reduction <maximumf>, %slice3A_70, %reduce_max3A_71 [1] : vector<640x128xf32> to vector<640xf32>
    %broadcast_in_dim3A_73 = vector.shape_cast %reduce_max3A_72 : vector<640xf32> to vector<640x1xf32>
    %eq3A_74 = arith.constant 5 : i32
    %eq3A_75 = vector.broadcast %eq3A_74 : i32 to vector<640x128xi32>
    %eq3A_76 = arith.cmpi eq, %iota3A_20, %eq3A_75 : vector<640x128xi32>
    %broadcast_in_dim3A_77 = vector.shape_cast %broadcast_in_dim3A_73 : vector<640x1xf32> to vector<640x1xf32>
    %broadcast_in_dim3A_78 = vector.broadcast %broadcast_in_dim3A_77 : vector<640x1xf32> to vector<640x128xf32>
    %select_n3A_79 = arith.select %eq3A_76, %broadcast_in_dim3A_78, %select_n3A_69 : vector<640x128xi1>, vector<640x128xf32>
    %slice3A_80 = vector.extract_strided_slice %div3A_17 {offsets = [0, 768], sizes = [640, 128], strides = [1, 1]} : vector<640x3584xf32> to vector<640x128xf32>
    %reduce_max3A_81 = arith.constant dense<0xFF800000> : vector<640xf32>
    %reduce_max3A_82 = vector.multi_reduction <maximumf>, %slice3A_80, %reduce_max3A_81 [1] : vector<640x128xf32> to vector<640xf32>
    %broadcast_in_dim3A_83 = vector.shape_cast %reduce_max3A_82 : vector<640xf32> to vector<640x1xf32>
    %eq3A_84 = arith.constant 6 : i32
    %eq3A_85 = vector.broadcast %eq3A_84 : i32 to vector<640x128xi32>
    %eq3A_86 = arith.cmpi eq, %iota3A_20, %eq3A_85 : vector<640x128xi32>
    %broadcast_in_dim3A_87 = vector.shape_cast %broadcast_in_dim3A_83 : vector<640x1xf32> to vector<640x1xf32>
    %broadcast_in_dim3A_88 = vector.broadcast %broadcast_in_dim3A_87 : vector<640x1xf32> to vector<640x128xf32>
    %select_n3A_89 = arith.select %eq3A_86, %broadcast_in_dim3A_88, %select_n3A_79 : vector<640x128xi1>, vector<640x128xf32>
    %slice3A_90 = vector.extract_strided_slice %div3A_17 {offsets = [0, 896], sizes = [640, 128], strides = [1, 1]} : vector<640x3584xf32> to vector<640x128xf32>
    %reduce_max3A_91 = arith.constant dense<0xFF800000> : vector<640xf32>
    %reduce_max3A_92 = vector.multi_reduction <maximumf>, %slice3A_90, %reduce_max3A_91 [1] : vector<640x128xf32> to vector<640xf32>
    %broadcast_in_dim3A_93 = vector.shape_cast %reduce_max3A_92 : vector<640xf32> to vector<640x1xf32>
    %eq3A_94 = arith.constant 7 : i32
    %eq3A_95 = vector.broadcast %eq3A_94 : i32 to vector<640x128xi32>
    %eq3A_96 = arith.cmpi eq, %iota3A_20, %eq3A_95 : vector<640x128xi32>
    %broadcast_in_dim3A_97 = vector.shape_cast %broadcast_in_dim3A_93 : vector<640x1xf32> to vector<640x1xf32>
    %broadcast_in_dim3A_98 = vector.broadcast %broadcast_in_dim3A_97 : vector<640x1xf32> to vector<640x128xf32>
    %select_n3A_99 = arith.select %eq3A_96, %broadcast_in_dim3A_98, %select_n3A_89 : vector<640x128xi1>, vector<640x128xf32>
    %slice3A_100 = vector.extract_strided_slice %div3A_17 {offsets = [0, 1024], sizes = [640, 128], strides = [1, 1]} : vector<640x3584xf32> to vector<640x128xf32>
    %reduce_max3A_101 = arith.constant dense<0xFF800000> : vector<640xf32>
    %reduce_max3A_102 = vector.multi_reduction <maximumf>, %slice3A_100, %reduce_max3A_101 [1] : vector<640x128xf32> to vector<640xf32>
    %broadcast_in_dim3A_103 = vector.shape_cast %reduce_max3A_102 : vector<640xf32> to vector<640x1xf32>
    %eq3A_104 = arith.constant 8 : i32
    %eq3A_105 = vector.broadcast %eq3A_104 : i32 to vector<640x128xi32>
    %eq3A_106 = arith.cmpi eq, %iota3A_20, %eq3A_105 : vector<640x128xi32>
    %broadcast_in_dim3A_107 = vector.shape_cast %broadcast_in_dim3A_103 : vector<640x1xf32> to vector<640x1xf32>
    %broadcast_in_dim3A_108 = vector.broadcast %broadcast_in_dim3A_107 : vector<640x1xf32> to vector<640x128xf32>
    %select_n3A_109 = arith.select %eq3A_106, %broadcast_in_dim3A_108, %select_n3A_99 : vector<640x128xi1>, vector<640x128xf32>
    %slice3A_110 = vector.extract_strided_slice %div3A_17 {offsets = [0, 1152], sizes = [640, 128], strides = [1, 1]} : vector<640x3584xf32> to vector<640x128xf32>
    %reduce_max3A_111 = arith.constant dense<0xFF800000> : vector<640xf32>
    %reduce_max3A_112 = vector.multi_reduction <maximumf>, %slice3A_110, %reduce_max3A_111 [1] : vector<640x128xf32> to vector<640xf32>
    %broadcast_in_dim3A_113 = vector.shape_cast %reduce_max3A_112 : vector<640xf32> to vector<640x1xf32>
    %eq3A_114 = arith.constant 9 : i32
    %eq3A_115 = vector.broadcast %eq3A_114 : i32 to vector<640x128xi32>
    %eq3A_116 = arith.cmpi eq, %iota3A_20, %eq3A_115 : vector<640x128xi32>
    %broadcast_in_dim3A_117 = vector.shape_cast %broadcast_in_dim3A_113 : vector<640x1xf32> to vector<640x1xf32>
    %broadcast_in_dim3A_118 = vector.broadcast %broadcast_in_dim3A_117 : vector<640x1xf32> to vector<640x128xf32>
    %select_n3A_119 = arith.select %eq3A_116, %broadcast_in_dim3A_118, %select_n3A_109 : vector<640x128xi1>, vector<640x128xf32>
    %slice3A_120 = vector.extract_strided_slice %div3A_17 {offsets = [0, 1280], sizes = [640, 128], strides = [1, 1]} : vector<640x3584xf32> to vector<640x128xf32>
    %reduce_max3A_121 = arith.constant dense<0xFF800000> : vector<640xf32>
    %reduce_max3A_122 = vector.multi_reduction <maximumf>, %slice3A_120, %reduce_max3A_121 [1] : vector<640x128xf32> to vector<640xf32>
    %broadcast_in_dim3A_123 = vector.shape_cast %reduce_max3A_122 : vector<640xf32> to vector<640x1xf32>
    %eq3A_124 = arith.constant 10 : i32
    %eq3A_125 = vector.broadcast %eq3A_124 : i32 to vector<640x128xi32>
    %eq3A_126 = arith.cmpi eq, %iota3A_20, %eq3A_125 : vector<640x128xi32>
    %broadcast_in_dim3A_127 = vector.shape_cast %broadcast_in_dim3A_123 : vector<640x1xf32> to vector<640x1xf32>
    %broadcast_in_dim3A_128 = vector.broadcast %broadcast_in_dim3A_127 : vector<640x1xf32> to vector<640x128xf32>
    %select_n3A_129 = arith.select %eq3A_126, %broadcast_in_dim3A_128, %select_n3A_119 : vector<640x128xi1>, vector<640x128xf32>
    %slice3A_130 = vector.extract_strided_slice %div3A_17 {offsets = [0, 1408], sizes = [640, 128], strides = [1, 1]} : vector<640x3584xf32> to vector<640x128xf32>
    %reduce_max3A_131 = arith.constant dense<0xFF800000> : vector<640xf32>
    %reduce_max3A_132 = vector.multi_reduction <maximumf>, %slice3A_130, %reduce_max3A_131 [1] : vector<640x128xf32> to vector<640xf32>
    %broadcast_in_dim3A_133 = vector.shape_cast %reduce_max3A_132 : vector<640xf32> to vector<640x1xf32>
    %eq3A_134 = arith.constant 11 : i32
    %eq3A_135 = vector.broadcast %eq3A_134 : i32 to vector<640x128xi32>
    %eq3A_136 = arith.cmpi eq, %iota3A_20, %eq3A_135 : vector<640x128xi32>
    %broadcast_in_dim3A_137 = vector.shape_cast %broadcast_in_dim3A_133 : vector<640x1xf32> to vector<640x1xf32>
    %broadcast_in_dim3A_138 = vector.broadcast %broadcast_in_dim3A_137 : vector<640x1xf32> to vector<640x128xf32>
    %select_n3A_139 = arith.select %eq3A_136, %broadcast_in_dim3A_138, %select_n3A_129 : vector<640x128xi1>, vector<640x128xf32>
    %slice3A_140 = vector.extract_strided_slice %div3A_17 {offsets = [0, 1536], sizes = [640, 128], strides = [1, 1]} : vector<640x3584xf32> to vector<640x128xf32>
    %reduce_max3A_141 = arith.constant dense<0xFF800000> : vector<640xf32>
    %reduce_max3A_142 = vector.multi_reduction <maximumf>, %slice3A_140, %reduce_max3A_141 [1] : vector<640x128xf32> to vector<640xf32>
    %broadcast_in_dim3A_143 = vector.shape_cast %reduce_max3A_142 : vector<640xf32> to vector<640x1xf32>
    %eq3A_144 = arith.constant 12 : i32
    %eq3A_145 = vector.broadcast %eq3A_144 : i32 to vector<640x128xi32>
    %eq3A_146 = arith.cmpi eq, %iota3A_20, %eq3A_145 : vector<640x128xi32>
    %broadcast_in_dim3A_147 = vector.shape_cast %broadcast_in_dim3A_143 : vector<640x1xf32> to vector<640x1xf32>
    %broadcast_in_dim3A_148 = vector.broadcast %broadcast_in_dim3A_147 : vector<640x1xf32> to vector<640x128xf32>
    %select_n3A_149 = arith.select %eq3A_146, %broadcast_in_dim3A_148, %select_n3A_139 : vector<640x128xi1>, vector<640x128xf32>
    %slice3A_150 = vector.extract_strided_slice %div3A_17 {offsets = [0, 1664], sizes = [640, 128], strides = [1, 1]} : vector<640x3584xf32> to vector<640x128xf32>
    %reduce_max3A_151 = arith.constant dense<0xFF800000> : vector<640xf32>
    %reduce_max3A_152 = vector.multi_reduction <maximumf>, %slice3A_150, %reduce_max3A_151 [1] : vector<640x128xf32> to vector<640xf32>
    %broadcast_in_dim3A_153 = vector.shape_cast %reduce_max3A_152 : vector<640xf32> to vector<640x1xf32>
    %eq3A_154 = arith.constant 13 : i32
    %eq3A_155 = vector.broadcast %eq3A_154 : i32 to vector<640x128xi32>
    %eq3A_156 = arith.cmpi eq, %iota3A_20, %eq3A_155 : vector<640x128xi32>
    %broadcast_in_dim3A_157 = vector.shape_cast %broadcast_in_dim3A_153 : vector<640x1xf32> to vector<640x1xf32>
    %broadcast_in_dim3A_158 = vector.broadcast %broadcast_in_dim3A_157 : vector<640x1xf32> to vector<640x128xf32>
    %select_n3A_159 = arith.select %eq3A_156, %broadcast_in_dim3A_158, %select_n3A_149 : vector<640x128xi1>, vector<640x128xf32>
    %slice3A_160 = vector.extract_strided_slice %div3A_17 {offsets = [0, 1792], sizes = [640, 128], strides = [1, 1]} : vector<640x3584xf32> to vector<640x128xf32>
    %reduce_max3A_161 = arith.constant dense<0xFF800000> : vector<640xf32>
    %reduce_max3A_162 = vector.multi_reduction <maximumf>, %slice3A_160, %reduce_max3A_161 [1] : vector<640x128xf32> to vector<640xf32>
    %broadcast_in_dim3A_163 = vector.shape_cast %reduce_max3A_162 : vector<640xf32> to vector<640x1xf32>
    %eq3A_164 = arith.constant 14 : i32
    %eq3A_165 = vector.broadcast %eq3A_164 : i32 to vector<640x128xi32>
    %eq3A_166 = arith.cmpi eq, %iota3A_20, %eq3A_165 : vector<640x128xi32>
    %broadcast_in_dim3A_167 = vector.shape_cast %broadcast_in_dim3A_163 : vector<640x1xf32> to vector<640x1xf32>
    %broadcast_in_dim3A_168 = vector.broadcast %broadcast_in_dim3A_167 : vector<640x1xf32> to vector<640x128xf32>
    %select_n3A_169 = arith.select %eq3A_166, %broadcast_in_dim3A_168, %select_n3A_159 : vector<640x128xi1>, vector<640x128xf32>
    %slice3A_170 = vector.extract_strided_slice %div3A_17 {offsets = [0, 1920], sizes = [640, 128], strides = [1, 1]} : vector<640x3584xf32> to vector<640x128xf32>
    %reduce_max3A_171 = arith.constant dense<0xFF800000> : vector<640xf32>
    %reduce_max3A_172 = vector.multi_reduction <maximumf>, %slice3A_170, %reduce_max3A_171 [1] : vector<640x128xf32> to vector<640xf32>
    %broadcast_in_dim3A_173 = vector.shape_cast %reduce_max3A_172 : vector<640xf32> to vector<640x1xf32>
    %eq3A_174 = arith.constant 15 : i32
    %eq3A_175 = vector.broadcast %eq3A_174 : i32 to vector<640x128xi32>
    %eq3A_176 = arith.cmpi eq, %iota3A_20, %eq3A_175 : vector<640x128xi32>
    %broadcast_in_dim3A_177 = vector.shape_cast %broadcast_in_dim3A_173 : vector<640x1xf32> to vector<640x1xf32>
    %broadcast_in_dim3A_178 = vector.broadcast %broadcast_in_dim3A_177 : vector<640x1xf32> to vector<640x128xf32>
    %select_n3A_179 = arith.select %eq3A_176, %broadcast_in_dim3A_178, %select_n3A_169 : vector<640x128xi1>, vector<640x128xf32>
    %slice3A_180 = vector.extract_strided_slice %div3A_17 {offsets = [0, 2048], sizes = [640, 128], strides = [1, 1]} : vector<640x3584xf32> to vector<640x128xf32>
    %reduce_max3A_181 = arith.constant dense<0xFF800000> : vector<640xf32>
    %reduce_max3A_182 = vector.multi_reduction <maximumf>, %slice3A_180, %reduce_max3A_181 [1] : vector<640x128xf32> to vector<640xf32>
    %broadcast_in_dim3A_183 = vector.shape_cast %reduce_max3A_182 : vector<640xf32> to vector<640x1xf32>
    %eq3A_184 = arith.constant 16 : i32
    %eq3A_185 = vector.broadcast %eq3A_184 : i32 to vector<640x128xi32>
    %eq3A_186 = arith.cmpi eq, %iota3A_20, %eq3A_185 : vector<640x128xi32>
    %broadcast_in_dim3A_187 = vector.shape_cast %broadcast_in_dim3A_183 : vector<640x1xf32> to vector<640x1xf32>
    %broadcast_in_dim3A_188 = vector.broadcast %broadcast_in_dim3A_187 : vector<640x1xf32> to vector<640x128xf32>
    %select_n3A_189 = arith.select %eq3A_186, %broadcast_in_dim3A_188, %select_n3A_179 : vector<640x128xi1>, vector<640x128xf32>
    %slice3A_190 = vector.extract_strided_slice %div3A_17 {offsets = [0, 2176], sizes = [640, 128], strides = [1, 1]} : vector<640x3584xf32> to vector<640x128xf32>
    %reduce_max3A_191 = arith.constant dense<0xFF800000> : vector<640xf32>
    %reduce_max3A_192 = vector.multi_reduction <maximumf>, %slice3A_190, %reduce_max3A_191 [1] : vector<640x128xf32> to vector<640xf32>
    %broadcast_in_dim3A_193 = vector.shape_cast %reduce_max3A_192 : vector<640xf32> to vector<640x1xf32>
    %eq3A_194 = arith.constant 17 : i32
    %eq3A_195 = vector.broadcast %eq3A_194 : i32 to vector<640x128xi32>
    %eq3A_196 = arith.cmpi eq, %iota3A_20, %eq3A_195 : vector<640x128xi32>
    %broadcast_in_dim3A_197 = vector.shape_cast %broadcast_in_dim3A_193 : vector<640x1xf32> to vector<640x1xf32>
    %broadcast_in_dim3A_198 = vector.broadcast %broadcast_in_dim3A_197 : vector<640x1xf32> to vector<640x128xf32>
    %select_n3A_199 = arith.select %eq3A_196, %broadcast_in_dim3A_198, %select_n3A_189 : vector<640x128xi1>, vector<640x128xf32>
    %slice3A_200 = vector.extract_strided_slice %div3A_17 {offsets = [0, 2304], sizes = [640, 128], strides = [1, 1]} : vector<640x3584xf32> to vector<640x128xf32>
    %reduce_max3A_201 = arith.constant dense<0xFF800000> : vector<640xf32>
    %reduce_max3A_202 = vector.multi_reduction <maximumf>, %slice3A_200, %reduce_max3A_201 [1] : vector<640x128xf32> to vector<640xf32>
    %broadcast_in_dim3A_203 = vector.shape_cast %reduce_max3A_202 : vector<640xf32> to vector<640x1xf32>
    %eq3A_204 = arith.constant 18 : i32
    %eq3A_205 = vector.broadcast %eq3A_204 : i32 to vector<640x128xi32>
    %eq3A_206 = arith.cmpi eq, %iota3A_20, %eq3A_205 : vector<640x128xi32>
    %broadcast_in_dim3A_207 = vector.shape_cast %broadcast_in_dim3A_203 : vector<640x1xf32> to vector<640x1xf32>
    %broadcast_in_dim3A_208 = vector.broadcast %broadcast_in_dim3A_207 : vector<640x1xf32> to vector<640x128xf32>
    %select_n3A_209 = arith.select %eq3A_206, %broadcast_in_dim3A_208, %select_n3A_199 : vector<640x128xi1>, vector<640x128xf32>
    %slice3A_210 = vector.extract_strided_slice %div3A_17 {offsets = [0, 2432], sizes = [640, 128], strides = [1, 1]} : vector<640x3584xf32> to vector<640x128xf32>
    %reduce_max3A_211 = arith.constant dense<0xFF800000> : vector<640xf32>
    %reduce_max3A_212 = vector.multi_reduction <maximumf>, %slice3A_210, %reduce_max3A_211 [1] : vector<640x128xf32> to vector<640xf32>
    %broadcast_in_dim3A_213 = vector.shape_cast %reduce_max3A_212 : vector<640xf32> to vector<640x1xf32>
    %eq3A_214 = arith.constant 19 : i32
    %eq3A_215 = vector.broadcast %eq3A_214 : i32 to vector<640x128xi32>
    %eq3A_216 = arith.cmpi eq, %iota3A_20, %eq3A_215 : vector<640x128xi32>
    %broadcast_in_dim3A_217 = vector.shape_cast %broadcast_in_dim3A_213 : vector<640x1xf32> to vector<640x1xf32>
    %broadcast_in_dim3A_218 = vector.broadcast %broadcast_in_dim3A_217 : vector<640x1xf32> to vector<640x128xf32>
    %select_n3A_219 = arith.select %eq3A_216, %broadcast_in_dim3A_218, %select_n3A_209 : vector<640x128xi1>, vector<640x128xf32>
    %slice3A_220 = vector.extract_strided_slice %div3A_17 {offsets = [0, 2560], sizes = [640, 128], strides = [1, 1]} : vector<640x3584xf32> to vector<640x128xf32>
    %reduce_max3A_221 = arith.constant dense<0xFF800000> : vector<640xf32>
    %reduce_max3A_222 = vector.multi_reduction <maximumf>, %slice3A_220, %reduce_max3A_221 [1] : vector<640x128xf32> to vector<640xf32>
    %broadcast_in_dim3A_223 = vector.shape_cast %reduce_max3A_222 : vector<640xf32> to vector<640x1xf32>
    %eq3A_224 = arith.constant 20 : i32
    %eq3A_225 = vector.broadcast %eq3A_224 : i32 to vector<640x128xi32>
    %eq3A_226 = arith.cmpi eq, %iota3A_20, %eq3A_225 : vector<640x128xi32>
    %broadcast_in_dim3A_227 = vector.shape_cast %broadcast_in_dim3A_223 : vector<640x1xf32> to vector<640x1xf32>
    %broadcast_in_dim3A_228 = vector.broadcast %broadcast_in_dim3A_227 : vector<640x1xf32> to vector<640x128xf32>
    %select_n3A_229 = arith.select %eq3A_226, %broadcast_in_dim3A_228, %select_n3A_219 : vector<640x128xi1>, vector<640x128xf32>
    %slice3A_230 = vector.extract_strided_slice %div3A_17 {offsets = [0, 2688], sizes = [640, 128], strides = [1, 1]} : vector<640x3584xf32> to vector<640x128xf32>
    %reduce_max3A_231 = arith.constant dense<0xFF800000> : vector<640xf32>
    %reduce_max3A_232 = vector.multi_reduction <maximumf>, %slice3A_230, %reduce_max3A_231 [1] : vector<640x128xf32> to vector<640xf32>
    %broadcast_in_dim3A_233 = vector.shape_cast %reduce_max3A_232 : vector<640xf32> to vector<640x1xf32>
    %eq3A_234 = arith.constant 21 : i32
    %eq3A_235 = vector.broadcast %eq3A_234 : i32 to vector<640x128xi32>
    %eq3A_236 = arith.cmpi eq, %iota3A_20, %eq3A_235 : vector<640x128xi32>
    %broadcast_in_dim3A_237 = vector.shape_cast %broadcast_in_dim3A_233 : vector<640x1xf32> to vector<640x1xf32>
    %broadcast_in_dim3A_238 = vector.broadcast %broadcast_in_dim3A_237 : vector<640x1xf32> to vector<640x128xf32>
    %select_n3A_239 = arith.select %eq3A_236, %broadcast_in_dim3A_238, %select_n3A_229 : vector<640x128xi1>, vector<640x128xf32>
    %slice3A_240 = vector.extract_strided_slice %div3A_17 {offsets = [0, 2816], sizes = [640, 128], strides = [1, 1]} : vector<640x3584xf32> to vector<640x128xf32>
    %reduce_max3A_241 = arith.constant dense<0xFF800000> : vector<640xf32>
    %reduce_max3A_242 = vector.multi_reduction <maximumf>, %slice3A_240, %reduce_max3A_241 [1] : vector<640x128xf32> to vector<640xf32>
    %broadcast_in_dim3A_243 = vector.shape_cast %reduce_max3A_242 : vector<640xf32> to vector<640x1xf32>
    %eq3A_244 = arith.constant 22 : i32
    %eq3A_245 = vector.broadcast %eq3A_244 : i32 to vector<640x128xi32>
    %eq3A_246 = arith.cmpi eq, %iota3A_20, %eq3A_245 : vector<640x128xi32>
    %broadcast_in_dim3A_247 = vector.shape_cast %broadcast_in_dim3A_243 : vector<640x1xf32> to vector<640x1xf32>
    %broadcast_in_dim3A_248 = vector.broadcast %broadcast_in_dim3A_247 : vector<640x1xf32> to vector<640x128xf32>
    %select_n3A_249 = arith.select %eq3A_246, %broadcast_in_dim3A_248, %select_n3A_239 : vector<640x128xi1>, vector<640x128xf32>
    %slice3A_250 = vector.extract_strided_slice %div3A_17 {offsets = [0, 2944], sizes = [640, 128], strides = [1, 1]} : vector<640x3584xf32> to vector<640x128xf32>
    %reduce_max3A_251 = arith.constant dense<0xFF800000> : vector<640xf32>
    %reduce_max3A_252 = vector.multi_reduction <maximumf>, %slice3A_250, %reduce_max3A_251 [1] : vector<640x128xf32> to vector<640xf32>
    %broadcast_in_dim3A_253 = vector.shape_cast %reduce_max3A_252 : vector<640xf32> to vector<640x1xf32>
    %eq3A_254 = arith.constant 23 : i32
    %eq3A_255 = vector.broadcast %eq3A_254 : i32 to vector<640x128xi32>
    %eq3A_256 = arith.cmpi eq, %iota3A_20, %eq3A_255 : vector<640x128xi32>
    %broadcast_in_dim3A_257 = vector.shape_cast %broadcast_in_dim3A_253 : vector<640x1xf32> to vector<640x1xf32>
    %broadcast_in_dim3A_258 = vector.broadcast %broadcast_in_dim3A_257 : vector<640x1xf32> to vector<640x128xf32>
    %select_n3A_259 = arith.select %eq3A_256, %broadcast_in_dim3A_258, %select_n3A_249 : vector<640x128xi1>, vector<640x128xf32>
    %slice3A_260 = vector.extract_strided_slice %div3A_17 {offsets = [0, 3072], sizes = [640, 128], strides = [1, 1]} : vector<640x3584xf32> to vector<640x128xf32>
    %reduce_max3A_261 = arith.constant dense<0xFF800000> : vector<640xf32>
    %reduce_max3A_262 = vector.multi_reduction <maximumf>, %slice3A_260, %reduce_max3A_261 [1] : vector<640x128xf32> to vector<640xf32>
    %broadcast_in_dim3A_263 = vector.shape_cast %reduce_max3A_262 : vector<640xf32> to vector<640x1xf32>
    %eq3A_264 = arith.constant 24 : i32
    %eq3A_265 = vector.broadcast %eq3A_264 : i32 to vector<640x128xi32>
    %eq3A_266 = arith.cmpi eq, %iota3A_20, %eq3A_265 : vector<640x128xi32>
    %broadcast_in_dim3A_267 = vector.shape_cast %broadcast_in_dim3A_263 : vector<640x1xf32> to vector<640x1xf32>
    %broadcast_in_dim3A_268 = vector.broadcast %broadcast_in_dim3A_267 : vector<640x1xf32> to vector<640x128xf32>
    %select_n3A_269 = arith.select %eq3A_266, %broadcast_in_dim3A_268, %select_n3A_259 : vector<640x128xi1>, vector<640x128xf32>
    %slice3A_270 = vector.extract_strided_slice %div3A_17 {offsets = [0, 3200], sizes = [640, 128], strides = [1, 1]} : vector<640x3584xf32> to vector<640x128xf32>
    %reduce_max3A_271 = arith.constant dense<0xFF800000> : vector<640xf32>
    %reduce_max3A_272 = vector.multi_reduction <maximumf>, %slice3A_270, %reduce_max3A_271 [1] : vector<640x128xf32> to vector<640xf32>
    %broadcast_in_dim3A_273 = vector.shape_cast %reduce_max3A_272 : vector<640xf32> to vector<640x1xf32>
    %eq3A_274 = arith.constant 25 : i32
    %eq3A_275 = vector.broadcast %eq3A_274 : i32 to vector<640x128xi32>
    %eq3A_276 = arith.cmpi eq, %iota3A_20, %eq3A_275 : vector<640x128xi32>
    %broadcast_in_dim3A_277 = vector.shape_cast %broadcast_in_dim3A_273 : vector<640x1xf32> to vector<640x1xf32>
    %broadcast_in_dim3A_278 = vector.broadcast %broadcast_in_dim3A_277 : vector<640x1xf32> to vector<640x128xf32>
    %select_n3A_279 = arith.select %eq3A_276, %broadcast_in_dim3A_278, %select_n3A_269 : vector<640x128xi1>, vector<640x128xf32>
    %slice3A_280 = vector.extract_strided_slice %div3A_17 {offsets = [0, 3328], sizes = [640, 128], strides = [1, 1]} : vector<640x3584xf32> to vector<640x128xf32>
    %reduce_max3A_281 = arith.constant dense<0xFF800000> : vector<640xf32>
    %reduce_max3A_282 = vector.multi_reduction <maximumf>, %slice3A_280, %reduce_max3A_281 [1] : vector<640x128xf32> to vector<640xf32>
    %broadcast_in_dim3A_283 = vector.shape_cast %reduce_max3A_282 : vector<640xf32> to vector<640x1xf32>
    %eq3A_284 = arith.constant 26 : i32
    %eq3A_285 = vector.broadcast %eq3A_284 : i32 to vector<640x128xi32>
    %eq3A_286 = arith.cmpi eq, %iota3A_20, %eq3A_285 : vector<640x128xi32>
    %broadcast_in_dim3A_287 = vector.shape_cast %broadcast_in_dim3A_283 : vector<640x1xf32> to vector<640x1xf32>
    %broadcast_in_dim3A_288 = vector.broadcast %broadcast_in_dim3A_287 : vector<640x1xf32> to vector<640x128xf32>
    %select_n3A_289 = arith.select %eq3A_286, %broadcast_in_dim3A_288, %select_n3A_279 : vector<640x128xi1>, vector<640x128xf32>
    %slice3A_290 = vector.extract_strided_slice %div3A_17 {offsets = [0, 3456], sizes = [640, 128], strides = [1, 1]} : vector<640x3584xf32> to vector<640x128xf32>
    %reduce_max3A_291 = arith.constant dense<0xFF800000> : vector<640xf32>
    %reduce_max3A_292 = vector.multi_reduction <maximumf>, %slice3A_290, %reduce_max3A_291 [1] : vector<640x128xf32> to vector<640xf32>
    %broadcast_in_dim3A_293 = vector.shape_cast %reduce_max3A_292 : vector<640xf32> to vector<640x1xf32>
    %eq3A_294 = arith.constant 27 : i32
    %eq3A_295 = vector.broadcast %eq3A_294 : i32 to vector<640x128xi32>
    %eq3A_296 = arith.cmpi eq, %iota3A_20, %eq3A_295 : vector<640x128xi32>
    %broadcast_in_dim3A_297 = vector.shape_cast %broadcast_in_dim3A_293 : vector<640x1xf32> to vector<640x1xf32>
    %broadcast_in_dim3A_298 = vector.broadcast %broadcast_in_dim3A_297 : vector<640x1xf32> to vector<640x128xf32>
    %select_n3A_299 = arith.select %eq3A_296, %broadcast_in_dim3A_298, %select_n3A_289 : vector<640x128xi1>, vector<640x128xf32>
    %swap3A_300 = arith.constant 0 : index
    %swap3A_301 = arith.constant 0 : index
    %swap3A_302 = vector.load %arg6[%swap3A_300, %swap3A_301] : memref<640x128xf32, #tpu.memory_space<vmem>>, vector<640x128xf32>
    tpu.vector_store %arg6[%swap3A_300, %swap3A_301], %select_n3A_299 {strides = array<i32>} : memref<640x128xf32, #tpu.memory_space<vmem>>, vector<640x128xf32>,
    return
  }
  func.func @transform_0(%arg0: i32) -> (i32, i32) {
    %c0_i32 = arith.constant 0 : i32
    %c0_i32_0 = arith.constant 0 : i32
    %c0_i32_1 = arith.constant 0 : i32
    return %c0_i32, %c0_i32_0 : i32, i32
  }
  func.func @transform_1(%arg0: i32) -> (i32, i32) {
    %c0_i32 = arith.constant 0 : i32
    %c0_i32_0 = arith.constant 0 : i32
    return %arg0, %c0_i32 : i32, i32
  }
  func.func @transform_2(%arg0: i32) -> (i32, i32) {
    %c0_i32 = arith.constant 0 : i32
    %c0_i32_0 = arith.constant 0 : i32
    %c0_i32_1 = arith.constant 0 : i32
    return %c0_i32, %c0_i32_0 : i32, i32
  }
  func.func @transform_3(%arg0: i32) -> (i32, i32) {
    %c0_i32 = arith.constant 0 : i32
    %c0_i32_0 = arith.constant 0 : i32
    %c0_i32_1 = arith.constant 0 : i32
    return %c0_i32, %c0_i32_0 : i32, i32
  }
  func.func @transform_4(%arg0: i32) -> (i32, i32) {
    %c0_i32 = arith.constant 0 : i32
    %c0_i32_0 = arith.constant 0 : i32
    return %c0_i32, %arg0 : i32, i32
  }
  func.func @transform_5(%arg0: i32) -> (i32, i32) {
    %c0_i32 = arith.constant 0 : i32
    %c0_i32_0 = arith.constant 0 : i32
    return %c0_i32, %arg0 : i32, i32
  }
}

module attributes {stable_mosaic.version = 14 : i64} {
  func.func @_k2_blocksel(%arg0: memref<640x784xf32, #tpu.memory_space<vmem>>, %arg1: memref<640x128xi32, #tpu.memory_space<vmem>>, %arg2: memref<640x784xf32, #tpu.memory_space<vmem>>) attributes {dimension_semantics = [], scalar_prefetch = 0 : i64, scratch_operands = 1 : i64, tpu.core_type = #tpu.core_type<tc>} {
    %get3A = arith.constant 0 : index
    %get3A_0 = arith.constant 0 : index
    %get3A_1 = vector.load %arg0[%get3A, %get3A_0] : memref<640x784xf32, #tpu.memory_space<vmem>>, vector<640x784xf32>
    %swap3A = arith.constant 0 : index
    %swap3A_2 = arith.constant 0 : index
    %swap3A_3 = vector.load %arg2[%swap3A, %swap3A_2] : memref<640x784xf32, #tpu.memory_space<vmem>>, vector<640x784xf32>
    tpu.vector_store %arg2[%swap3A, %swap3A_2], %get3A_1 {strides = array<i32>} : memref<640x784xf32, #tpu.memory_space<vmem>>, vector<640x784xf32>,
    %broadcast_in_dim3A = arith.constant 0 : i32
    %broadcast_in_dim3A_4 = vector.broadcast %broadcast_in_dim3A : i32 to vector<640x128xi32>
    %swap3A_5 = arith.constant 0 : index
    %swap3A_6 = arith.constant 0 : index
    %swap3A_7 = vector.load %arg1[%swap3A_5, %swap3A_6] : memref<640x128xi32, #tpu.memory_space<vmem>>, vector<640x128xi32>
    tpu.vector_store %arg1[%swap3A_5, %swap3A_6], %broadcast_in_dim3A_4 {strides = array<i32>} : memref<640x128xi32, #tpu.memory_space<vmem>>, vector<640x128xi32>,
    %iota3A = tpu.iota {dimensions = array<i32: 1>} : vector<640x784xi32>
    %iota3A_8 = tpu.iota {dimensions = array<i32: 1>} : vector<640x128xi32>
    %scan3A = arith.constant 1073741824 : i32
    %scan3A_9 = arith.constant 0 : i32
    %scan3A_10 = arith.constant 100 : i32
    %scan3A_11 = arith.addi %scan3A_9, %scan3A_10 : i32
    %scan3A_12 = arith.constant 1 : i32
    scf.for %scan3A_14 = %scan3A_9 to %scan3A_11 step %scan3A_12  : i32 {
      %get3A_15 = arith.constant 0 : index
      %get3A_16 = arith.constant 0 : index
      %get3A_17 = vector.load %arg2[%get3A_15, %get3A_16] : memref<640x784xf32, #tpu.memory_space<vmem>>, vector<640x784xf32>
      %reduce_max3A = arith.constant dense<0xFF800000> : vector<640xf32>
      %reduce_max3A_18 = vector.multi_reduction <maximumf>, %get3A_17, %reduce_max3A [1] : vector<640x784xf32> to vector<640xf32>
      %broadcast_in_dim3A_19 = vector.shape_cast %reduce_max3A_18 : vector<640xf32> to vector<640x1xf32>
      %eq3A = vector.broadcast %broadcast_in_dim3A_19 : vector<640x1xf32> to vector<640x784xf32>
      %eq3A_20 = arith.cmpf oeq, %get3A_17, %eq3A : vector<640x784xf32>
      %broadcast_in_dim3A_21 = vector.broadcast %scan3A : i32 to vector<640x784xi32>
      %select_n3A = arith.select %eq3A_20, %iota3A, %broadcast_in_dim3A_21 : vector<640x784xi1>, vector<640x784xi32>
      %reduce_min3A = arith.constant dense<2147483647> : vector<640xi32>
      %reduce_min3A_22 = vector.multi_reduction <minsi>, %select_n3A, %reduce_min3A [1] : vector<640x784xi32> to vector<640xi32>
      %broadcast_in_dim3A_23 = vector.shape_cast %reduce_min3A_22 : vector<640xi32> to vector<640x1xi32>
      %eq3A_24 = vector.broadcast %broadcast_in_dim3A_23 : vector<640x1xi32> to vector<640x784xi32>
      %eq3A_25 = arith.cmpi eq, %iota3A, %eq3A_24 : vector<640x784xi32>
      %jit3A = arith.constant 0xFF800000 : f32
      %broadcast_in_dim3A_26 = vector.broadcast %jit3A : f32 to vector<640x784xf32>
      %select_n3A_27 = arith.select %eq3A_25, %broadcast_in_dim3A_26, %get3A_17 : vector<640x784xi1>, vector<640x784xf32>
      %swap3A_28 = arith.constant 0 : index
      %swap3A_29 = arith.constant 0 : index
      %swap3A_30 = vector.load %arg2[%swap3A_28, %swap3A_29] : memref<640x784xf32, #tpu.memory_space<vmem>>, vector<640x784xf32>
      tpu.vector_store %arg2[%swap3A_28, %swap3A_29], %select_n3A_27 {strides = array<i32>} : memref<640x784xf32, #tpu.memory_space<vmem>>, vector<640x784xf32>,
      %eq3A_31 = vector.broadcast %scan3A_14 : i32 to vector<640x128xi32>
      %eq3A_32 = arith.cmpi eq, %iota3A_8, %eq3A_31 : vector<640x128xi32>
      %get3A_33 = arith.constant 0 : index
      %get3A_34 = arith.constant 0 : index
      %get3A_35 = vector.load %arg1[%get3A_33, %get3A_34] : memref<640x128xi32, #tpu.memory_space<vmem>>, vector<640x128xi32>
      %broadcast_in_dim3A_36 = vector.shape_cast %broadcast_in_dim3A_23 : vector<640x1xi32> to vector<640x1xi32>
      %broadcast_in_dim3A_37 = vector.broadcast %broadcast_in_dim3A_36 : vector<640x1xi32> to vector<640x128xi32>
      %select_n3A_38 = arith.select %eq3A_32, %broadcast_in_dim3A_37, %get3A_35 : vector<640x128xi1>, vector<640x128xi32>
      %swap3A_39 = arith.constant 0 : index
      %swap3A_40 = arith.constant 0 : index
      %swap3A_41 = vector.load %arg1[%swap3A_39, %swap3A_40] : memref<640x128xi32, #tpu.memory_space<vmem>>, vector<640x128xi32>
      tpu.vector_store %arg1[%swap3A_39, %swap3A_40], %select_n3A_38 {strides = array<i32>} : memref<640x128xi32, #tpu.memory_space<vmem>>, vector<640x128xi32>,
    }
    %scan3A_13 = arith.constant 100 : i32
    return
  }
}

module attributes {stable_mosaic.version = 14 : i64} {
  func.func @_k4_extract(%arg0: i32, %arg1: memref<10xi32, #tpu.memory_space<smem>>, %arg2: memref<80x12800xi32, #tpu.memory_space<vmem>>, %arg3: memref<80x12800xf32, #tpu.memory_space<vmem>>, %arg4: memref<80x16xi32, #tpu.memory_space<vmem>>, %arg5: memref<80x12800xf32, #tpu.memory_space<vmem>>, %arg6: memref<80x128xi32, #tpu.memory_space<vmem>>) attributes {dimension_semantics = [#tpu.dimension_semantics<arbitrary>], iteration_bounds = array<i64: 8>, scalar_prefetch = 0 : i64, scratch_operands = 2 : i64, tpu.core_type = #tpu.core_type<tc>, window_params = [{transform_indices = @transform_0, window_bounds = array<i64: 10>}, {transform_indices = @transform_1, window_bounds = array<i64: 80, 12800>}, {transform_indices = @transform_2, window_bounds = array<i64: 80, 12800>}, {transform_indices = @transform_3, window_bounds = array<i64: 80, 16>}]} {
    %get3A = arith.constant 0 : index
    %get3A_0 = arith.constant 0 : index
    %get3A_1 = vector.load %arg3[%get3A, %get3A_0] : memref<80x12800xf32, #tpu.memory_space<vmem>>, vector<80x12800xf32>
    %swap3A = arith.constant 0 : index
    %swap3A_2 = arith.constant 0 : index
    %swap3A_3 = vector.load %arg5[%swap3A, %swap3A_2] : memref<80x12800xf32, #tpu.memory_space<vmem>>, vector<80x12800xf32>
    tpu.vector_store %arg5[%swap3A, %swap3A_2], %get3A_1 {strides = array<i32>} : memref<80x12800xf32, #tpu.memory_space<vmem>>, vector<80x12800xf32>,
    %broadcast_in_dim3A = arith.constant 0 : i32
    %broadcast_in_dim3A_4 = vector.broadcast %broadcast_in_dim3A : i32 to vector<80x128xi32>
    %swap3A_5 = arith.constant 0 : index
    %swap3A_6 = arith.constant 0 : index
    %swap3A_7 = vector.load %arg6[%swap3A_5, %swap3A_6] : memref<80x128xi32, #tpu.memory_space<vmem>>, vector<80x128xi32>
    tpu.vector_store %arg6[%swap3A_5, %swap3A_6], %broadcast_in_dim3A_4 {strides = array<i32>} : memref<80x128xi32, #tpu.memory_space<vmem>>, vector<80x128xi32>,
    %iota3A = tpu.iota {dimensions = array<i32: 1>} : vector<80x128xi32>
    %get3A_8 = arith.constant 0 : index
    %get3A_9 = arith.constant 0 : index
    %get3A_10 = vector.load %arg2[%get3A_8, %get3A_9] : memref<80x12800xi32, #tpu.memory_space<vmem>>, vector<80x12800xi32>
    %scan3A = arith.constant 1073741824 : i32
    %scan3A_11 = arith.constant 0 : i32
    %scan3A_12 = arith.constant 100 : i32
    %scan3A_13 = arith.addi %scan3A_11, %scan3A_12 : i32
    %scan3A_14 = arith.constant 1 : i32
    scf.for %scan3A_134 = %scan3A_11 to %scan3A_13 step %scan3A_14  : i32 {
      %get3A_135 = arith.constant 0 : index
      %get3A_136 = arith.constant 0 : index
      %get3A_137 = vector.load %arg5[%get3A_135, %get3A_136] : memref<80x12800xf32, #tpu.memory_space<vmem>>, vector<80x12800xf32>
      %reduce_max3A = arith.constant dense<0xFF800000> : vector<80xf32>
      %reduce_max3A_138 = vector.multi_reduction <maximumf>, %get3A_137, %reduce_max3A [1] : vector<80x12800xf32> to vector<80xf32>
      %broadcast_in_dim3A_139 = vector.shape_cast %reduce_max3A_138 : vector<80xf32> to vector<80x1xf32>
      %eq3A_140 = vector.broadcast %broadcast_in_dim3A_139 : vector<80x1xf32> to vector<80x12800xf32>
      %eq3A_141 = arith.cmpf oeq, %get3A_137, %eq3A_140 : vector<80x12800xf32>
      %broadcast_in_dim3A_142 = vector.broadcast %scan3A : i32 to vector<80x12800xi32>
      %select_n3A_143 = arith.select %eq3A_141, %get3A_10, %broadcast_in_dim3A_142 : vector<80x12800xi1>, vector<80x12800xi32>
      %reduce_min3A = arith.constant dense<2147483647> : vector<80xi32>
      %reduce_min3A_144 = vector.multi_reduction <minsi>, %select_n3A_143, %reduce_min3A [1] : vector<80x12800xi32> to vector<80xi32>
      %broadcast_in_dim3A_145 = vector.shape_cast %reduce_min3A_144 : vector<80xi32> to vector<80x1xi32>
      %eq3A_146 = vector.broadcast %broadcast_in_dim3A_145 : vector<80x1xi32> to vector<80x12800xi32>
      %eq3A_147 = arith.cmpi eq, %get3A_10, %eq3A_146 : vector<80x12800xi32>
      %jit3A_148 = arith.constant 0xFF800000 : f32
      %broadcast_in_dim3A_149 = vector.broadcast %jit3A_148 : f32 to vector<80x12800xf32>
      %select_n3A_150 = arith.select %eq3A_147, %broadcast_in_dim3A_149, %get3A_137 : vector<80x12800xi1>, vector<80x12800xf32>
      %swap3A_151 = arith.constant 0 : index
      %swap3A_152 = arith.constant 0 : index
      %swap3A_153 = vector.load %arg5[%swap3A_151, %swap3A_152] : memref<80x12800xf32, #tpu.memory_space<vmem>>, vector<80x12800xf32>
      tpu.vector_store %arg5[%swap3A_151, %swap3A_152], %select_n3A_150 {strides = array<i32>} : memref<80x12800xf32, #tpu.memory_space<vmem>>, vector<80x12800xf32>,
      %eq3A_154 = vector.broadcast %scan3A_134 : i32 to vector<80x128xi32>
      %eq3A_155 = arith.cmpi eq, %iota3A, %eq3A_154 : vector<80x128xi32>
      %get3A_156 = arith.constant 0 : index
      %get3A_157 = arith.constant 0 : index
      %get3A_158 = vector.load %arg6[%get3A_156, %get3A_157] : memref<80x128xi32, #tpu.memory_space<vmem>>, vector<80x128xi32>
      %broadcast_in_dim3A_159 = vector.shape_cast %broadcast_in_dim3A_145 : vector<80x1xi32> to vector<80x1xi32>
      %broadcast_in_dim3A_160 = vector.broadcast %broadcast_in_dim3A_159 : vector<80x1xi32> to vector<80x128xi32>
      %select_n3A_161 = arith.select %eq3A_155, %broadcast_in_dim3A_160, %get3A_158 : vector<80x128xi1>, vector<80x128xi32>
      %swap3A_162 = arith.constant 0 : index
      %swap3A_163 = arith.constant 0 : index
      %swap3A_164 = vector.load %arg6[%swap3A_162, %swap3A_163] : memref<80x128xi32, #tpu.memory_space<vmem>>, vector<80x128xi32>
      tpu.vector_store %arg6[%swap3A_162, %swap3A_163], %select_n3A_161 {strides = array<i32>} : memref<80x128xi32, #tpu.memory_space<vmem>>, vector<80x128xi32>,
    }
    %scan3A_15 = arith.constant 100 : i32
    %get3A_16 = arith.constant 0 : index
    %get3A_17 = arith.constant 0 : index
    %get3A_18 = vector.load %arg6[%get3A_16, %get3A_17] : memref<80x128xi32, #tpu.memory_space<vmem>>, vector<80x128xi32>
    %convert_element_type3A = arith.sitofp %get3A_18 : vector<80x128xi32> to vector<80x128xf32>
    %iota3A_19 = tpu.iota {dimensions = array<i32: 0>} : vector<128x16xi32>
    %iota3A_20 = tpu.iota {dimensions = array<i32: 1>} : vector<128x16xi32>
    %broadcast_in_dim3A_21 = arith.constant 0.000000e+00 : f32
    %broadcast_in_dim3A_22 = vector.broadcast %broadcast_in_dim3A_21 : f32 to vector<128x16xf32>
    %get3A_23 = arith.constant 0 : index
    %get3A_24 = memref.load %arg1[%get3A_23] : memref<10xi32, #tpu.memory_space<smem>>
    %eq3A = arith.constant 0 : i32
    %eq3A_25 = vector.broadcast %eq3A : i32 to vector<128x16xi32>
    %eq3A_26 = arith.cmpi eq, %iota3A_20, %eq3A_25 : vector<128x16xi32>
    %eq3A_27 = vector.broadcast %get3A_24 : i32 to vector<128x16xi32>
    %eq3A_28 = arith.cmpi eq, %iota3A_19, %eq3A_27 : vector<128x16xi32>
    %and3A = arith.andi %eq3A_26, %eq3A_28 : vector<128x16xi1>
    %jit3A = arith.constant 1.000000e+00 : f32
    %broadcast_in_dim3A_29 = vector.broadcast %jit3A : f32 to vector<128x16xf32>
    %select_n3A = arith.select %and3A, %broadcast_in_dim3A_29, %broadcast_in_dim3A_22 : vector<128x16xi1>, vector<128x16xf32>
    %get3A_30 = arith.constant 1 : index
    %get3A_31 = memref.load %arg1[%get3A_30] : memref<10xi32, #tpu.memory_space<smem>>
    %eq3A_32 = arith.constant 1 : i32
    %eq3A_33 = vector.broadcast %eq3A_32 : i32 to vector<128x16xi32>
    %eq3A_34 = arith.cmpi eq, %iota3A_20, %eq3A_33 : vector<128x16xi32>
    %eq3A_35 = vector.broadcast %get3A_31 : i32 to vector<128x16xi32>
    %eq3A_36 = arith.cmpi eq, %iota3A_19, %eq3A_35 : vector<128x16xi32>
    %and3A_37 = arith.andi %eq3A_34, %eq3A_36 : vector<128x16xi1>
    %jit3A_38 = arith.constant 1.000000e+00 : f32
    %broadcast_in_dim3A_39 = vector.broadcast %jit3A_38 : f32 to vector<128x16xf32>
    %select_n3A_40 = arith.select %and3A_37, %broadcast_in_dim3A_39, %select_n3A : vector<128x16xi1>, vector<128x16xf32>
    %get3A_41 = arith.constant 2 : index
    %get3A_42 = memref.load %arg1[%get3A_41] : memref<10xi32, #tpu.memory_space<smem>>
    %eq3A_43 = arith.constant 2 : i32
    %eq3A_44 = vector.broadcast %eq3A_43 : i32 to vector<128x16xi32>
    %eq3A_45 = arith.cmpi eq, %iota3A_20, %eq3A_44 : vector<128x16xi32>
    %eq3A_46 = vector.broadcast %get3A_42 : i32 to vector<128x16xi32>
    %eq3A_47 = arith.cmpi eq, %iota3A_19, %eq3A_46 : vector<128x16xi32>
    %and3A_48 = arith.andi %eq3A_45, %eq3A_47 : vector<128x16xi1>
    %jit3A_49 = arith.constant 1.000000e+00 : f32
    %broadcast_in_dim3A_50 = vector.broadcast %jit3A_49 : f32 to vector<128x16xf32>
    %select_n3A_51 = arith.select %and3A_48, %broadcast_in_dim3A_50, %select_n3A_40 : vector<128x16xi1>, vector<128x16xf32>
    %get3A_52 = arith.constant 3 : index
    %get3A_53 = memref.load %arg1[%get3A_52] : memref<10xi32, #tpu.memory_space<smem>>
    %eq3A_54 = arith.constant 3 : i32
    %eq3A_55 = vector.broadcast %eq3A_54 : i32 to vector<128x16xi32>
    %eq3A_56 = arith.cmpi eq, %iota3A_20, %eq3A_55 : vector<128x16xi32>
    %eq3A_57 = vector.broadcast %get3A_53 : i32 to vector<128x16xi32>
    %eq3A_58 = arith.cmpi eq, %iota3A_19, %eq3A_57 : vector<128x16xi32>
    %and3A_59 = arith.andi %eq3A_56, %eq3A_58 : vector<128x16xi1>
    %jit3A_60 = arith.constant 1.000000e+00 : f32
    %broadcast_in_dim3A_61 = vector.broadcast %jit3A_60 : f32 to vector<128x16xf32>
    %select_n3A_62 = arith.select %and3A_59, %broadcast_in_dim3A_61, %select_n3A_51 : vector<128x16xi1>, vector<128x16xf32>
    %get3A_63 = arith.constant 4 : index
    %get3A_64 = memref.load %arg1[%get3A_63] : memref<10xi32, #tpu.memory_space<smem>>
    %eq3A_65 = arith.constant 4 : i32
    %eq3A_66 = vector.broadcast %eq3A_65 : i32 to vector<128x16xi32>
    %eq3A_67 = arith.cmpi eq, %iota3A_20, %eq3A_66 : vector<128x16xi32>
    %eq3A_68 = vector.broadcast %get3A_64 : i32 to vector<128x16xi32>
    %eq3A_69 = arith.cmpi eq, %iota3A_19, %eq3A_68 : vector<128x16xi32>
    %and3A_70 = arith.andi %eq3A_67, %eq3A_69 : vector<128x16xi1>
    %jit3A_71 = arith.constant 1.000000e+00 : f32
    %broadcast_in_dim3A_72 = vector.broadcast %jit3A_71 : f32 to vector<128x16xf32>
    %select_n3A_73 = arith.select %and3A_70, %broadcast_in_dim3A_72, %select_n3A_62 : vector<128x16xi1>, vector<128x16xf32>
    %get3A_74 = arith.constant 5 : index
    %get3A_75 = memref.load %arg1[%get3A_74] : memref<10xi32, #tpu.memory_space<smem>>
    %eq3A_76 = arith.constant 5 : i32
    %eq3A_77 = vector.broadcast %eq3A_76 : i32 to vector<128x16xi32>
    %eq3A_78 = arith.cmpi eq, %iota3A_20, %eq3A_77 : vector<128x16xi32>
    %eq3A_79 = vector.broadcast %get3A_75 : i32 to vector<128x16xi32>
    %eq3A_80 = arith.cmpi eq, %iota3A_19, %eq3A_79 : vector<128x16xi32>
    %and3A_81 = arith.andi %eq3A_78, %eq3A_80 : vector<128x16xi1>
    %jit3A_82 = arith.constant 1.000000e+00 : f32
    %broadcast_in_dim3A_83 = vector.broadcast %jit3A_82 : f32 to vector<128x16xf32>
    %select_n3A_84 = arith.select %and3A_81, %broadcast_in_dim3A_83, %select_n3A_73 : vector<128x16xi1>, vector<128x16xf32>
    %get3A_85 = arith.constant 6 : index
    %get3A_86 = memref.load %arg1[%get3A_85] : memref<10xi32, #tpu.memory_space<smem>>
    %eq3A_87 = arith.constant 6 : i32
    %eq3A_88 = vector.broadcast %eq3A_87 : i32 to vector<128x16xi32>
    %eq3A_89 = arith.cmpi eq, %iota3A_20, %eq3A_88 : vector<128x16xi32>
    %eq3A_90 = vector.broadcast %get3A_86 : i32 to vector<128x16xi32>
    %eq3A_91 = arith.cmpi eq, %iota3A_19, %eq3A_90 : vector<128x16xi32>
    %and3A_92 = arith.andi %eq3A_89, %eq3A_91 : vector<128x16xi1>
    %jit3A_93 = arith.constant 1.000000e+00 : f32
    %broadcast_in_dim3A_94 = vector.broadcast %jit3A_93 : f32 to vector<128x16xf32>
    %select_n3A_95 = arith.select %and3A_92, %broadcast_in_dim3A_94, %select_n3A_84 : vector<128x16xi1>, vector<128x16xf32>
    %get3A_96 = arith.constant 7 : index
    %get3A_97 = memref.load %arg1[%get3A_96] : memref<10xi32, #tpu.memory_space<smem>>
    %eq3A_98 = arith.constant 7 : i32
    %eq3A_99 = vector.broadcast %eq3A_98 : i32 to vector<128x16xi32>
    %eq3A_100 = arith.cmpi eq, %iota3A_20, %eq3A_99 : vector<128x16xi32>
    %eq3A_101 = vector.broadcast %get3A_97 : i32 to vector<128x16xi32>
    %eq3A_102 = arith.cmpi eq, %iota3A_19, %eq3A_101 : vector<128x16xi32>
    %and3A_103 = arith.andi %eq3A_100, %eq3A_102 : vector<128x16xi1>
    %jit3A_104 = arith.constant 1.000000e+00 : f32
    %broadcast_in_dim3A_105 = vector.broadcast %jit3A_104 : f32 to vector<128x16xf32>
    %select_n3A_106 = arith.select %and3A_103, %broadcast_in_dim3A_105, %select_n3A_95 : vector<128x16xi1>, vector<128x16xf32>
    %get3A_107 = arith.constant 8 : index
    %get3A_108 = memref.load %arg1[%get3A_107] : memref<10xi32, #tpu.memory_space<smem>>
    %eq3A_109 = arith.constant 8 : i32
    %eq3A_110 = vector.broadcast %eq3A_109 : i32 to vector<128x16xi32>
    %eq3A_111 = arith.cmpi eq, %iota3A_20, %eq3A_110 : vector<128x16xi32>
    %eq3A_112 = vector.broadcast %get3A_108 : i32 to vector<128x16xi32>
    %eq3A_113 = arith.cmpi eq, %iota3A_19, %eq3A_112 : vector<128x16xi32>
    %and3A_114 = arith.andi %eq3A_111, %eq3A_113 : vector<128x16xi1>
    %jit3A_115 = arith.constant 1.000000e+00 : f32
    %broadcast_in_dim3A_116 = vector.broadcast %jit3A_115 : f32 to vector<128x16xf32>
    %select_n3A_117 = arith.select %and3A_114, %broadcast_in_dim3A_116, %select_n3A_106 : vector<128x16xi1>, vector<128x16xf32>
    %get3A_118 = arith.constant 9 : index
    %get3A_119 = memref.load %arg1[%get3A_118] : memref<10xi32, #tpu.memory_space<smem>>
    %eq3A_120 = arith.constant 9 : i32
    %eq3A_121 = vector.broadcast %eq3A_120 : i32 to vector<128x16xi32>
    %eq3A_122 = arith.cmpi eq, %iota3A_20, %eq3A_121 : vector<128x16xi32>
    %eq3A_123 = vector.broadcast %get3A_119 : i32 to vector<128x16xi32>
    %eq3A_124 = arith.cmpi eq, %iota3A_19, %eq3A_123 : vector<128x16xi32>
    %and3A_125 = arith.andi %eq3A_122, %eq3A_124 : vector<128x16xi1>
    %jit3A_126 = arith.constant 1.000000e+00 : f32
    %broadcast_in_dim3A_127 = vector.broadcast %jit3A_126 : f32 to vector<128x16xf32>
    %select_n3A_128 = arith.select %and3A_125, %broadcast_in_dim3A_127, %select_n3A_117 : vector<128x16xi1>, vector<128x16xf32>
    %dot_general3A = arith.constant dense<0.000000e+00> : vector<80x16xf32>
    %dot_general3A_129 = tpu.matmul %convert_element_type3A, %select_n3A_128, %dot_general3A {dimension_numbers = #tpu.dot_dimension_numbers<[1], [0], [0], [1], [0, 0, 1, 1], [], []>, precision = #tpu.contract_precision<fp32>, transpose_lhs_hint = false} : vector<80x128xf32>, vector<128x16xf32>, vector<80x16xf32> -> vector<80x16xf32>
    %convert_element_type3A_130 = arith.fptosi %dot_general3A_129 : vector<80x16xf32> to vector<80x16xi32>
    %swap3A_131 = arith.constant 0 : index
    %swap3A_132 = arith.constant 0 : index
    %swap3A_133 = vector.load %arg4[%swap3A_131, %swap3A_132] : memref<80x16xi32, #tpu.memory_space<vmem>>, vector<80x16xi32>
    tpu.vector_store %arg4[%swap3A_131, %swap3A_132], %convert_element_type3A_130 {strides = array<i32>} : memref<80x16xi32, #tpu.memory_space<vmem>>, vector<80x16xi32>,
    return
  }
  func.func @transform_0(%arg0: i32) -> i32 {
    %c0_i32 = arith.constant 0 : i32
    %c0_i32_0 = arith.constant 0 : i32
    return %c0_i32 : i32
  }
  func.func @transform_1(%arg0: i32) -> (i32, i32) {
    %c0_i32 = arith.constant 0 : i32
    %c0_i32_0 = arith.constant 0 : i32
    return %arg0, %c0_i32 : i32, i32
  }
  func.func @transform_2(%arg0: i32) -> (i32, i32) {
    %c0_i32 = arith.constant 0 : i32
    %c0_i32_0 = arith.constant 0 : i32
    return %arg0, %c0_i32 : i32, i32
  }
  func.func @transform_3(%arg0: i32) -> (i32, i32) {
    %c0_i32 = arith.constant 0 : i32
    %c0_i32_0 = arith.constant 0 : i32
    return %arg0, %c0_i32 : i32, i32
  }
}

</mosaic_0001>

<sc_bundles>
// kernel: kernel.12.cloned.1.call-start
scs
__scs_entry_jumppad:
0x0: {  	(pc) =	sbr.rel $0x88, $3  }
0x1: {  	(tag) =	ssettag $0x0;
	lr =	simm.s32 $0x1  }
0x2: {  	[smem:$0x3F9E] =	sst lr;
	_ =	strace $0xD0000000  }
0x3: {  	_ = 	snop  }
0x4: {  	_ = 	snop  }
0x5: {  	_ = 	snop  }
0x6: {  	_ = 	snop  }
0x7: {  	_ = 	snop  }
__scs_overlays_trampoline_lowered:
0x8: {  	[smem:$0x3FAD] =	sst s0  }
0x9: {  	[smem:$0x3FAE] =	sst s1  }
0xa: {  	[smem:$0x3FAF] =	sst s2  }
0xb: {  	[smem:$0x3FB0] =	sst s3  }
0xc: {  	[smem:$0x3FB1] =	sst s4  }
0xd: {  	[smem:$0x3FB2] =	sst s5  }
0xe: {  	[smem:$0x3FB3] =	sst s6  }
0xf: {  	[smem:$0x3FB4] =	sst s7  }
0x10: {  	[smem:$0x3FB5] =	sst s8  }
0x11: {  	[smem:$0x3FB6] =	sst s9;
	s0 =	simm.s32 @!p0 $0x0  }
0x12: {  	s1 =	sld [smem:$0x3F9C];
	s0 =	simm.s32 @p0 $0x1  }
0x13: {  	[smem:$0x3FB7] =	sst s0;
	s0 =	simm.s32 @!p1 $0x0  }
0x14: {  	s2 =	sld [smem:$0x3F9B];
	s0 =	simm.s32 @p1 $0x1  }
0x15: {  	[smem:$0x3FB8] =	sst s0;
	s0 =	simm.s32 @!p2 $0x0  }
0x16: {  	s3 =	sld [smem:$0x3FDB];
	s0 =	simm.s32 @p2 $0x1  }
0x17: {  	s4 =	simm.s32 $0x1BF5;
	[smem:$0x3FBA] =	sst s0  }
0x18: {  	s0 =	sld [smem:$0x3F9D];
	_ =	swait.ge [sflag:s4], $0x0  }
0x19: {  	s7 =	sld [smem:$0x3F9E]  }
0x1a: {  	s8 =	sadd.s32 $0xFFFFE003, lr  }
0x1b: {  	s9 =	sadd.s32 $0xFFFFFEF7, lr;
	s5 =	simm.s32 $0xFFFFFFFF;
	p2 =	slt.u32 s8, $0xFFFFF086  }
0x1c: {  	p1 =	slt.u32 s9, $0xF7A;
	s5 =	simm.s32 @!p2 $0x0  }
0x1d: {  	s5 =	simm.s32 @p1 $0x1;
	p0 =	seq.s32 s7, s2  }
0x1e: {  	s7 =	smul.u32 @!p0 $0xF7A, s2;
	p2 =	seq.s32 @!p0 s5, $0x0  }
0x1f: {  	s9 =	smul.u32 $0xF7A, s1;
	s8 =	simm.s32 @!p0 $0x1BF5;
	p2 =	por !p2, p0  }
0x20: {  	[sflag:s8] =	ssyncset.s32 @!p0 $0xFFFFF086;
	s6 =	sadd.s32 @!p0 s3, s7;
	s7 =	simm.s32 @!p0 $0x108  }
0x21: {  	s3 =	sadd.s32 s3, s9;
	s6 =	sadd.s32 @!p0 $0x88, s6;
	s7 =	simm.s32 @p2 $0x1082  }
0x22: {  	[simem:s7], [sflag:s8] =	dma.local @!p0 [hbm:s6], $0xF7A  }
0x23: {  	s9 =	sor.u32 $0xD0000000, s2;
	s6 =	simm.s32 $0x108;
	_ =	swait.ge @!p0 [sflag:s8], $0x0  }
0x24: {  	s3 =	sadd.s32 $0x88, s3;
	s6 =	simm.s32 @!p1 $0x1082;
	[sflag:s4] =	ssyncset.s32 $0xFFFFF086  }
0x25: {  	[simem:s6], [sflag:s4] =	dma.local [hbm:s3], $0xF7A  }
0x26: {  	[smem:$0x3F9E] =	sst s1;
	(tag) =	ssettag s2;
	_ =	strace s9  }
0x27: {  	s1 =	sld [smem:$0x3FAE]  }
0x28: {  	s2 =	sld [smem:$0x3FAF]  }
0x29: {  	s4 =	sld [smem:$0x3FB1]  }
0x2a: {  	p0 =	seq.s32 s5, $0x0;
	s5 =	sld [smem:$0x3FB2]  }
0x2b: {  	s6 =	sld [smem:$0x3FB3]  }
0x2c: {  	s7 =	sld [smem:$0x3FB4]  }
0x2d: {  	s3 =	simm.s32 $0x108;
	s8 =	sld [smem:$0x3FB5]  }
0x2e: {  	s3 =	simm.s32 @!p0 $0x1082;
	s9 =	sld [smem:$0x3FB6]  }
0x2f: {  	lr =	sadd.s32 s0, s3;
	s0 =	sld [smem:$0x3FAD]  }
0x30: {  	s3 =	sld [smem:$0x3FB0]  }
0x31: {  	[smem:$0x3FB9] =	sst s10  }
0x32: {  	s10 =	sld [smem:$0x3FB7];
	_ =	sdelay $0x3  }
0x33: {  	p0 =	seq.s32 s10, $0x1;
	s10 =	sld [smem:$0x3FB9];
	_ =	sdelay $0x3  }
0x34: {  	[smem:$0x3FB9] =	sst s10  }
0x35: {  	s10 =	sld [smem:$0x3FB8];
	_ =	sdelay $0x3  }
0x36: {  	p1 =	seq.s32 s10, $0x1;
	s10 =	sld [smem:$0x3FB9];
	_ =	sdelay $0x3  }
0x37: {  	[smem:$0x3FB9] =	sst s10  }
0x38: {  	s10 =	sld [smem:$0x3FBA]  }
0x39: {  	_ = 	snop;
	(pc) =	sbr.ind lr, $3  }
0x3a: {  	_ = 	snop  }
0x3b: {  	_ = 	snop  }
0x3c: {  	p2 =	seq.s32 s10, $0x1;
	s10 =	sld [smem:$0x3FB9]  }
0x3d: {  	_ =	shalt  }
0x3e: {  	_ =	shalt  }
0x3f: {  	_ =	shalt  }
0x40: {  	_ =	shalt  }
0x41: {  	_ =	shalt  }
0x42: {  	_ =	shalt  }
0x43: {  	_ =	shalt  }
0x44: {  	_ =	shalt  }
0x45: {  	_ =	shalt  }
0x46: {  	_ =	shalt  }
0x47: {  	_ =	shalt  }
0x48: {  	_ =	shalt  }
0x49: {  	_ =	shalt  }
0x4a: {  	_ =	shalt  }
0x4b: {  	_ =	shalt  }
0x4c: {  	_ =	shalt  }
0x4d: {  	_ =	shalt  }
0x4e: {  	_ =	shalt  }
0x4f: {  	_ =	shalt  }
0x50: {  	_ =	shalt  }
0x51: {  	_ =	shalt  }
0x52: {  	_ =	shalt  }
0x53: {  	_ =	shalt  }
0x54: {  	_ =	shalt  }
0x55: {  	_ =	shalt  }
0x56: {  	_ =	shalt  }
0x57: {  	_ =	shalt  }
0x58: {  	_ =	shalt  }
0x59: {  	_ =	shalt  }
0x5a: {  	_ =	shalt  }
0x5b: {  	_ =	shalt  }
0x5c: {  	_ =	shalt  }
0x5d: {  	_ =	shalt  }
0x5e: {  	_ =	shalt  }
0x5f: {  	_ =	shalt  }
0x60: {  	_ =	shalt  }
0x61: {  	_ =	shalt  }
0x62: {  	_ =	shalt  }
0x63: {  	_ =	shalt  }
0x64: {  	_ =	shalt  }
0x65: {  	_ =	shalt  }
0x66: {  	_ =	shalt  }
0x67: {  	_ =	shalt  }
0x68: {  	_ =	shalt  }
0x69: {  	_ =	shalt  }
0x6a: {  	_ =	shalt  }
0x6b: {  	_ =	shalt  }
0x6c: {  	_ =	shalt  }
0x6d: {  	_ =	shalt  }
0x6e: {  	_ =	shalt  }
0x6f: {  	_ =	shalt  }
0x70: {  	_ =	shalt  }
0x71: {  	_ =	shalt  }
0x72: {  	_ =	shalt  }
0x73: {  	_ =	shalt  }
0x74: {  	_ =	shalt  }
0x75: {  	_ =	shalt  }
0x76: {  	_ =	shalt  }
0x77: {  	_ =	shalt  }
0x78: {  	_ =	shalt  }
0x79: {  	_ =	shalt  }
0x7a: {  	_ =	shalt  }
0x7b: {  	_ =	shalt  }
0x7c: {  	_ =	shalt  }
0x7d: {  	_ =	shalt  }
0x7e: {  	_ =	shalt  }
0x7f: {  	_ =	shalt  }
0x80: {  	_ =	shalt  }
0x81: {  	_ =	shalt  }
0x82: {  	_ =	shalt  }
0x83: {  	_ =	shalt  }
0x84: {  	_ =	shalt  }
0x85: {  	_ =	shalt  }
0x86: {  	_ =	shalt  }
0x87: {  	_ =	shalt  }
.Lfunc_end0:
.L_simem_size_0:
called_computation.1_lowered:
.L_overlay_start_0:
0x88: {  	s2 =	sld [smem:$0x3FD9]  }
0x89: {  	s3 =	sld [smem:$0x3FFE];
	_ =	sdelay $0x1  }
0x8a: {  	s1 =	srdreg.scid  }
0x8b: {  	s0 =	sand.u32 $0x1, s1  }
0x8c: {  	s17 =	sshll.u32 s0, $0xA;
	s2 =	sadd.s32 s3, s2  }
0x8d: {  	s2 =	sadd.s32 s2, s17  }
0x8e: {  	[smem:$0x3FC5] =	sst s2  }
0x8f: {  	_ = 	snop  }
0x90: {  	s2 =	sld [smem:$0x3FD0];
	(tm) =	ssettm $0x1  }
0x91: {  	s18 =	sld [smem:$0x3FFB];
	_ =	sdelay $0x3  }
0x92: {  	_ =	strace s18  }
0x93: {  	s3 =	sld [smem:$0x3FFC];
	_ =	sdelay $0x3  }
0x94: {  	_ =	strace s3  }
0x95: {  	s3 =	sld [smem:$0x3FFD];
	_ =	sdelay $0x3  }
0x96: {  	_ =	strace s3  }
0x97: {  	_ =	strace $0x8FFFFFFF  }
0x98: {  	s19 =	sld [smem:$0x3FDB];
	_ =	sdelay $0x1  }
0x99: {  	s4 =	simm.s32 $_scs_section_size  }
0x9a: {  	s5 =	simm.s32 $_size__tile_overlayer_lowered;
	s6 =	simm.s32 $_tile_overlayer_lowered  }
0x9b: {  	s22 =	simm.s32 $0x1BFF;
	s21 =	sshll.u32 s6, $0x1;
	s3 =	sadd.s32 s4, s19  }
0x9c: {  	s7 =	simm.s32 $0x0;
	s20 =	sshll.u32 s5, $0x1;
	s5 =	sadd.s32 s21, s3  }
0x9d: {  	[timem:s7], [sflag:s22] =	dma.local [hbm:s5], s20  }
0x9e: {  	_ =	swait.ge [sflag:s22], s20  }
0x9f: {  	s4 =	ssub.s32 $0x0, s20;
	[sflag:s22] =	ssyncset.done $0x0  }
0xa0: {  	[sflag:s22] =	ssyncadd.s32 s4;
	_ =	sdelay $0x1  }
0xa1: {  	s23 =	simm.s32 $0x1B8B  }
0xa2: {  	_ =	swait.ge [sflag:s23], $0x1  }
0xa3: {  	[sflag:s23] =	ssyncset.done $0x0  }
0xa4: {  	s25 =	simm.s32 $0x1B8E;
	s24 =	sld [smem:$0x3FFE];
	[sflag:s23] =	ssyncadd.s32 $0xFFFFFFFF  }
0xa5: {  	s26 =	simm.s32 $execute0_lowered;
	[smem:$0x3FD2] =	sst s25  }
0xa6: {  	s5 =	sshll.u32 s26, $0x1;
	_ =	strace $0x80000049;
	[dreg:$0x1] =	wrdreg $0xFFFFFFFF  }
0xa7: {  	s28 =	simm.s32 $_size_execute0_lowered;
	s3 =	sadd.s32 s3, s5;
	[dreg:$0x0] =	wrdreg $0x0  }
0xa8: {  	s5 =	sshll.u32 s28, $0x1;
	[dreg:$0x2] =	wrdreg s3  }
0xa9: {  	[dreg:$0x3] =	wrdreg s5  }
0xaa: {  	[dreg:$0x4] =	wrdreg $0xC0  }
0xab: {  	_ =	task [dreg:s7], $0x5FFFF  }
0xac: {  	[dreg:$0x1] =	wrdreg $0xFFFFFFFF  }
0xad: {  	[dreg:$0x0] =	wrdreg $0x60  }
0xae: {  	[dreg:$0x2] =	wrdreg s24  }
0xaf: {  	[dreg:$0x3] =	wrdreg s2  }
0xb0: {  	[dreg:$0x4] =	wrdreg $0x9  }
0xb1: {  	_ =	task.clear_ibuf [dreg:s7], $0x5FFFF;
	_ =	strace $0x90000049  }
0xb2: {  	s29 =	simm.s32 $0x9;
	_ =	strace $0x8000004B  }
0xb3: {  	_ =	swait.ge [sflag:s29], $0x1  }
0xb4: {  	[sflag:s29] =	ssyncadd.s32 $0xFFFFFFFF  }
0xb5: {  	_ =	strace $0x9000004B  }
0xb6: {  	_ =	sfence  }
0xb7: {  	s30 =	sld [smem:$0x0];
	_ =	sdelay $0x2  }
0xb8: {  	s31 =	sshll.u32 s1, $0xD;
	s1 =	sshrl.u32 s1, $0x2  }
0xb9: {  	s3 =	sand.u32 $0x4000, s31;
	s1 =	sadd.s32 s1, s30  }
0xba: {  	s0 =	sor.u32 s3, s0;
	s1 =	sshll.u32 s1, $0x11  }
0xbb: {  	s0 =	sor.u32 s1, s0  }
0xbc: {  	s0 =	sadd.s32 $0x8F2B, s0  }
0xbd: {  	[sflag:s0] =	ssyncadd.remote.s32 $0x1  }
0xbe: {  	_ =	sfence.sel $0xFFFF  }
0xbf: {  	[dreg:$0x0] =	wrdreg $0xFFFFFFFF;
	(pc) =	sbr.abs _section_cstart, $3  }
0xc0: {  	[dreg:$0x1] =	wrdreg $0xFFFFFFFF  }
0xc1: {  	_ =	task.clear_ibuf [dreg:s7], $0x2FFFF;
	_ =	strace $0x9FFFFFFF  }
0xc2: {  	(tm) =	ssettm $0x7FFFFFFF  }
0xc3: {  	_ =	shalt  }
tec
execute0_lowered:
.L_overlay_start_1:
0x0: {  	(tag) =	ssettag $0x1  }
0x1: {  	s1 =	srdreg.scid;
	s0 =	stileid.u32  }
0x2: {  	s18 =	sand.u32 $0x1, s1;
	s30 =	sshll.u32 s0, $0x1  }
0x3: {  	s5 =	rddreg [dreg:$0x0];
	s9 =	sor.u32 s18, s30  }
0x4: {  	s17 =	rddreg [dreg:$0x1];
	s19 =	smul.u32 $0xC8, s9  }
0x5: {  	s2 =	simm.s32 $0x0;
	s1 =	rddreg [dreg:$0x2]  }
0x6: {  	[smem:$0x7FF] =	sst s2;
	s16 =	sadd.s32 $0x1200, s5;
	s3 =	sshrl.u32 s19, $0x3  }
0x7: {  	_ =	strace $0x8000004A;
	s4 =	sadd.s32 s16, s3;
	s3 =	simm.s32 $0x2  }
0x8: {  	[tilespmem:s2], [sflag:$0x2] =	stream.linear.gather [hbm4b:s4+s2], $0x28, $0x38;
	[tilespmem:$0x1480] =	vst v63  }
0x9: {  	_ =	swait.ge [sflag:s3], $0x28  }
0xa: {  	s6 =	simm.s32 $0x28;
	s7 =	simm.s32 $0x80;
	[sflag:s3] =	ssyncset.done $0x0  }
0xb: {  	s8 =	simm.s32 $0x1;
	s5 =	sadd.s32 $0x283C00, s5;
	[sflag:s3] =	ssyncadd.s32 $0xFFFFFFD8  }
0xc: {  	[tilespmem:s7], [sflag:$0x1] =	stream.indirect.gather [hbm4b:s5+s6], $0x80, s2, s6, $0xb8;
	[tilespmem:$0x1480] =	vst v63  }
0xd: {  	s9 =	smul.u32 $0xC80, s9;
	_ =	swait.ge [sflag:s8], $0x1400  }
0xe: {  	[sflag:s8] =	ssyncset.done $0x0  }
0xf: {  	s9 =	sadd.s32 s17, s9;
	[sflag:s8] =	ssyncadd.s32 $0xFFFFEC00  }
0x10: {  	[hbm4b:s9+s2] =	stream.linear.scatter [tilespmem:s7], [sflag:$0x2], $0x1400, $0x38;
	[tilespmem:$0x1480] =	vst v63  }
0x11: {  	s11 =	sadd.s32 $0x28, s19;
	_ =	swait.ge [sflag:s3], $0x1400  }
0x12: {  	s10 =	sshrl.u32 s11, $0x3;
	[sflag:s3] =	ssyncset.done $0x0  }
0x13: {  	s10 =	sadd.s32 s16, s10;
	[sflag:s3] =	ssyncadd.s32 $0xFFFFEC00  }
0x14: {  	[tilespmem:s2], [sflag:$0x2] =	stream.linear.gather [hbm4b:s10+s2], $0x28, $0x38;
	[tilespmem:$0x1480] =	vst v63  }
0x15: {  	_ =	swait.ge [sflag:s3], $0x28  }
0x16: {  	[sflag:s3] =	ssyncset.done $0x0  }
0x17: {  	[sflag:s3] =	ssyncadd.s32 $0xFFFFFFD8  }
0x18: {  	[tilespmem:s7], [sflag:$0x1] =	stream.indirect.gather [hbm4b:s5+s6], $0x80, s2, s6, $0xb8;
	[tilespmem:$0x1480] =	vst v63  }
0x19: {  	_ =	swait.ge [sflag:s8], $0x1400  }
0x1a: {  	s11 =	sshll.u32 s11, $0x4;
	[sflag:s8] =	ssyncset.done $0x0  }
0x1b: {  	s11 =	sadd.s32 s17, s11;
	[sflag:s8] =	ssyncadd.s32 $0xFFFFEC00  }
0x1c: {  	[hbm4b:s11+s2] =	stream.linear.scatter [tilespmem:s7], [sflag:$0x2], $0x1400, $0x38;
	[tilespmem:$0x1480] =	vst v63  }
0x1d: {  	s13 =	sadd.s32 $0x50, s19;
	_ =	swait.ge [sflag:s3], $0x1400  }
0x1e: {  	s12 =	sshrl.u32 s13, $0x3;
	[sflag:s3] =	ssyncset.done $0x0  }
0x1f: {  	s12 =	sadd.s32 s16, s12;
	[sflag:s3] =	ssyncadd.s32 $0xFFFFEC00  }
0x20: {  	[tilespmem:s2], [sflag:$0x2] =	stream.linear.gather [hbm4b:s12+s2], $0x28, $0x38;
	[tilespmem:$0x1480] =	vst v63  }
0x21: {  	_ =	swait.ge [sflag:s3], $0x28  }
0x22: {  	[sflag:s3] =	ssyncset.done $0x0  }
0x23: {  	[sflag:s3] =	ssyncadd.s32 $0xFFFFFFD8  }
0x24: {  	[tilespmem:s7], [sflag:$0x1] =	stream.indirect.gather [hbm4b:s5+s6], $0x80, s2, s6, $0xb8;
	[tilespmem:$0x1480] =	vst v63  }
0x25: {  	_ =	swait.ge [sflag:s8], $0x1400  }
0x26: {  	s13 =	sshll.u32 s13, $0x4;
	[sflag:s8] =	ssyncset.done $0x0  }
0x27: {  	s13 =	sadd.s32 s17, s13;
	[sflag:s8] =	ssyncadd.s32 $0xFFFFEC00  }
0x28: {  	[hbm4b:s13+s2] =	stream.linear.scatter [tilespmem:s7], [sflag:$0x2], $0x1400, $0x38;
	[tilespmem:$0x1480] =	vst v63  }
0x29: {  	s15 =	sadd.s32 $0x78, s19;
	_ =	swait.ge [sflag:s3], $0x1400  }
0x2a: {  	s14 =	sshrl.u32 s15, $0x3;
	[sflag:s3] =	ssyncset.done $0x0  }
0x2b: {  	s14 =	sadd.s32 s16, s14;
	[sflag:s3] =	ssyncadd.s32 $0xFFFFEC00  }
0x2c: {  	[tilespmem:s2], [sflag:$0x2] =	stream.linear.gather [hbm4b:s14+s2], $0x28, $0x38;
	[tilespmem:$0x1480] =	vst v63  }
0x2d: {  	_ =	swait.ge [sflag:s3], $0x28  }
0x2e: {  	[sflag:s3] =	ssyncset.done $0x0  }
0x2f: {  	[sflag:s3] =	ssyncadd.s32 $0xFFFFFFD8  }
0x30: {  	[tilespmem:s7], [sflag:$0x1] =	stream.indirect.gather [hbm4b:s5+s6], $0x80, s2, s6, $0xb8;
	[tilespmem:$0x1480] =	vst v63  }
0x31: {  	_ =	swait.ge [sflag:s8], $0x1400  }
0x32: {  	s15 =	sshll.u32 s15, $0x4;
	[sflag:s8] =	ssyncset.done $0x0  }
0x33: {  	s15 =	sadd.s32 s17, s15;
	[sflag:s8] =	ssyncadd.s32 $0xFFFFEC00  }
0x34: {  	[hbm4b:s15+s2] =	stream.linear.scatter [tilespmem:s7], [sflag:$0x2], $0x1400, $0x38;
	[tilespmem:$0x1480] =	vst v63  }
0x35: {  	s19 =	sadd.s32 $0xA0, s19;
	_ =	swait.ge [sflag:s3], $0x1400  }
0x36: {  	s20 =	sshrl.u32 s19, $0x3;
	[sflag:s3] =	ssyncset.done $0x0  }
0x37: {  	s18 =	ssub.s32 $0x2, s18;
	s16 =	sadd.s32 s16, s20;
	[sflag:s3] =	ssyncadd.s32 $0xFFFFEC00  }
0x38: {  	[tilespmem:s2], [sflag:$0x2] =	stream.linear.gather [hbm4b:s16+s2], $0x28, $0x38;
	[tilespmem:$0x1480] =	vst v63  }
0x39: {  	s31 =	sshrl.u32 s18, $0x1;
	_ =	swait.ge [sflag:s3], $0x28  }
0x3a: {  	s18 =	ssub.s32 s18, s31;
	[sflag:s3] =	ssyncset.done $0x0  }
0x3b: {  	s18 =	smax.u32 s18, $0x1;
	[sflag:s3] =	ssyncadd.s32 $0xFFFFFFD8  }
0x3c: {  	[tilespmem:s7], [sflag:$0x1] =	stream.indirect.gather [hbm4b:s5+s6], $0x80, s2, s6, $0xb8;
	[tilespmem:$0x1480] =	vst v63  }
0x3d: {  	p0 =	sne.s32 s18, $0x1;
	_ =	swait.ge [sflag:s8], $0x1400  }
.Ltmp0:
0x3e: {  	s19 =	sshll.u32 s19, $0x4;
	[sflag:s8] =	ssyncset.done $0x0;
	(pc) =	sbr.rel @!p0 .LBB2_2-.Ltmp0, $4  }
0x3f: {  	s17 =	sadd.s32 s17, s19;
	[sflag:s8] =	ssyncadd.s32 $0xFFFFEC00  }
0x40: {  	[hbm4b:s17+s2] =	stream.linear.scatter [tilespmem:s7], [sflag:$0x2], $0x1400, $0x38;
	[tilespmem:$0x1480] =	vst v63  }
0x41: {  	_ =	swait.ge [sflag:s3], $0x1400  }
0x42: {  	s18 =	sadd.s32 $0xFFFFFFFF, s18;
	[sflag:s3] =	ssyncset.done $0x0  }
.LBB2_1:
0x43: {  	p0 =	sne.s32 s18, $0x1;
	s18 =	sadd.s32 $0xFFFFFFFF, s18;
	[sflag:s3] =	ssyncadd.s32 $0xFFFFEC00  }
0x44: {  	[tilespmem:s2], [sflag:$0x2] =	stream.linear.gather [hbm4b:s4+s2], $0x28, $0x38;
	[tilespmem:$0x1480] =	vst v63  }
0x45: {  	_ =	swait.ge [sflag:s3], $0x28  }
0x46: {  	[sflag:s3] =	ssyncset.done $0x0  }
0x47: {  	[sflag:s3] =	ssyncadd.s32 $0xFFFFFFD8  }
0x48: {  	[tilespmem:s7], [sflag:$0x1] =	stream.indirect.gather [hbm4b:s5+s6], $0x80, s2, s6, $0xb8;
	[tilespmem:$0x1480] =	vst v63  }
0x49: {  	_ =	swait.ge [sflag:s8], $0x1400  }
0x4a: {  	[sflag:s8] =	ssyncset.done $0x0  }
0x4b: {  	[sflag:s8] =	ssyncadd.s32 $0xFFFFEC00  }
0x4c: {  	[hbm4b:s9+s2] =	stream.linear.scatter [tilespmem:s7], [sflag:$0x2], $0x1400, $0x38;
	[tilespmem:$0x1480] =	vst v63  }
0x4d: {  	_ =	swait.ge [sflag:s3], $0x1400  }
0x4e: {  	[sflag:s3] =	ssyncset.done $0x0  }
0x4f: {  	[sflag:s3] =	ssyncadd.s32 $0xFFFFEC00  }
0x50: {  	[tilespmem:s2], [sflag:$0x2] =	stream.linear.gather [hbm4b:s10+s2], $0x28, $0x38;
	[tilespmem:$0x1480] =	vst v63  }
0x51: {  	_ =	swait.ge [sflag:s3], $0x28  }
0x52: {  	[sflag:s3] =	ssyncset.done $0x0  }
0x53: {  	[sflag:s3] =	ssyncadd.s32 $0xFFFFFFD8  }
0x54: {  	[tilespmem:s7], [sflag:$0x1] =	stream.indirect.gather [hbm4b:s5+s6], $0x80, s2, s6, $0xb8;
	[tilespmem:$0x1480] =	vst v63  }
0x55: {  	_ =	swait.ge [sflag:s8], $0x1400  }
0x56: {  	[sflag:s8] =	ssyncset.done $0x0  }
0x57: {  	[sflag:s8] =	ssyncadd.s32 $0xFFFFEC00  }
0x58: {  	[hbm4b:s11+s2] =	stream.linear.scatter [tilespmem:s7], [sflag:$0x2], $0x1400, $0x38;
	[tilespmem:$0x1480] =	vst v63  }
0x59: {  	_ =	swait.ge [sflag:s3], $0x1400  }
0x5a: {  	[sflag:s3] =	ssyncset.done $0x0  }
0x5b: {  	[sflag:s3] =	ssyncadd.s32 $0xFFFFEC00  }
0x5c: {  	[tilespmem:s2], [sflag:$0x2] =	stream.linear.gather [hbm4b:s12+s2], $0x28, $0x38;
	[tilespmem:$0x1480] =	vst v63  }
0x5d: {  	_ =	swait.ge [sflag:s3], $0x28  }
0x5e: {  	[sflag:s3] =	ssyncset.done $0x0  }
0x5f: {  	[sflag:s3] =	ssyncadd.s32 $0xFFFFFFD8  }
0x60: {  	[tilespmem:s7], [sflag:$0x1] =	stream.indirect.gather [hbm4b:s5+s6], $0x80, s2, s6, $0xb8;
	[tilespmem:$0x1480] =	vst v63  }
0x61: {  	_ =	swait.ge [sflag:s8], $0x1400  }
0x62: {  	[sflag:s8] =	ssyncset.done $0x0  }
0x63: {  	[sflag:s8] =	ssyncadd.s32 $0xFFFFEC00  }
0x64: {  	[hbm4b:s13+s2] =	stream.linear.scatter [tilespmem:s7], [sflag:$0x2], $0x1400, $0x38;
	[tilespmem:$0x1480] =	vst v63  }
0x65: {  	_ =	swait.ge [sflag:s3], $0x1400  }
0x66: {  	[sflag:s3] =	ssyncset.done $0x0  }
0x67: {  	[sflag:s3] =	ssyncadd.s32 $0xFFFFEC00  }
0x68: {  	[tilespmem:s2], [sflag:$0x2] =	stream.linear.gather [hbm4b:s14+s2], $0x28, $0x38;
	[tilespmem:$0x1480] =	vst v63  }
0x69: {  	_ =	swait.ge [sflag:s3], $0x28  }
0x6a: {  	[sflag:s3] =	ssyncset.done $0x0  }
0x6b: {  	[sflag:s3] =	ssyncadd.s32 $0xFFFFFFD8  }
0x6c: {  	[tilespmem:s7], [sflag:$0x1] =	stream.indirect.gather [hbm4b:s5+s6], $0x80, s2, s6, $0xb8;
	[tilespmem:$0x1480] =	vst v63  }
0x6d: {  	_ =	swait.ge [sflag:s8], $0x1400  }
0x6e: {  	[sflag:s8] =	ssyncset.done $0x0  }
0x6f: {  	[sflag:s8] =	ssyncadd.s32 $0xFFFFEC00  }
0x70: {  	[hbm4b:s15+s2] =	stream.linear.scatter [tilespmem:s7], [sflag:$0x2], $0x1400, $0x38;
	[tilespmem:$0x1480] =	vst v63  }
0x71: {  	_ =	swait.ge [sflag:s3], $0x1400  }
0x72: {  	[sflag:s3] =	ssyncset.done $0x0  }
0x73: {  	[sflag:s3] =	ssyncadd.s32 $0xFFFFEC00  }
0x74: {  	[tilespmem:s2], [sflag:$0x2] =	stream.linear.gather [hbm4b:s16+s2], $0x28, $0x38;
	[tilespmem:$0x1480] =	vst v63  }
0x75: {  	_ =	swait.ge [sflag:s3], $0x28  }
0x76: {  	[sflag:s3] =	ssyncset.done $0x0  }
0x77: {  	[sflag:s3] =	ssyncadd.s32 $0xFFFFFFD8  }
0x78: {  	[tilespmem:s7], [sflag:$0x1] =	stream.indirect.gather [hbm4b:s5+s6], $0x80, s2, s6, $0xb8;
	[tilespmem:$0x1480] =	vst v63  }
0x79: {  	_ =	swait.ge [sflag:s8], $0x1400  }
.Ltmp1:
0x7a: {  	[sflag:s8] =	ssyncset.done $0x0;
	(pc) =	sbr.rel @p0 .LBB2_1-.Ltmp1, $4  }
0x7b: {  	[sflag:s8] =	ssyncadd.s32 $0xFFFFEC00  }
0x7c: {  	[hbm4b:s17+s2] =	stream.linear.scatter [tilespmem:s7], [sflag:$0x2], $0x1400, $0x38;
	[tilespmem:$0x1480] =	vst v63  }
0x7d: {  	_ =	swait.ge [sflag:s3], $0x1400  }
0x7e: {  	[sflag:s3] =	ssyncset.done $0x0  }
.LBB2_2:
0x7f: {  	[sflag:s3] =	ssyncadd.s32 $0xFFFFEC00  }
0x80: {  	_ =	sfence.sel $0x180000  }
0x81: {  	[bflag:$0x0] =	sbarrier.arrive $0xFFFF  }
0x82: {  	p0 =	sne.s32 s0, $0x0;
	_ =	strace $0x9000004A  }
0x83: {  	s0 =	sadd.s32 @!p0 $0x100000, s1;
	[bflag:$0x2] =	sbarrier.arrive $0xFFFF  }
0x84: {  	[sflag:s0] =	ssyncadd.tile.s32 @!p0 $0x1;
	_ =	shalt  }
.Lfunc_end2:
_tile_overlayer_lowered:
.L_overlay_start_2:
0x85: {  	(tag) =	ssettag $0x2  }
0x86: {  	s0 =	rddreg [dreg:$0x0];
	s2 =	stileid.u32  }
0x87: {  	s1 =	rddreg [dreg:$0x1];
	p0 =	sne.s32 s2, $0x0  }
0x88: {  	s3 =	rddreg [dreg:$0x2];
	[bflag:$0x3] =	sbarrier.arrive $0xFFFF;
	s2 =	simm.s32 @!p0 $0x1C02  }
0x89: {  	[timem:s3], [sflag:s2] =	dma.local @!p0 [hbm:s0], s1  }
0x8a: {  	s0 =	simm.s32 @!p0 $0x2  }
0x8b: {  	_ =	swait.ge @!p0 [sflag:s0], s1  }
0x8c: {  	s1 =	ssub.s32 @!p0 $0x0, s1;
	[sflag:s0] =	ssyncset.done @!p0 $0x0  }
0x8d: {  	[sflag:s0] =	ssyncadd.s32 @!p0 s1  }
0x8e: {  	[bflag:$0x3] =	sbarrier.arrive $0xFFFF  }
0x8f: {  	_ =	shalt  }

// kernel: kernel.9.cloned.1.call-start
scs
__scs_entry_jumppad:
0x0: {  	(pc) =	sbr.rel $0x88, $3  }
0x1: {  	(tag) =	ssettag $0x0;
	lr =	simm.s32 $0x1  }
0x2: {  	[smem:$0x3F9E] =	sst lr;
	_ =	strace $0xD0000000  }
0x3: {  	_ = 	snop  }
0x4: {  	_ = 	snop  }
0x5: {  	_ = 	snop  }
0x6: {  	_ = 	snop  }
0x7: {  	_ = 	snop  }
__scs_overlays_trampoline_lowered:
0x8: {  	[smem:$0x3FAD] =	sst s0  }
0x9: {  	[smem:$0x3FAE] =	sst s1  }
0xa: {  	[smem:$0x3FAF] =	sst s2  }
0xb: {  	[smem:$0x3FB0] =	sst s3  }
0xc: {  	[smem:$0x3FB1] =	sst s4  }
0xd: {  	[smem:$0x3FB2] =	sst s5  }
0xe: {  	[smem:$0x3FB3] =	sst s6  }
0xf: {  	[smem:$0x3FB4] =	sst s7  }
0x10: {  	[smem:$0x3FB5] =	sst s8  }
0x11: {  	[smem:$0x3FB6] =	sst s9;
	s0 =	simm.s32 @!p0 $0x0  }
0x12: {  	s1 =	sld [smem:$0x3F9C];
	s0 =	simm.s32 @p0 $0x1  }
0x13: {  	[smem:$0x3FB7] =	sst s0;
	s0 =	simm.s32 @!p1 $0x0  }
0x14: {  	s2 =	sld [smem:$0x3F9B];
	s0 =	simm.s32 @p1 $0x1  }
0x15: {  	[smem:$0x3FB8] =	sst s0;
	s0 =	simm.s32 @!p2 $0x0  }
0x16: {  	s3 =	sld [smem:$0x3FDB];
	s0 =	simm.s32 @p2 $0x1  }
0x17: {  	s4 =	simm.s32 $0x1BF5;
	[smem:$0x3FBA] =	sst s0  }
0x18: {  	s0 =	sld [smem:$0x3F9D];
	_ =	swait.ge [sflag:s4], $0x0  }
0x19: {  	s7 =	sld [smem:$0x3F9E]  }
0x1a: {  	s8 =	sadd.s32 $0xFFFFE003, lr  }
0x1b: {  	s9 =	sadd.s32 $0xFFFFFEF7, lr;
	s5 =	simm.s32 $0xFFFFFFFF;
	p2 =	slt.u32 s8, $0xFFFFF086  }
0x1c: {  	p1 =	slt.u32 s9, $0xF7A;
	s5 =	simm.s32 @!p2 $0x0  }
0x1d: {  	s5 =	simm.s32 @p1 $0x1;
	p0 =	seq.s32 s7, s2  }
0x1e: {  	s7 =	smul.u32 @!p0 $0xF7A, s2;
	p2 =	seq.s32 @!p0 s5, $0x0  }
0x1f: {  	s9 =	smul.u32 $0xF7A, s1;
	s8 =	simm.s32 @!p0 $0x1BF5;
	p2 =	por !p2, p0  }
0x20: {  	[sflag:s8] =	ssyncset.s32 @!p0 $0xFFFFF086;
	s6 =	sadd.s32 @!p0 s3, s7;
	s7 =	simm.s32 @!p0 $0x108  }
0x21: {  	s3 =	sadd.s32 s3, s9;
	s6 =	sadd.s32 @!p0 $0x88, s6;
	s7 =	simm.s32 @p2 $0x1082  }
0x22: {  	[simem:s7], [sflag:s8] =	dma.local @!p0 [hbm:s6], $0xF7A  }
0x23: {  	s9 =	sor.u32 $0xD0000000, s2;
	s6 =	simm.s32 $0x108;
	_ =	swait.ge @!p0 [sflag:s8], $0x0  }
0x24: {  	s3 =	sadd.s32 $0x88, s3;
	s6 =	simm.s32 @!p1 $0x1082;
	[sflag:s4] =	ssyncset.s32 $0xFFFFF086  }
0x25: {  	[simem:s6], [sflag:s4] =	dma.local [hbm:s3], $0xF7A  }
0x26: {  	[smem:$0x3F9E] =	sst s1;
	(tag) =	ssettag s2;
	_ =	strace s9  }
0x27: {  	s1 =	sld [smem:$0x3FAE]  }
0x28: {  	s2 =	sld [smem:$0x3FAF]  }
0x29: {  	s4 =	sld [smem:$0x3FB1]  }
0x2a: {  	p0 =	seq.s32 s5, $0x0;
	s5 =	sld [smem:$0x3FB2]  }
0x2b: {  	s6 =	sld [smem:$0x3FB3]  }
0x2c: {  	s7 =	sld [smem:$0x3FB4]  }
0x2d: {  	s3 =	simm.s32 $0x108;
	s8 =	sld [smem:$0x3FB5]  }
0x2e: {  	s3 =	simm.s32 @!p0 $0x1082;
	s9 =	sld [smem:$0x3FB6]  }
0x2f: {  	lr =	sadd.s32 s0, s3;
	s0 =	sld [smem:$0x3FAD]  }
0x30: {  	s3 =	sld [smem:$0x3FB0]  }
0x31: {  	[smem:$0x3FB9] =	sst s10  }
0x32: {  	s10 =	sld [smem:$0x3FB7];
	_ =	sdelay $0x3  }
0x33: {  	p0 =	seq.s32 s10, $0x1;
	s10 =	sld [smem:$0x3FB9];
	_ =	sdelay $0x3  }
0x34: {  	[smem:$0x3FB9] =	sst s10  }
0x35: {  	s10 =	sld [smem:$0x3FB8];
	_ =	sdelay $0x3  }
0x36: {  	p1 =	seq.s32 s10, $0x1;
	s10 =	sld [smem:$0x3FB9];
	_ =	sdelay $0x3  }
0x37: {  	[smem:$0x3FB9] =	sst s10  }
0x38: {  	s10 =	sld [smem:$0x3FBA]  }
0x39: {  	_ = 	snop;
	(pc) =	sbr.ind lr, $3  }
0x3a: {  	_ = 	snop  }
0x3b: {  	_ = 	snop  }
0x3c: {  	p2 =	seq.s32 s10, $0x1;
	s10 =	sld [smem:$0x3FB9]  }
0x3d: {  	_ =	shalt  }
0x3e: {  	_ =	shalt  }
0x3f: {  	_ =	shalt  }
0x40: {  	_ =	shalt  }
0x41: {  	_ =	shalt  }
0x42: {  	_ =	shalt  }
0x43: {  	_ =	shalt  }
0x44: {  	_ =	shalt  }
0x45: {  	_ =	shalt  }
0x46: {  	_ =	shalt  }
0x47: {  	_ =	shalt  }
0x48: {  	_ =	shalt  }
0x49: {  	_ =	shalt  }
0x4a: {  	_ =	shalt  }
0x4b: {  	_ =	shalt  }
0x4c: {  	_ =	shalt  }
0x4d: {  	_ =	shalt  }
0x4e: {  	_ =	shalt  }
0x4f: {  	_ =	shalt  }
0x50: {  	_ =	shalt  }
0x51: {  	_ =	shalt  }
0x52: {  	_ =	shalt  }
0x53: {  	_ =	shalt  }
0x54: {  	_ =	shalt  }
0x55: {  	_ =	shalt  }
0x56: {  	_ =	shalt  }
0x57: {  	_ =	shalt  }
0x58: {  	_ =	shalt  }
0x59: {  	_ =	shalt  }
0x5a: {  	_ =	shalt  }
0x5b: {  	_ =	shalt  }
0x5c: {  	_ =	shalt  }
0x5d: {  	_ =	shalt  }
0x5e: {  	_ =	shalt  }
0x5f: {  	_ =	shalt  }
0x60: {  	_ =	shalt  }
0x61: {  	_ =	shalt  }
0x62: {  	_ =	shalt  }
0x63: {  	_ =	shalt  }
0x64: {  	_ =	shalt  }
0x65: {  	_ =	shalt  }
0x66: {  	_ =	shalt  }
0x67: {  	_ =	shalt  }
0x68: {  	_ =	shalt  }
0x69: {  	_ =	shalt  }
0x6a: {  	_ =	shalt  }
0x6b: {  	_ =	shalt  }
0x6c: {  	_ =	shalt  }
0x6d: {  	_ =	shalt  }
0x6e: {  	_ =	shalt  }
0x6f: {  	_ =	shalt  }
0x70: {  	_ =	shalt  }
0x71: {  	_ =	shalt  }
0x72: {  	_ =	shalt  }
0x73: {  	_ =	shalt  }
0x74: {  	_ =	shalt  }
0x75: {  	_ =	shalt  }
0x76: {  	_ =	shalt  }
0x77: {  	_ =	shalt  }
0x78: {  	_ =	shalt  }
0x79: {  	_ =	shalt  }
0x7a: {  	_ =	shalt  }
0x7b: {  	_ =	shalt  }
0x7c: {  	_ =	shalt  }
0x7d: {  	_ =	shalt  }
0x7e: {  	_ =	shalt  }
0x7f: {  	_ =	shalt  }
0x80: {  	_ =	shalt  }
0x81: {  	_ =	shalt  }
0x82: {  	_ =	shalt  }
0x83: {  	_ =	shalt  }
0x84: {  	_ =	shalt  }
0x85: {  	_ =	shalt  }
0x86: {  	_ =	shalt  }
0x87: {  	_ =	shalt  }
.Lfunc_end0:
.L_simem_size_0:
called_computation_lowered:
.L_overlay_start_0:
0x88: {  	s2 =	sld [smem:$0x3FD9]  }
0x89: {  	s3 =	sld [smem:$0x3FFE];
	_ =	sdelay $0x1  }
0x8a: {  	s1 =	srdreg.scid  }
0x8b: {  	s0 =	sand.u32 $0x1, s1  }
0x8c: {  	s16 =	sshll.u32 s0, $0xA;
	s2 =	sadd.s32 s3, s2  }
0x8d: {  	s2 =	sadd.s32 s2, s16  }
0x8e: {  	[smem:$0x3FC5] =	sst s2  }
0x8f: {  	_ = 	snop  }
0x90: {  	(tm) =	ssettm $0x1  }
0x91: {  	s17 =	sld [smem:$0x3FFB];
	_ =	sdelay $0x3  }
0x92: {  	_ =	strace s17  }
0x93: {  	s2 =	sld [smem:$0x3FFC];
	_ =	sdelay $0x3  }
0x94: {  	_ =	strace s2  }
0x95: {  	s2 =	sld [smem:$0x3FFD];
	_ =	sdelay $0x3  }
0x96: {  	_ =	strace s2  }
0x97: {  	_ =	strace $0x8FFFFFFF  }
0x98: {  	s18 =	sld [smem:$0x3FDB];
	_ =	sdelay $0x1  }
0x99: {  	s19 =	simm.s32 $_scs_section_size  }
0x9a: {  	s4 =	simm.s32 $_size__tile_overlayer_lowered;
	s5 =	simm.s32 $_tile_overlayer_lowered  }
0x9b: {  	s22 =	simm.s32 $0x1BFF;
	s21 =	sshll.u32 s5, $0x1;
	s2 =	sadd.s32 s19, s18  }
0x9c: {  	s6 =	simm.s32 $0x0;
	s20 =	sshll.u32 s4, $0x1;
	s4 =	sadd.s32 s21, s2  }
0x9d: {  	[timem:s6], [sflag:s22] =	dma.local [hbm:s4], s20  }
0x9e: {  	_ =	swait.ge [sflag:s22], s20  }
0x9f: {  	s3 =	ssub.s32 $0x0, s20;
	[sflag:s22] =	ssyncset.done $0x0  }
0xa0: {  	[sflag:s22] =	ssyncadd.s32 s3;
	_ =	sdelay $0x1  }
0xa1: {  	s23 =	simm.s32 $0x1B8B  }
0xa2: {  	_ =	swait.ge [sflag:s23], $0x1  }
0xa3: {  	[sflag:s23] =	ssyncset.done $0x0  }
0xa4: {  	s25 =	simm.s32 $0x1B8E;
	s24 =	sld [smem:$0x3FFE];
	[sflag:s23] =	ssyncadd.s32 $0xFFFFFFFF  }
0xa5: {  	s26 =	simm.s32 $execute0_lowered;
	[smem:$0x3FD2] =	sst s25  }
0xa6: {  	s4 =	sshll.u32 s26, $0x1;
	_ =	strace $0x80000046;
	[dreg:$0x1] =	wrdreg $0xFFFFFFFF  }
0xa7: {  	s28 =	simm.s32 $_size_execute0_lowered;
	s2 =	sadd.s32 s2, s4;
	[dreg:$0x0] =	wrdreg $0x0  }
0xa8: {  	s4 =	sshll.u32 s28, $0x1;
	[dreg:$0x2] =	wrdreg s2  }
0xa9: {  	[dreg:$0x3] =	wrdreg s4  }
0xaa: {  	[dreg:$0x4] =	wrdreg $0xC0  }
0xab: {  	_ =	task [dreg:s6], $0x5FFFF  }
0xac: {  	[dreg:$0x1] =	wrdreg $0xFFFFFFFF  }
0xad: {  	[dreg:$0x0] =	wrdreg $0x60  }
0xae: {  	[dreg:$0x2] =	wrdreg s24  }
0xaf: {  	[dreg:$0x3] =	wrdreg $0x9  }
0xb0: {  	_ =	task.clear_ibuf [dreg:s6], $0x4FFFF;
	_ =	strace $0x90000046  }
0xb1: {  	s29 =	simm.s32 $0x9;
	_ =	strace $0x80000048  }
0xb2: {  	_ =	swait.ge [sflag:s29], $0x1  }
0xb3: {  	[sflag:s29] =	ssyncadd.s32 $0xFFFFFFFF  }
0xb4: {  	_ =	strace $0x90000048  }
0xb5: {  	_ =	sfence  }
0xb6: {  	s30 =	sld [smem:$0x0];
	_ =	sdelay $0x2  }
0xb7: {  	s31 =	sshll.u32 s1, $0xD;
	s1 =	sshrl.u32 s1, $0x2  }
0xb8: {  	s3 =	sand.u32 $0x4000, s31;
	s1 =	sadd.s32 s1, s30  }
0xb9: {  	s0 =	sor.u32 s3, s0;
	s1 =	sshll.u32 s1, $0x11  }
0xba: {  	s0 =	sor.u32 s1, s0  }
0xbb: {  	s0 =	sadd.s32 $0x8F2B, s0  }
0xbc: {  	[sflag:s0] =	ssyncadd.remote.s32 $0x1  }
0xbd: {  	_ =	sfence.sel $0xFFFF  }
0xbe: {  	[dreg:$0x0] =	wrdreg $0xFFFFFFFF;
	(pc) =	sbr.abs _section_cstart, $3  }
0xbf: {  	[dreg:$0x1] =	wrdreg $0xFFFFFFFF  }
0xc0: {  	_ =	task.clear_ibuf [dreg:s6], $0x2FFFF;
	_ =	strace $0x9FFFFFFF  }
0xc1: {  	(tm) =	ssettm $0x7FFFFFFF  }
tec
execute0_lowered:
.L_overlay_start_1:
0x0: {  	(tag) =	ssettag $0x1  }
0x1: {  	s0 =	srdreg.scid;
	s1 =	stileid.u32  }
0x2: {  	s31 =	sand.u32 $0x1, s0;
	s12 =	sshll.u32 s1, $0x1  }
0x3: {  	s3 =	sor.u32 s31, s12  }
0x4: {  	s4 =	rddreg [dreg:$0x0];
	s2 =	simm.s32 $0x0;
	s0 =	smul.u32 $0x7D0, s3  }
0x5: {  	[smem:$0x7FF] =	sst s2;
	s30 =	sadd.s32 $0x187C00, s4;
	s3 =	smul.u32 $0x7D00, s3  }
0x6: {  	s1 =	sadd.s32 $0x189C00, s4;
	_ =	strace $0x80000047;
	s5 =	sshrl.u32 s0, $0x3  }
0x7: {  	s3 =	sadd.s32 s1, s3;
	s13 =	sadd.s32 $0x50, s0;
	s6 =	sadd.s32 $0xA0, s0  }
0x8: {  	s20 =	sadd.s32 $0xF0, s0;
	s22 =	sadd.s32 $0x140, s0;
	s8 =	sadd.s32 $0x1E0, s0  }
0x9: {  	s5 =	sadd.s32 s30, s5;
	[dreg:$0x3] =	wrdreg s3;
	s14 =	sshrl.u32 s13, $0x3  }
0xa: {  	s16 =	sshrl.u32 s6, $0x3;
	s18 =	sshll.u32 s6, $0x4;
	s21 =	sshrl.u32 s20, $0x3  }
0xb: {  	s24 =	sshrl.u32 s22, $0x3;
	s26 =	sshll.u32 s22, $0x4;
	s6 =	sadd.s32 $0x190, s0  }
0xc: {  	s10 =	sshrl.u32 s8, $0x3;
	[dreg:$0x2] =	wrdreg s5;
	s3 =	sadd.s32 s30, s14  }
0xd: {  	s12 =	sshll.u32 s8, $0x4;
	s17 =	sadd.s32 s30, s16;
	[dreg:$0x4] =	wrdreg s3  }
0xe: {  	s22 =	sadd.s32 $0x2D0, s0;
	s19 =	sadd.s32 s1, s18;
	[dreg:$0x6] =	wrdreg s17  }
0xf: {  	s8 =	sadd.s32 $0x370, s0;
	s25 =	sadd.s32 s30, s24;
	[dreg:$0x7] =	wrdreg s19  }
0x10: {  	s5 =	sshll.u32 s13, $0x4;
	s11 =	sadd.s32 s30, s10;
	[dreg:$0xa] =	wrdreg s25  }
0x11: {  	s13 =	sadd.s32 s1, s12;
	s16 =	sadd.s32 $0x280, s0;
	[dreg:$0xe] =	wrdreg s11  }
0x12: {  	s15 =	sadd.s32 s1, s5;
	s5 =	sshll.u32 s20, $0x4;
	[dreg:$0xf] =	wrdreg s13  }
0x13: {  	s18 =	sshrl.u32 s16, $0x3;
	s20 =	sshll.u32 s16, $0x4;
	s16 =	rddreg [dreg:$0x2]  }
0x14: {  	s7 =	sshrl.u32 s6, $0x3;
	s3 =	sadd.s32 s30, s21;
	[dreg:$0x5] =	wrdreg s15  }
0x15: {  	s14 =	sadd.s32 $0x230, s0;
	[dreg:$0x8] =	wrdreg s3;
	s23 =	sadd.s32 s1, s5  }
0x16: {  	[tilespmem:s2], [sflag:$0x2] =	stream.linear.gather [hbm4b:s16+s2], $0x50, $0x38;
	[tilespmem:$0x2880] =	vst v63  }
0x17: {  	s24 =	sadd.s32 $0x320, s0;
	s5 =	sadd.s32 s1, s26;
	[dreg:$0x9] =	wrdreg s23  }
0x18: {  	s10 =	sadd.s32 $0x3C0, s0;
	s3 =	sadd.s32 s30, s7;
	[dreg:$0xb] =	wrdreg s5  }
0x19: {  	s12 =	sshrl.u32 s10, $0x3;
	s19 =	sadd.s32 s30, s18;
	[dreg:$0xc] =	wrdreg s3  }
0x1a: {  	s15 =	sshrl.u32 s14, $0x3;
	s21 =	sadd.s32 s1, s20;
	[dreg:$0x12] =	wrdreg s19  }
0x1b: {  	s26 =	sshrl.u32 s24, $0x3;
	s13 =	sadd.s32 s30, s12;
	[dreg:$0x13] =	wrdreg s21  }
0x1c: {  	s5 =	sshll.u32 s6, $0x4;
	s3 =	sadd.s32 s30, s15;
	[dreg:$0x1a] =	wrdreg s13  }
0x1d: {  	s23 =	sshrl.u32 s22, $0x3;
	s9 =	sadd.s32 s1, s5;
	[dreg:$0x10] =	wrdreg s3  }
0x1e: {  	s6 =	sshll.u32 s24, $0x4;
	s3 =	sadd.s32 s30, s23;
	[dreg:$0xd] =	wrdreg s9  }
0x1f: {  	s5 =	sshll.u32 s14, $0x4;
	s7 =	sadd.s32 s1, s6;
	[dreg:$0x14] =	wrdreg s3  }
0x20: {  	s17 =	sadd.s32 s1, s5;
	s5 =	sshll.u32 s22, $0x4;
	[dreg:$0x17] =	wrdreg s7  }
0x21: {  	s14 =	sshll.u32 s10, $0x4;
	[dreg:$0x11] =	wrdreg s17;
	s25 =	sadd.s32 s1, s5  }
0x22: {  	s9 =	sshrl.u32 s8, $0x3;
	s5 =	sadd.s32 s30, s26;
	[dreg:$0x15] =	wrdreg s25  }
0x23: {  	s3 =	sadd.s32 s30, s9;
	[dreg:$0x16] =	wrdreg s5;
	s5 =	sshll.u32 s8, $0x4  }
0x24: {  	[dreg:$0x18] =	wrdreg s3;
	s8 =	sadd.s32 $0x410, s0;
	s3 =	sadd.s32 s1, s14  }
0x25: {  	s11 =	sadd.s32 s1, s5;
	s15 =	sshrl.u32 s8, $0x3;
	[dreg:$0x1b] =	wrdreg s3  }
0x26: {  	[dreg:$0x19] =	wrdreg s11;
	s17 =	sadd.s32 s30, s15  }
0x27: {  	s3 =	simm.s32 $0x2;
	[dreg:$0x1c] =	wrdreg s17  }
0x28: {  	_ =	swait.ge [sflag:s3], $0x50  }
0x29: {  	s4 =	sadd.s32 $0xAB7C00, s4;
	s6 =	simm.s32 $0x80;
	[sflag:s3] =	ssyncset.done $0x0  }
0x2a: {  	s7 =	simm.s32 $0x1;
	s5 =	simm.s32 $0x50;
	[sflag:s3] =	ssyncadd.s32 $0xFFFFFFB0  }
0x2b: {  	[tilespmem:s6], [sflag:$0x1] =	stream.indirect.gather [hbm4b:s4+s5], $0x80, s2, s5, $0xb8;
	[tilespmem:$0x2880] =	vst v63  }
0x2c: {  	_ =	swait.ge [sflag:s7], $0x2800  }
0x2d: {  	[sflag:s7] =	ssyncset.done $0x0  }
0x2e: {  	s9 =	rddreg [dreg:$0x3];
	[sflag:s7] =	ssyncadd.s32 $0xFFFFD800  }
0x2f: {  	[hbm4b:s9+s2] =	stream.linear.scatter [tilespmem:s6], [sflag:$0x2], $0x2800, $0x38;
	[tilespmem:$0x2880] =	vst v63  }
0x30: {  	_ =	swait.ge [sflag:s3], $0x2800  }
0x31: {  	[sflag:s3] =	ssyncset.done $0x0  }
0x32: {  	s18 =	rddreg [dreg:$0x4];
	[sflag:s3] =	ssyncadd.s32 $0xFFFFD800  }
0x33: {  	[tilespmem:s2], [sflag:$0x2] =	stream.linear.gather [hbm4b:s18+s2], $0x50, $0x38;
	[tilespmem:$0x2880] =	vst v63  }
0x34: {  	_ =	swait.ge [sflag:s3], $0x50  }
0x35: {  	[sflag:s3] =	ssyncset.done $0x0  }
0x36: {  	[sflag:s3] =	ssyncadd.s32 $0xFFFFFFB0  }
0x37: {  	[tilespmem:s6], [sflag:$0x1] =	stream.indirect.gather [hbm4b:s4+s5], $0x80, s2, s5, $0xb8;
	[tilespmem:$0x2880] =	vst v63  }
0x38: {  	_ =	swait.ge [sflag:s7], $0x2800  }
0x39: {  	[sflag:s7] =	ssyncset.done $0x0  }
0x3a: {  	s19 =	rddreg [dreg:$0x5];
	[sflag:s7] =	ssyncadd.s32 $0xFFFFD800  }
0x3b: {  	[hbm4b:s19+s2] =	stream.linear.scatter [tilespmem:s6], [sflag:$0x2], $0x2800, $0x38;
	[tilespmem:$0x2880] =	vst v63  }
0x3c: {  	_ =	swait.ge [sflag:s3], $0x2800  }
0x3d: {  	[sflag:s3] =	ssyncset.done $0x0  }
0x3e: {  	s20 =	rddreg [dreg:$0x6];
	[sflag:s3] =	ssyncadd.s32 $0xFFFFD800  }
0x3f: {  	[tilespmem:s2], [sflag:$0x2] =	stream.linear.gather [hbm4b:s20+s2], $0x50, $0x38;
	[tilespmem:$0x2880] =	vst v63  }
0x40: {  	_ =	swait.ge [sflag:s3], $0x50  }
0x41: {  	[sflag:s3] =	ssyncset.done $0x0  }
0x42: {  	[sflag:s3] =	ssyncadd.s32 $0xFFFFFFB0  }
0x43: {  	[tilespmem:s6], [sflag:$0x1] =	stream.indirect.gather [hbm4b:s4+s5], $0x80, s2, s5, $0xb8;
	[tilespmem:$0x2880] =	vst v63  }
0x44: {  	_ =	swait.ge [sflag:s7], $0x2800  }
0x45: {  	[sflag:s7] =	ssyncset.done $0x0  }
0x46: {  	s21 =	rddreg [dreg:$0x7];
	[sflag:s7] =	ssyncadd.s32 $0xFFFFD800  }
0x47: {  	[hbm4b:s21+s2] =	stream.linear.scatter [tilespmem:s6], [sflag:$0x2], $0x2800, $0x38;
	[tilespmem:$0x2880] =	vst v63  }
0x48: {  	_ =	swait.ge [sflag:s3], $0x2800  }
0x49: {  	[sflag:s3] =	ssyncset.done $0x0  }
0x4a: {  	s22 =	rddreg [dreg:$0x8];
	[sflag:s3] =	ssyncadd.s32 $0xFFFFD800  }
0x4b: {  	[tilespmem:s2], [sflag:$0x2] =	stream.linear.gather [hbm4b:s22+s2], $0x50, $0x38;
	[tilespmem:$0x2880] =	vst v63  }
0x4c: {  	_ =	swait.ge [sflag:s3], $0x50  }
0x4d: {  	[sflag:s3] =	ssyncset.done $0x0  }
0x4e: {  	[sflag:s3] =	ssyncadd.s32 $0xFFFFFFB0  }
0x4f: {  	[tilespmem:s6], [sflag:$0x1] =	stream.indirect.gather [hbm4b:s4+s5], $0x80, s2, s5, $0xb8;
	[tilespmem:$0x2880] =	vst v63  }
0x50: {  	_ =	swait.ge [sflag:s7], $0x2800  }
0x51: {  	[sflag:s7] =	ssyncset.done $0x0  }
0x52: {  	s23 =	rddreg [dreg:$0x9];
	[sflag:s7] =	ssyncadd.s32 $0xFFFFD800  }
0x53: {  	[hbm4b:s23+s2] =	stream.linear.scatter [tilespmem:s6], [sflag:$0x2], $0x2800, $0x38;
	[tilespmem:$0x2880] =	vst v63  }
0x54: {  	_ =	swait.ge [sflag:s3], $0x2800  }
0x55: {  	[sflag:s3] =	ssyncset.done $0x0  }
0x56: {  	s24 =	rddreg [dreg:$0xa];
	[sflag:s3] =	ssyncadd.s32 $0xFFFFD800  }
0x57: {  	[tilespmem:s2], [sflag:$0x2] =	stream.linear.gather [hbm4b:s24+s2], $0x50, $0x38;
	[tilespmem:$0x2880] =	vst v63  }
0x58: {  	_ =	swait.ge [sflag:s3], $0x50  }
0x59: {  	[sflag:s3] =	ssyncset.done $0x0  }
0x5a: {  	[sflag:s3] =	ssyncadd.s32 $0xFFFFFFB0  }
0x5b: {  	[tilespmem:s6], [sflag:$0x1] =	stream.indirect.gather [hbm4b:s4+s5], $0x80, s2, s5, $0xb8;
	[tilespmem:$0x2880] =	vst v63  }
0x5c: {  	_ =	swait.ge [sflag:s7], $0x2800  }
0x5d: {  	[sflag:s7] =	ssyncset.done $0x0  }
0x5e: {  	s25 =	rddreg [dreg:$0xb];
	[sflag:s7] =	ssyncadd.s32 $0xFFFFD800  }
0x5f: {  	[hbm4b:s25+s2] =	stream.linear.scatter [tilespmem:s6], [sflag:$0x2], $0x2800, $0x38;
	[tilespmem:$0x2880] =	vst v63  }
0x60: {  	_ =	swait.ge [sflag:s3], $0x2800  }
0x61: {  	[sflag:s3] =	ssyncset.done $0x0  }
0x62: {  	s26 =	rddreg [dreg:$0xc];
	[sflag:s3] =	ssyncadd.s32 $0xFFFFD800  }
0x63: {  	[tilespmem:s2], [sflag:$0x2] =	stream.linear.gather [hbm4b:s26+s2], $0x50, $0x38;
	[tilespmem:$0x2880] =	vst v63  }
0x64: {  	_ =	swait.ge [sflag:s3], $0x50  }
0x65: {  	[sflag:s3] =	ssyncset.done $0x0  }
0x66: {  	[sflag:s3] =	ssyncadd.s32 $0xFFFFFFB0  }
0x67: {  	[tilespmem:s6], [sflag:$0x1] =	stream.indirect.gather [hbm4b:s4+s5], $0x80, s2, s5, $0xb8;
	[tilespmem:$0x2880] =	vst v63  }
0x68: {  	_ =	swait.ge [sflag:s7], $0x2800  }
0x69: {  	[sflag:s7] =	ssyncset.done $0x0  }
0x6a: {  	s10 =	rddreg [dreg:$0xd];
	[sflag:s7] =	ssyncadd.s32 $0xFFFFD800  }
0x6b: {  	[hbm4b:s10+s2] =	stream.linear.scatter [tilespmem:s6], [sflag:$0x2], $0x2800, $0x38;
	[tilespmem:$0x2880] =	vst v63  }
0x6c: {  	_ =	swait.ge [sflag:s3], $0x2800  }
0x6d: {  	[sflag:s3] =	ssyncset.done $0x0  }
0x6e: {  	s11 =	rddreg [dreg:$0xe];
	[sflag:s3] =	ssyncadd.s32 $0xFFFFD800  }
0x6f: {  	[tilespmem:s2], [sflag:$0x2] =	stream.linear.gather [hbm4b:s11+s2], $0x50, $0x38;
	[tilespmem:$0x2880] =	vst v63  }
0x70: {  	_ =	swait.ge [sflag:s3], $0x50  }
0x71: {  	[sflag:s3] =	ssyncset.done $0x0  }
0x72: {  	[sflag:s3] =	ssyncadd.s32 $0xFFFFFFB0  }
0x73: {  	[tilespmem:s6], [sflag:$0x1] =	stream.indirect.gather [hbm4b:s4+s5], $0x80, s2, s5, $0xb8;
	[tilespmem:$0x2880] =	vst v63  }
0x74: {  	_ =	swait.ge [sflag:s7], $0x2800  }
0x75: {  	[sflag:s7] =	ssyncset.done $0x0  }
0x76: {  	s12 =	rddreg [dreg:$0xf];
	[sflag:s7] =	ssyncadd.s32 $0xFFFFD800  }
0x77: {  	[hbm4b:s12+s2] =	stream.linear.scatter [tilespmem:s6], [sflag:$0x2], $0x2800, $0x38;
	[tilespmem:$0x2880] =	vst v63  }
0x78: {  	_ =	swait.ge [sflag:s3], $0x2800  }
0x79: {  	[sflag:s3] =	ssyncset.done $0x0  }
0x7a: {  	s13 =	rddreg [dreg:$0x10];
	[sflag:s3] =	ssyncadd.s32 $0xFFFFD800  }
0x7b: {  	[tilespmem:s2], [sflag:$0x2] =	stream.linear.gather [hbm4b:s13+s2], $0x50, $0x38;
	[tilespmem:$0x2880] =	vst v63  }
0x7c: {  	_ =	swait.ge [sflag:s3], $0x50  }
0x7d: {  	[sflag:s3] =	ssyncset.done $0x0  }
0x7e: {  	[sflag:s3] =	ssyncadd.s32 $0xFFFFFFB0  }
0x7f: {  	[tilespmem:s6], [sflag:$0x1] =	stream.indirect.gather [hbm4b:s4+s5], $0x80, s2, s5, $0xb8;
	[tilespmem:$0x2880] =	vst v63  }
0x80: {  	_ =	swait.ge [sflag:s7], $0x2800  }
0x81: {  	[sflag:s7] =	ssyncset.done $0x0  }
0x82: {  	s14 =	rddreg [dreg:$0x11];
	[sflag:s7] =	ssyncadd.s32 $0xFFFFD800  }
0x83: {  	[hbm4b:s14+s2] =	stream.linear.scatter [tilespmem:s6], [sflag:$0x2], $0x2800, $0x38;
	[tilespmem:$0x2880] =	vst v63  }
0x84: {  	_ =	swait.ge [sflag:s3], $0x2800  }
0x85: {  	[sflag:s3] =	ssyncset.done $0x0  }
0x86: {  	s15 =	rddreg [dreg:$0x12];
	[sflag:s3] =	ssyncadd.s32 $0xFFFFD800  }
0x87: {  	[tilespmem:s2], [sflag:$0x2] =	stream.linear.gather [hbm4b:s15+s2], $0x50, $0x38;
	[tilespmem:$0x2880] =	vst v63  }
0x88: {  	_ =	swait.ge [sflag:s3], $0x50  }
0x89: {  	[sflag:s3] =	ssyncset.done $0x0  }
0x8a: {  	[sflag:s3] =	ssyncadd.s32 $0xFFFFFFB0  }
0x8b: {  	[tilespmem:s6], [sflag:$0x1] =	stream.indirect.gather [hbm4b:s4+s5], $0x80, s2, s5, $0xb8;
	[tilespmem:$0x2880] =	vst v63  }
0x8c: {  	_ =	swait.ge [sflag:s7], $0x2800  }
0x8d: {  	[sflag:s7] =	ssyncset.done $0x0  }
0x8e: {  	s16 =	rddreg [dreg:$0x13];
	[sflag:s7] =	ssyncadd.s32 $0xFFFFD800  }
0x8f: {  	[hbm4b:s16+s2] =	stream.linear.scatter [tilespmem:s6], [sflag:$0x2], $0x2800, $0x38;
	[tilespmem:$0x2880] =	vst v63  }
0x90: {  	_ =	swait.ge [sflag:s3], $0x2800  }
0x91: {  	[sflag:s3] =	ssyncset.done $0x0  }
0x92: {  	s17 =	rddreg [dreg:$0x14];
	[sflag:s3] =	ssyncadd.s32 $0xFFFFD800  }
0x93: {  	[tilespmem:s2], [sflag:$0x2] =	stream.linear.gather [hbm4b:s17+s2], $0x50, $0x38;
	[tilespmem:$0x2880] =	vst v63  }
0x94: {  	_ =	swait.ge [sflag:s3], $0x50  }
0x95: {  	[sflag:s3] =	ssyncset.done $0x0  }
0x96: {  	[sflag:s3] =	ssyncadd.s32 $0xFFFFFFB0  }
0x97: {  	[tilespmem:s6], [sflag:$0x1] =	stream.indirect.gather [hbm4b:s4+s5], $0x80, s2, s5, $0xb8;
	[tilespmem:$0x2880] =	vst v63  }
0x98: {  	_ =	swait.ge [sflag:s7], $0x2800  }
0x99: {  	[sflag:s7] =	ssyncset.done $0x0  }
0x9a: {  	s18 =	rddreg [dreg:$0x15];
	[sflag:s7] =	ssyncadd.s32 $0xFFFFD800  }
0x9b: {  	[hbm4b:s18+s2] =	stream.linear.scatter [tilespmem:s6], [sflag:$0x2], $0x2800, $0x38;
	[tilespmem:$0x2880] =	vst v63  }
0x9c: {  	_ =	swait.ge [sflag:s3], $0x2800  }
0x9d: {  	[sflag:s3] =	ssyncset.done $0x0  }
0x9e: {  	s19 =	rddreg [dreg:$0x16];
	[sflag:s3] =	ssyncadd.s32 $0xFFFFD800  }
0x9f: {  	[tilespmem:s2], [sflag:$0x2] =	stream.linear.gather [hbm4b:s19+s2], $0x50, $0x38;
	[tilespmem:$0x2880] =	vst v63  }
0xa0: {  	_ =	swait.ge [sflag:s3], $0x50  }
0xa1: {  	[sflag:s3] =	ssyncset.done $0x0  }
0xa2: {  	[sflag:s3] =	ssyncadd.s32 $0xFFFFFFB0  }
0xa3: {  	[tilespmem:s6], [sflag:$0x1] =	stream.indirect.gather [hbm4b:s4+s5], $0x80, s2, s5, $0xb8;
	[tilespmem:$0x2880] =	vst v63  }
0xa4: {  	_ =	swait.ge [sflag:s7], $0x2800  }
0xa5: {  	[sflag:s7] =	ssyncset.done $0x0  }
0xa6: {  	s20 =	rddreg [dreg:$0x17];
	[sflag:s7] =	ssyncadd.s32 $0xFFFFD800  }
0xa7: {  	[hbm4b:s20+s2] =	stream.linear.scatter [tilespmem:s6], [sflag:$0x2], $0x2800, $0x38;
	[tilespmem:$0x2880] =	vst v63  }
0xa8: {  	_ =	swait.ge [sflag:s3], $0x2800  }
0xa9: {  	[sflag:s3] =	ssyncset.done $0x0  }
0xaa: {  	s21 =	rddreg [dreg:$0x18];
	[sflag:s3] =	ssyncadd.s32 $0xFFFFD800  }
0xab: {  	[tilespmem:s2], [sflag:$0x2] =	stream.linear.gather [hbm4b:s21+s2], $0x50, $0x38;
	[tilespmem:$0x2880] =	vst v63  }
0xac: {  	_ =	swait.ge [sflag:s3], $0x50  }
0xad: {  	[sflag:s3] =	ssyncset.done $0x0  }
0xae: {  	[sflag:s3] =	ssyncadd.s32 $0xFFFFFFB0  }
0xaf: {  	[tilespmem:s6], [sflag:$0x1] =	stream.indirect.gather [hbm4b:s4+s5], $0x80, s2, s5, $0xb8;
	[tilespmem:$0x2880] =	vst v63  }
0xb0: {  	_ =	swait.ge [sflag:s7], $0x2800  }
0xb1: {  	[sflag:s7] =	ssyncset.done $0x0  }
0xb2: {  	s22 =	rddreg [dreg:$0x19];
	[sflag:s7] =	ssyncadd.s32 $0xFFFFD800  }
0xb3: {  	[hbm4b:s22+s2] =	stream.linear.scatter [tilespmem:s6], [sflag:$0x2], $0x2800, $0x38;
	[tilespmem:$0x2880] =	vst v63  }
0xb4: {  	_ =	swait.ge [sflag:s3], $0x2800  }
0xb5: {  	[sflag:s3] =	ssyncset.done $0x0  }
0xb6: {  	s23 =	rddreg [dreg:$0x1a];
	[sflag:s3] =	ssyncadd.s32 $0xFFFFD800  }
0xb7: {  	[tilespmem:s2], [sflag:$0x2] =	stream.linear.gather [hbm4b:s23+s2], $0x50, $0x38;
	[tilespmem:$0x2880] =	vst v63  }
0xb8: {  	_ =	swait.ge [sflag:s3], $0x50  }
0xb9: {  	[sflag:s3] =	ssyncset.done $0x0  }
0xba: {  	[sflag:s3] =	ssyncadd.s32 $0xFFFFFFB0  }
0xbb: {  	[tilespmem:s6], [sflag:$0x1] =	stream.indirect.gather [hbm4b:s4+s5], $0x80, s2, s5, $0xb8;
	[tilespmem:$0x2880] =	vst v63  }
0xbc: {  	_ =	swait.ge [sflag:s7], $0x2800  }
0xbd: {  	[sflag:s7] =	ssyncset.done $0x0  }
0xbe: {  	s24 =	rddreg [dreg:$0x1b];
	[sflag:s7] =	ssyncadd.s32 $0xFFFFD800  }
0xbf: {  	[hbm4b:s24+s2] =	stream.linear.scatter [tilespmem:s6], [sflag:$0x2], $0x2800, $0x38;
	[tilespmem:$0x2880] =	vst v63  }
0xc0: {  	_ =	swait.ge [sflag:s3], $0x2800  }
0xc1: {  	[sflag:s3] =	ssyncset.done $0x0  }
0xc2: {  	s25 =	rddreg [dreg:$0x1c];
	[sflag:s3] =	ssyncadd.s32 $0xFFFFD800  }
0xc3: {  	[tilespmem:s2], [sflag:$0x2] =	stream.linear.gather [hbm4b:s25+s2], $0x50, $0x38;
	[tilespmem:$0x2880] =	vst v63  }
0xc4: {  	_ =	swait.ge [sflag:s3], $0x50  }
0xc5: {  	[sflag:s3] =	ssyncset.done $0x0  }
0xc6: {  	[sflag:s3] =	ssyncadd.s32 $0xFFFFFFB0  }
0xc7: {  	[tilespmem:s6], [sflag:$0x1] =	stream.indirect.gather [hbm4b:s4+s5], $0x80, s2, s5, $0xb8;
	[tilespmem:$0x2880] =	vst v63  }
0xc8: {  	_ =	swait.ge [sflag:s7], $0x2800  }
0xc9: {  	s8 =	sshll.u32 s8, $0x4;
	[sflag:s7] =	ssyncset.done $0x0  }
0xca: {  	s8 =	sadd.s32 s1, s8;
	[sflag:s7] =	ssyncadd.s32 $0xFFFFD800  }
0xcb: {  	[hbm4b:s8+s2] =	stream.linear.scatter [tilespmem:s6], [sflag:$0x2], $0x2800, $0x38;
	[tilespmem:$0x2880] =	vst v63  }
0xcc: {  	s10 =	sadd.s32 $0x460, s0;
	_ =	swait.ge [sflag:s3], $0x2800  }
0xcd: {  	s26 =	sshrl.u32 s10, $0x3;
	[sflag:s3] =	ssyncset.done $0x0  }
0xce: {  	s9 =	sadd.s32 s30, s26;
	[sflag:s3] =	ssyncadd.s32 $0xFFFFD800  }
0xcf: {  	[tilespmem:s2], [sflag:$0x2] =	stream.linear.gather [hbm4b:s9+s2], $0x50, $0x38;
	[tilespmem:$0x2880] =	vst v63  }
0xd0: {  	_ =	swait.ge [sflag:s3], $0x50  }
0xd1: {  	[sflag:s3] =	ssyncset.done $0x0  }
0xd2: {  	[sflag:s3] =	ssyncadd.s32 $0xFFFFFFB0  }
0xd3: {  	[tilespmem:s6], [sflag:$0x1] =	stream.indirect.gather [hbm4b:s4+s5], $0x80, s2, s5, $0xb8;
	[tilespmem:$0x2880] =	vst v63  }
0xd4: {  	_ =	swait.ge [sflag:s7], $0x2800  }
0xd5: {  	s10 =	sshll.u32 s10, $0x4;
	[sflag:s7] =	ssyncset.done $0x0  }
0xd6: {  	s10 =	sadd.s32 s1, s10;
	[sflag:s7] =	ssyncadd.s32 $0xFFFFD800  }
0xd7: {  	[hbm4b:s10+s2] =	stream.linear.scatter [tilespmem:s6], [sflag:$0x2], $0x2800, $0x38;
	[tilespmem:$0x2880] =	vst v63  }
0xd8: {  	s12 =	sadd.s32 $0x4B0, s0;
	_ =	swait.ge [sflag:s3], $0x2800  }
0xd9: {  	s11 =	sshrl.u32 s12, $0x3;
	[sflag:s3] =	ssyncset.done $0x0  }
0xda: {  	s11 =	sadd.s32 s30, s11;
	[sflag:s3] =	ssyncadd.s32 $0xFFFFD800  }
0xdb: {  	[tilespmem:s2], [sflag:$0x2] =	stream.linear.gather [hbm4b:s11+s2], $0x50, $0x38;
	[tilespmem:$0x2880] =	vst v63  }
0xdc: {  	_ =	swait.ge [sflag:s3], $0x50  }
0xdd: {  	[sflag:s3] =	ssyncset.done $0x0  }
0xde: {  	[sflag:s3] =	ssyncadd.s32 $0xFFFFFFB0  }
0xdf: {  	[tilespmem:s6], [sflag:$0x1] =	stream.indirect.gather [hbm4b:s4+s5], $0x80, s2, s5, $0xb8;
	[tilespmem:$0x2880] =	vst v63  }
0xe0: {  	_ =	swait.ge [sflag:s7], $0x2800  }
0xe1: {  	s12 =	sshll.u32 s12, $0x4;
	[sflag:s7] =	ssyncset.done $0x0  }
0xe2: {  	s12 =	sadd.s32 s1, s12;
	[sflag:s7] =	ssyncadd.s32 $0xFFFFD800  }
0xe3: {  	[hbm4b:s12+s2] =	stream.linear.scatter [tilespmem:s6], [sflag:$0x2], $0x2800, $0x38;
	[tilespmem:$0x2880] =	vst v63  }
0xe4: {  	s14 =	sadd.s32 $0x500, s0;
	_ =	swait.ge [sflag:s3], $0x2800  }
0xe5: {  	s13 =	sshrl.u32 s14, $0x3;
	[sflag:s3] =	ssyncset.done $0x0  }
0xe6: {  	s13 =	sadd.s32 s30, s13;
	[sflag:s3] =	ssyncadd.s32 $0xFFFFD800  }
0xe7: {  	[tilespmem:s2], [sflag:$0x2] =	stream.linear.gather [hbm4b:s13+s2], $0x50, $0x38;
	[tilespmem:$0x2880] =	vst v63  }
0xe8: {  	_ =	swait.ge [sflag:s3], $0x50  }
0xe9: {  	[sflag:s3] =	ssyncset.done $0x0  }
0xea: {  	[sflag:s3] =	ssyncadd.s32 $0xFFFFFFB0  }
0xeb: {  	[tilespmem:s6], [sflag:$0x1] =	stream.indirect.gather [hbm4b:s4+s5], $0x80, s2, s5, $0xb8;
	[tilespmem:$0x2880] =	vst v63  }
0xec: {  	_ =	swait.ge [sflag:s7], $0x2800  }
0xed: {  	s14 =	sshll.u32 s14, $0x4;
	[sflag:s7] =	ssyncset.done $0x0  }
0xee: {  	s14 =	sadd.s32 s1, s14;
	[sflag:s7] =	ssyncadd.s32 $0xFFFFD800  }
0xef: {  	[hbm4b:s14+s2] =	stream.linear.scatter [tilespmem:s6], [sflag:$0x2], $0x2800, $0x38;
	[tilespmem:$0x2880] =	vst v63  }
0xf0: {  	s16 =	sadd.s32 $0x550, s0;
	_ =	swait.ge [sflag:s3], $0x2800  }
0xf1: {  	s15 =	sshrl.u32 s16, $0x3;
	[sflag:s3] =	ssyncset.done $0x0  }
0xf2: {  	s15 =	sadd.s32 s30, s15;
	[sflag:s3] =	ssyncadd.s32 $0xFFFFD800  }
0xf3: {  	[tilespmem:s2], [sflag:$0x2] =	stream.linear.gather [hbm4b:s15+s2], $0x50, $0x38;
	[tilespmem:$0x2880] =	vst v63  }
0xf4: {  	_ =	swait.ge [sflag:s3], $0x50  }
0xf5: {  	[sflag:s3] =	ssyncset.done $0x0  }
0xf6: {  	[sflag:s3] =	ssyncadd.s32 $0xFFFFFFB0  }
0xf7: {  	[tilespmem:s6], [sflag:$0x1] =	stream.indirect.gather [hbm4b:s4+s5], $0x80, s2, s5, $0xb8;
	[tilespmem:$0x2880] =	vst v63  }
0xf8: {  	_ =	swait.ge [sflag:s7], $0x2800  }
0xf9: {  	s16 =	sshll.u32 s16, $0x4;
	[sflag:s7] =	ssyncset.done $0x0  }
0xfa: {  	s16 =	sadd.s32 s1, s16;
	[sflag:s7] =	ssyncadd.s32 $0xFFFFD800  }
0xfb: {  	[hbm4b:s16+s2] =	stream.linear.scatter [tilespmem:s6], [sflag:$0x2], $0x2800, $0x38;
	[tilespmem:$0x2880] =	vst v63  }
0xfc: {  	s18 =	sadd.s32 $0x5A0, s0;
	_ =	swait.ge [sflag:s3], $0x2800  }
0xfd: {  	s17 =	sshrl.u32 s18, $0x3;
	[sflag:s3] =	ssyncset.done $0x0  }
0xfe: {  	s17 =	sadd.s32 s30, s17;
	[sflag:s3] =	ssyncadd.s32 $0xFFFFD800  }
0xff: {  	[tilespmem:s2], [sflag:$0x2] =	stream.linear.gather [hbm4b:s17+s2], $0x50, $0x38;
	[tilespmem:$0x2880] =	vst v63  }
0x100: {  	_ =	swait.ge [sflag:s3], $0x50  }
0x101: {  	[sflag:s3] =	ssyncset.done $0x0  }
0x102: {  	[sflag:s3] =	ssyncadd.s32 $0xFFFFFFB0  }
0x103: {  	[tilespmem:s6], [sflag:$0x1] =	stream.indirect.gather [hbm4b:s4+s5], $0x80, s2, s5, $0xb8;
	[tilespmem:$0x2880] =	vst v63  }
0x104: {  	_ =	swait.ge [sflag:s7], $0x2800  }
0x105: {  	s18 =	sshll.u32 s18, $0x4;
	[sflag:s7] =	ssyncset.done $0x0  }
0x106: {  	s18 =	sadd.s32 s1, s18;
	[sflag:s7] =	ssyncadd.s32 $0xFFFFD800  }
0x107: {  	[hbm4b:s18+s2] =	stream.linear.scatter [tilespmem:s6], [sflag:$0x2], $0x2800, $0x38;
	[tilespmem:$0x2880] =	vst v63  }
0x108: {  	s20 =	sadd.s32 $0x5F0, s0;
	_ =	swait.ge [sflag:s3], $0x2800  }
0x109: {  	s19 =	sshrl.u32 s20, $0x3;
	[sflag:s3] =	ssyncset.done $0x0  }
0x10a: {  	s19 =	sadd.s32 s30, s19;
	[sflag:s3] =	ssyncadd.s32 $0xFFFFD800  }
0x10b: {  	[tilespmem:s2], [sflag:$0x2] =	stream.linear.gather [hbm4b:s19+s2], $0x50, $0x38;
	[tilespmem:$0x2880] =	vst v63  }
0x10c: {  	_ =	swait.ge [sflag:s3], $0x50  }
0x10d: {  	[sflag:s3] =	ssyncset.done $0x0  }
0x10e: {  	[sflag:s3] =	ssyncadd.s32 $0xFFFFFFB0  }
0x10f: {  	[tilespmem:s6], [sflag:$0x1] =	stream.indirect.gather [hbm4b:s4+s5], $0x80, s2, s5, $0xb8;
	[tilespmem:$0x2880] =	vst v63  }
0x110: {  	_ =	swait.ge [sflag:s7], $0x2800  }
0x111: {  	s20 =	sshll.u32 s20, $0x4;
	[sflag:s7] =	ssyncset.done $0x0  }
0x112: {  	s20 =	sadd.s32 s1, s20;
	[sflag:s7] =	ssyncadd.s32 $0xFFFFD800  }
0x113: {  	[hbm4b:s20+s2] =	stream.linear.scatter [tilespmem:s6], [sflag:$0x2], $0x2800, $0x38;
	[tilespmem:$0x2880] =	vst v63  }
0x114: {  	s22 =	sadd.s32 $0x640, s0;
	_ =	swait.ge [sflag:s3], $0x2800  }
0x115: {  	s21 =	sshrl.u32 s22, $0x3;
	[sflag:s3] =	ssyncset.done $0x0  }
0x116: {  	s21 =	sadd.s32 s30, s21;
	[sflag:s3] =	ssyncadd.s32 $0xFFFFD800  }
0x117: {  	[tilespmem:s2], [sflag:$0x2] =	stream.linear.gather [hbm4b:s21+s2], $0x50, $0x38;
	[tilespmem:$0x2880] =	vst v63  }
0x118: {  	_ =	swait.ge [sflag:s3], $0x50  }
0x119: {  	[sflag:s3] =	ssyncset.done $0x0  }
0x11a: {  	[sflag:s3] =	ssyncadd.s32 $0xFFFFFFB0  }
0x11b: {  	[tilespmem:s6], [sflag:$0x1] =	stream.indirect.gather [hbm4b:s4+s5], $0x80, s2, s5, $0xb8;
	[tilespmem:$0x2880] =	vst v63  }
0x11c: {  	_ =	swait.ge [sflag:s7], $0x2800  }
0x11d: {  	s22 =	sshll.u32 s22, $0x4;
	[sflag:s7] =	ssyncset.done $0x0  }
0x11e: {  	s22 =	sadd.s32 s1, s22;
	[sflag:s7] =	ssyncadd.s32 $0xFFFFD800  }
0x11f: {  	[hbm4b:s22+s2] =	stream.linear.scatter [tilespmem:s6], [sflag:$0x2], $0x2800, $0x38;
	[tilespmem:$0x2880] =	vst v63  }
0x120: {  	s24 =	sadd.s32 $0x690, s0;
	_ =	swait.ge [sflag:s3], $0x2800  }
0x121: {  	s23 =	sshrl.u32 s24, $0x3;
	[sflag:s3] =	ssyncset.done $0x0  }
0x122: {  	s23 =	sadd.s32 s30, s23;
	[sflag:s3] =	ssyncadd.s32 $0xFFFFD800  }
0x123: {  	[tilespmem:s2], [sflag:$0x2] =	stream.linear.gather [hbm4b:s23+s2], $0x50, $0x38;
	[tilespmem:$0x2880] =	vst v63  }
0x124: {  	_ =	swait.ge [sflag:s3], $0x50  }
0x125: {  	[sflag:s3] =	ssyncset.done $0x0  }
0x126: {  	[sflag:s3] =	ssyncadd.s32 $0xFFFFFFB0  }
0x127: {  	[tilespmem:s6], [sflag:$0x1] =	stream.indirect.gather [hbm4b:s4+s5], $0x80, s2, s5, $0xb8;
	[tilespmem:$0x2880] =	vst v63  }
0x128: {  	_ =	swait.ge [sflag:s7], $0x2800  }
0x129: {  	s24 =	sshll.u32 s24, $0x4;
	[sflag:s7] =	ssyncset.done $0x0  }
0x12a: {  	s24 =	sadd.s32 s1, s24;
	[sflag:s7] =	ssyncadd.s32 $0xFFFFD800  }
0x12b: {  	[hbm4b:s24+s2] =	stream.linear.scatter [tilespmem:s6], [sflag:$0x2], $0x2800, $0x38;
	[tilespmem:$0x2880] =	vst v63  }
0x12c: {  	s26 =	sadd.s32 $0x6E0, s0;
	_ =	swait.ge [sflag:s3], $0x2800  }
0x12d: {  	s25 =	sshrl.u32 s26, $0x3;
	[sflag:s3] =	ssyncset.done $0x0  }
0x12e: {  	s25 =	sadd.s32 s30, s25;
	[sflag:s3] =	ssyncadd.s32 $0xFFFFD800  }
0x12f: {  	[tilespmem:s2], [sflag:$0x2] =	stream.linear.gather [hbm4b:s25+s2], $0x50, $0x38;
	[tilespmem:$0x2880] =	vst v63  }
0x130: {  	_ =	swait.ge [sflag:s3], $0x50  }
0x131: {  	[sflag:s3] =	ssyncset.done $0x0  }
0x132: {  	[sflag:s3] =	ssyncadd.s32 $0xFFFFFFB0  }
0x133: {  	[tilespmem:s6], [sflag:$0x1] =	stream.indirect.gather [hbm4b:s4+s5], $0x80, s2, s5, $0xb8;
	[tilespmem:$0x2880] =	vst v63  }
0x134: {  	_ =	swait.ge [sflag:s7], $0x2800  }
0x135: {  	s26 =	sshll.u32 s26, $0x4;
	[sflag:s7] =	ssyncset.done $0x0  }
0x136: {  	s26 =	sadd.s32 s1, s26;
	[dreg:$0x1d] =	wrdreg s1;
	[sflag:s7] =	ssyncadd.s32 $0xFFFFD800  }
0x137: {  	[hbm4b:s26+s2] =	stream.linear.scatter [tilespmem:s6], [sflag:$0x2], $0x2800, $0x38;
	[tilespmem:$0x2880] =	vst v63  }
0x138: {  	s29 =	sadd.s32 $0x730, s0;
	_ =	swait.ge [sflag:s3], $0x2800  }
0x139: {  	s28 =	sshrl.u32 s29, $0x3;
	[sflag:s3] =	ssyncset.done $0x0  }
0x13a: {  	s28 =	sadd.s32 s30, s28;
	[sflag:s3] =	ssyncadd.s32 $0xFFFFD800  }
0x13b: {  	[tilespmem:s2], [sflag:$0x2] =	stream.linear.gather [hbm4b:s28+s2], $0x50, $0x38;
	[tilespmem:$0x2880] =	vst v63  }
0x13c: {  	_ =	swait.ge [sflag:s3], $0x50  }
0x13d: {  	[sflag:s3] =	ssyncset.done $0x0  }
0x13e: {  	[sflag:s3] =	ssyncadd.s32 $0xFFFFFFB0  }
0x13f: {  	[tilespmem:s6], [sflag:$0x1] =	stream.indirect.gather [hbm4b:s4+s5], $0x80, s2, s5, $0xb8;
	[tilespmem:$0x2880] =	vst v63  }
0x140: {  	_ =	swait.ge [sflag:s7], $0x2800  }
0x141: {  	s29 =	sshll.u32 s29, $0x4;
	[sflag:s7] =	ssyncset.done $0x0  }
0x142: {  	s29 =	sadd.s32 s1, s29;
	s0 =	sadd.s32 $0x780, s0;
	[sflag:s7] =	ssyncadd.s32 $0xFFFFD800  }
0x143: {  	[hbm4b:s29+s2] =	stream.linear.scatter [tilespmem:s6], [sflag:$0x2], $0x2800, $0x38;
	[tilespmem:$0x2880] =	vst v63  }
0x144: {  	s1 =	sshrl.u32 s0, $0x3;
	_ =	swait.ge [sflag:s3], $0x2800  }
0x145: {  	s30 =	sadd.s32 s30, s1;
	s1 =	ssub.s32 $0x2, s31;
	[sflag:s3] =	ssyncset.done $0x0  }
0x146: {  	s31 =	sshrl.u32 s1, $0x1;
	[sflag:s3] =	ssyncadd.s32 $0xFFFFD800  }
0x147: {  	[tilespmem:s2], [sflag:$0x2] =	stream.linear.gather [hbm4b:s30+s2], $0x50, $0x38;
	[tilespmem:$0x2880] =	vst v63  }
0x148: {  	s1 =	ssub.s32 s1, s31;
	_ =	swait.ge [sflag:s3], $0x50  }
0x149: {  	s1 =	smax.u32 s1, $0x1;
	[sflag:s3] =	ssyncset.done $0x0  }
0x14a: {  	p0 =	sne.s32 s1, $0x1;
	[sflag:s3] =	ssyncadd.s32 $0xFFFFFFB0  }
0x14b: {  	[tilespmem:s6], [sflag:$0x1] =	stream.indirect.gather [hbm4b:s4+s5], $0x80, s2, s5, $0xb8;
	[tilespmem:$0x2880] =	vst v63  }
.Ltmp0:
0x14c: {  	_ =	swait.ge [sflag:s7], $0x2800;
	(pc) =	sbr.rel @!p0 .LBB2_2-.Ltmp0, $4  }
0x14d: {  	s0 =	sshll.u32 s0, $0x4;
	[sflag:s7] =	ssyncset.done $0x0;
	s31 =	rddreg [dreg:$0x1d]  }
0x14e: {  	s31 =	sadd.s32 s31, s0;
	[sflag:s7] =	ssyncadd.s32 $0xFFFFD800  }
0x14f: {  	[hbm4b:s31+s2] =	stream.linear.scatter [tilespmem:s6], [sflag:$0x2], $0x2800, $0x38;
	[tilespmem:$0x2880] =	vst v63  }
0x150: {  	s1 =	sadd.s32 $0xFFFFFFFF, s1;
	_ =	swait.ge [sflag:s3], $0x2800  }
.LBB2_1:
0x151: {  	[sflag:s3] =	ssyncset.done $0x0  }
0x152: {  	s0 =	rddreg [dreg:$0x2];
	[sflag:s3] =	ssyncadd.s32 $0xFFFFD800  }
0x153: {  	[tilespmem:s2], [sflag:$0x2] =	stream.linear.gather [hbm4b:s0+s2], $0x50, $0x38;
	[tilespmem:$0x2880] =	vst v63  }
0x154: {  	_ =	swait.ge [sflag:s3], $0x50  }
0x155: {  	[sflag:s3] =	ssyncset.done $0x0  }
0x156: {  	[sflag:s3] =	ssyncadd.s32 $0xFFFFFFB0  }
0x157: {  	[tilespmem:s6], [sflag:$0x1] =	stream.indirect.gather [hbm4b:s4+s5], $0x80, s2, s5, $0xb8;
	[tilespmem:$0x2880] =	vst v63  }
0x158: {  	_ =	swait.ge [sflag:s7], $0x2800  }
0x159: {  	[sflag:s7] =	ssyncset.done $0x0  }
0x15a: {  	s0 =	rddreg [dreg:$0x3];
	[sflag:s7] =	ssyncadd.s32 $0xFFFFD800  }
0x15b: {  	[hbm4b:s0+s2] =	stream.linear.scatter [tilespmem:s6], [sflag:$0x2], $0x2800, $0x38;
	[tilespmem:$0x2880] =	vst v63  }
0x15c: {  	_ =	swait.ge [sflag:s3], $0x2800  }
0x15d: {  	[sflag:s3] =	ssyncset.done $0x0  }
0x15e: {  	s0 =	rddreg [dreg:$0x4];
	[sflag:s3] =	ssyncadd.s32 $0xFFFFD800  }
0x15f: {  	[tilespmem:s2], [sflag:$0x2] =	stream.linear.gather [hbm4b:s0+s2], $0x50, $0x38;
	[tilespmem:$0x2880] =	vst v63  }
0x160: {  	_ =	swait.ge [sflag:s3], $0x50  }
0x161: {  	[sflag:s3] =	ssyncset.done $0x0  }
0x162: {  	[sflag:s3] =	ssyncadd.s32 $0xFFFFFFB0  }
0x163: {  	[tilespmem:s6], [sflag:$0x1] =	stream.indirect.gather [hbm4b:s4+s5], $0x80, s2, s5, $0xb8;
	[tilespmem:$0x2880] =	vst v63  }
0x164: {  	_ =	swait.ge [sflag:s7], $0x2800  }
0x165: {  	[sflag:s7] =	ssyncset.done $0x0  }
0x166: {  	s0 =	rddreg [dreg:$0x5];
	[sflag:s7] =	ssyncadd.s32 $0xFFFFD800  }
0x167: {  	[hbm4b:s0+s2] =	stream.linear.scatter [tilespmem:s6], [sflag:$0x2], $0x2800, $0x38;
	[tilespmem:$0x2880] =	vst v63  }
0x168: {  	_ =	swait.ge [sflag:s3], $0x2800  }
0x169: {  	[sflag:s3] =	ssyncset.done $0x0  }
0x16a: {  	s0 =	rddreg [dreg:$0x6];
	[sflag:s3] =	ssyncadd.s32 $0xFFFFD800  }
0x16b: {  	[tilespmem:s2], [sflag:$0x2] =	stream.linear.gather [hbm4b:s0+s2], $0x50, $0x38;
	[tilespmem:$0x2880] =	vst v63  }
0x16c: {  	_ =	swait.ge [sflag:s3], $0x50  }
0x16d: {  	[sflag:s3] =	ssyncset.done $0x0  }
0x16e: {  	[sflag:s3] =	ssyncadd.s32 $0xFFFFFFB0  }
0x16f: {  	[tilespmem:s6], [sflag:$0x1] =	stream.indirect.gather [hbm4b:s4+s5], $0x80, s2, s5, $0xb8;
	[tilespmem:$0x2880] =	vst v63  }
0x170: {  	_ =	swait.ge [sflag:s7], $0x2800  }
0x171: {  	[sflag:s7] =	ssyncset.done $0x0  }
0x172: {  	s0 =	rddreg [dreg:$0x7];
	[sflag:s7] =	ssyncadd.s32 $0xFFFFD800  }
0x173: {  	[hbm4b:s0+s2] =	stream.linear.scatter [tilespmem:s6], [sflag:$0x2], $0x2800, $0x38;
	[tilespmem:$0x2880] =	vst v63  }
0x174: {  	_ =	swait.ge [sflag:s3], $0x2800  }
0x175: {  	[sflag:s3] =	ssyncset.done $0x0  }
0x176: {  	s0 =	rddreg [dreg:$0x8];
	[sflag:s3] =	ssyncadd.s32 $0xFFFFD800  }
0x177: {  	[tilespmem:s2], [sflag:$0x2] =	stream.linear.gather [hbm4b:s0+s2], $0x50, $0x38;
	[tilespmem:$0x2880] =	vst v63  }
0x178: {  	_ =	swait.ge [sflag:s3], $0x50  }
0x179: {  	[sflag:s3] =	ssyncset.done $0x0  }
0x17a: {  	[sflag:s3] =	ssyncadd.s32 $0xFFFFFFB0  }
0x17b: {  	[tilespmem:s6], [sflag:$0x1] =	stream.indirect.gather [hbm4b:s4+s5], $0x80, s2, s5, $0xb8;
	[tilespmem:$0x2880] =	vst v63  }
0x17c: {  	_ =	swait.ge [sflag:s7], $0x2800  }
0x17d: {  	[sflag:s7] =	ssyncset.done $0x0  }
0x17e: {  	s0 =	rddreg [dreg:$0x9];
	[sflag:s7] =	ssyncadd.s32 $0xFFFFD800  }
0x17f: {  	[hbm4b:s0+s2] =	stream.linear.scatter [tilespmem:s6], [sflag:$0x2], $0x2800, $0x38;
	[tilespmem:$0x2880] =	vst v63  }
0x180: {  	_ =	swait.ge [sflag:s3], $0x2800  }
0x181: {  	[sflag:s3] =	ssyncset.done $0x0  }
0x182: {  	s0 =	rddreg [dreg:$0xa];
	[sflag:s3] =	ssyncadd.s32 $0xFFFFD800  }
0x183: {  	[tilespmem:s2], [sflag:$0x2] =	stream.linear.gather [hbm4b:s0+s2], $0x50, $0x38;
	[tilespmem:$0x2880] =	vst v63  }
0x184: {  	_ =	swait.ge [sflag:s3], $0x50  }
0x185: {  	[sflag:s3] =	ssyncset.done $0x0  }
0x186: {  	[sflag:s3] =	ssyncadd.s32 $0xFFFFFFB0  }
0x187: {  	[tilespmem:s6], [sflag:$0x1] =	stream.indirect.gather [hbm4b:s4+s5], $0x80, s2, s5, $0xb8;
	[tilespmem:$0x2880] =	vst v63  }
0x188: {  	_ =	swait.ge [sflag:s7], $0x2800  }
0x189: {  	[sflag:s7] =	ssyncset.done $0x0  }
0x18a: {  	s0 =	rddreg [dreg:$0xb];
	[sflag:s7] =	ssyncadd.s32 $0xFFFFD800  }
0x18b: {  	[hbm4b:s0+s2] =	stream.linear.scatter [tilespmem:s6], [sflag:$0x2], $0x2800, $0x38;
	[tilespmem:$0x2880] =	vst v63  }
0x18c: {  	_ =	swait.ge [sflag:s3], $0x2800  }
0x18d: {  	[sflag:s3] =	ssyncset.done $0x0  }
0x18e: {  	s0 =	rddreg [dreg:$0xc];
	[sflag:s3] =	ssyncadd.s32 $0xFFFFD800  }
0x18f: {  	[tilespmem:s2], [sflag:$0x2] =	stream.linear.gather [hbm4b:s0+s2], $0x50, $0x38;
	[tilespmem:$0x2880] =	vst v63  }
0x190: {  	_ =	swait.ge [sflag:s3], $0x50  }
0x191: {  	[sflag:s3] =	ssyncset.done $0x0  }
0x192: {  	[sflag:s3] =	ssyncadd.s32 $0xFFFFFFB0  }
0x193: {  	[tilespmem:s6], [sflag:$0x1] =	stream.indirect.gather [hbm4b:s4+s5], $0x80, s2, s5, $0xb8;
	[tilespmem:$0x2880] =	vst v63  }
0x194: {  	_ =	swait.ge [sflag:s7], $0x2800  }
0x195: {  	[sflag:s7] =	ssyncset.done $0x0  }
0x196: {  	s0 =	rddreg [dreg:$0xd];
	[sflag:s7] =	ssyncadd.s32 $0xFFFFD800  }
0x197: {  	[hbm4b:s0+s2] =	stream.linear.scatter [tilespmem:s6], [sflag:$0x2], $0x2800, $0x38;
	[tilespmem:$0x2880] =	vst v63  }
0x198: {  	_ =	swait.ge [sflag:s3], $0x2800  }
0x199: {  	[sflag:s3] =	ssyncset.done $0x0  }
0x19a: {  	s0 =	rddreg [dreg:$0xe];
	[sflag:s3] =	ssyncadd.s32 $0xFFFFD800  }
0x19b: {  	[tilespmem:s2], [sflag:$0x2] =	stream.linear.gather [hbm4b:s0+s2], $0x50, $0x38;
	[tilespmem:$0x2880] =	vst v63  }
0x19c: {  	_ =	swait.ge [sflag:s3], $0x50  }
0x19d: {  	[sflag:s3] =	ssyncset.done $0x0  }
0x19e: {  	[sflag:s3] =	ssyncadd.s32 $0xFFFFFFB0  }
0x19f: {  	[tilespmem:s6], [sflag:$0x1] =	stream.indirect.gather [hbm4b:s4+s5], $0x80, s2, s5, $0xb8;
	[tilespmem:$0x2880] =	vst v63  }
0x1a0: {  	_ =	swait.ge [sflag:s7], $0x2800  }
0x1a1: {  	[sflag:s7] =	ssyncset.done $0x0  }
0x1a2: {  	s0 =	rddreg [dreg:$0xf];
	[sflag:s7] =	ssyncadd.s32 $0xFFFFD800  }
0x1a3: {  	[hbm4b:s0+s2] =	stream.linear.scatter [tilespmem:s6], [sflag:$0x2], $0x2800, $0x38;
	[tilespmem:$0x2880] =	vst v63  }
0x1a4: {  	_ =	swait.ge [sflag:s3], $0x2800  }
0x1a5: {  	[sflag:s3] =	ssyncset.done $0x0  }
0x1a6: {  	s0 =	rddreg [dreg:$0x10];
	[sflag:s3] =	ssyncadd.s32 $0xFFFFD800  }
0x1a7: {  	[tilespmem:s2], [sflag:$0x2] =	stream.linear.gather [hbm4b:s0+s2], $0x50, $0x38;
	[tilespmem:$0x2880] =	vst v63  }
0x1a8: {  	_ =	swait.ge [sflag:s3], $0x50  }
0x1a9: {  	[sflag:s3] =	ssyncset.done $0x0  }
0x1aa: {  	[sflag:s3] =	ssyncadd.s32 $0xFFFFFFB0  }
0x1ab: {  	[tilespmem:s6], [sflag:$0x1] =	stream.indirect.gather [hbm4b:s4+s5], $0x80, s2, s5, $0xb8;
	[tilespmem:$0x2880] =	vst v63  }
0x1ac: {  	_ =	swait.ge [sflag:s7], $0x2800  }
0x1ad: {  	[sflag:s7] =	ssyncset.done $0x0  }
0x1ae: {  	s0 =	rddreg [dreg:$0x11];
	[sflag:s7] =	ssyncadd.s32 $0xFFFFD800  }
0x1af: {  	[hbm4b:s0+s2] =	stream.linear.scatter [tilespmem:s6], [sflag:$0x2], $0x2800, $0x38;
	[tilespmem:$0x2880] =	vst v63  }
0x1b0: {  	_ =	swait.ge [sflag:s3], $0x2800  }
0x1b1: {  	[sflag:s3] =	ssyncset.done $0x0  }
0x1b2: {  	s0 =	rddreg [dreg:$0x12];
	[sflag:s3] =	ssyncadd.s32 $0xFFFFD800  }
0x1b3: {  	[tilespmem:s2], [sflag:$0x2] =	stream.linear.gather [hbm4b:s0+s2], $0x50, $0x38;
	[tilespmem:$0x2880] =	vst v63  }
0x1b4: {  	_ =	swait.ge [sflag:s3], $0x50  }
0x1b5: {  	[sflag:s3] =	ssyncset.done $0x0  }
0x1b6: {  	[sflag:s3] =	ssyncadd.s32 $0xFFFFFFB0  }
0x1b7: {  	[tilespmem:s6], [sflag:$0x1] =	stream.indirect.gather [hbm4b:s4+s5], $0x80, s2, s5, $0xb8;
	[tilespmem:$0x2880] =	vst v63  }
0x1b8: {  	_ =	swait.ge [sflag:s7], $0x2800  }
0x1b9: {  	[sflag:s7] =	ssyncset.done $0x0  }
0x1ba: {  	s0 =	rddreg [dreg:$0x13];
	[sflag:s7] =	ssyncadd.s32 $0xFFFFD800  }
0x1bb: {  	[hbm4b:s0+s2] =	stream.linear.scatter [tilespmem:s6], [sflag:$0x2], $0x2800, $0x38;
	[tilespmem:$0x2880] =	vst v63  }
0x1bc: {  	_ =	swait.ge [sflag:s3], $0x2800  }
0x1bd: {  	[sflag:s3] =	ssyncset.done $0x0  }
0x1be: {  	s0 =	rddreg [dreg:$0x14];
	[sflag:s3] =	ssyncadd.s32 $0xFFFFD800  }
0x1bf: {  	[tilespmem:s2], [sflag:$0x2] =	stream.linear.gather [hbm4b:s0+s2], $0x50, $0x38;
	[tilespmem:$0x2880] =	vst v63  }
0x1c0: {  	_ =	swait.ge [sflag:s3], $0x50  }
0x1c1: {  	[sflag:s3] =	ssyncset.done $0x0  }
0x1c2: {  	[sflag:s3] =	ssyncadd.s32 $0xFFFFFFB0  }
0x1c3: {  	[tilespmem:s6], [sflag:$0x1] =	stream.indirect.gather [hbm4b:s4+s5], $0x80, s2, s5, $0xb8;
	[tilespmem:$0x2880] =	vst v63  }
0x1c4: {  	_ =	swait.ge [sflag:s7], $0x2800  }
0x1c5: {  	[sflag:s7] =	ssyncset.done $0x0  }
0x1c6: {  	s0 =	rddreg [dreg:$0x15];
	[sflag:s7] =	ssyncadd.s32 $0xFFFFD800  }
0x1c7: {  	[hbm4b:s0+s2] =	stream.linear.scatter [tilespmem:s6], [sflag:$0x2], $0x2800, $0x38;
	[tilespmem:$0x2880] =	vst v63  }
0x1c8: {  	_ =	swait.ge [sflag:s3], $0x2800  }
0x1c9: {  	[sflag:s3] =	ssyncset.done $0x0  }
0x1ca: {  	s0 =	rddreg [dreg:$0x16];
	[sflag:s3] =	ssyncadd.s32 $0xFFFFD800  }
0x1cb: {  	[tilespmem:s2], [sflag:$0x2] =	stream.linear.gather [hbm4b:s0+s2], $0x50, $0x38;
	[tilespmem:$0x2880] =	vst v63  }
0x1cc: {  	_ =	swait.ge [sflag:s3], $0x50  }
0x1cd: {  	[sflag:s3] =	ssyncset.done $0x0  }
0x1ce: {  	[sflag:s3] =	ssyncadd.s32 $0xFFFFFFB0  }
0x1cf: {  	[tilespmem:s6], [sflag:$0x1] =	stream.indirect.gather [hbm4b:s4+s5], $0x80, s2, s5, $0xb8;
	[tilespmem:$0x2880] =	vst v63  }
0x1d0: {  	_ =	swait.ge [sflag:s7], $0x2800  }
0x1d1: {  	[sflag:s7] =	ssyncset.done $0x0  }
0x1d2: {  	s0 =	rddreg [dreg:$0x17];
	[sflag:s7] =	ssyncadd.s32 $0xFFFFD800  }
0x1d3: {  	[hbm4b:s0+s2] =	stream.linear.scatter [tilespmem:s6], [sflag:$0x2], $0x2800, $0x38;
	[tilespmem:$0x2880] =	vst v63  }
0x1d4: {  	_ =	swait.ge [sflag:s3], $0x2800  }
0x1d5: {  	[sflag:s3] =	ssyncset.done $0x0  }
0x1d6: {  	s0 =	rddreg [dreg:$0x18];
	[sflag:s3] =	ssyncadd.s32 $0xFFFFD800  }
0x1d7: {  	[tilespmem:s2], [sflag:$0x2] =	stream.linear.gather [hbm4b:s0+s2], $0x50, $0x38;
	[tilespmem:$0x2880] =	vst v63  }
0x1d8: {  	_ =	swait.ge [sflag:s3], $0x50  }
0x1d9: {  	[sflag:s3] =	ssyncset.done $0x0  }
0x1da: {  	[sflag:s3] =	ssyncadd.s32 $0xFFFFFFB0  }
0x1db: {  	[tilespmem:s6], [sflag:$0x1] =	stream.indirect.gather [hbm4b:s4+s5], $0x80, s2, s5, $0xb8;
	[tilespmem:$0x2880] =	vst v63  }
0x1dc: {  	_ =	swait.ge [sflag:s7], $0x2800  }
0x1dd: {  	[sflag:s7] =	ssyncset.done $0x0  }
0x1de: {  	s0 =	rddreg [dreg:$0x19];
	[sflag:s7] =	ssyncadd.s32 $0xFFFFD800  }
0x1df: {  	[hbm4b:s0+s2] =	stream.linear.scatter [tilespmem:s6], [sflag:$0x2], $0x2800, $0x38;
	[tilespmem:$0x2880] =	vst v63  }
0x1e0: {  	_ =	swait.ge [sflag:s3], $0x2800  }
0x1e1: {  	[sflag:s3] =	ssyncset.done $0x0  }
0x1e2: {  	s0 =	rddreg [dreg:$0x1a];
	[sflag:s3] =	ssyncadd.s32 $0xFFFFD800  }
0x1e3: {  	[tilespmem:s2], [sflag:$0x2] =	stream.linear.gather [hbm4b:s0+s2], $0x50, $0x38;
	[tilespmem:$0x2880] =	vst v63  }
0x1e4: {  	_ =	swait.ge [sflag:s3], $0x50  }
0x1e5: {  	[sflag:s3] =	ssyncset.done $0x0  }
0x1e6: {  	[sflag:s3] =	ssyncadd.s32 $0xFFFFFFB0  }
0x1e7: {  	[tilespmem:s6], [sflag:$0x1] =	stream.indirect.gather [hbm4b:s4+s5], $0x80, s2, s5, $0xb8;
	[tilespmem:$0x2880] =	vst v63  }
0x1e8: {  	_ =	swait.ge [sflag:s7], $0x2800  }
0x1e9: {  	[sflag:s7] =	ssyncset.done $0x0  }
0x1ea: {  	s0 =	rddreg [dreg:$0x1b];
	[sflag:s7] =	ssyncadd.s32 $0xFFFFD800  }
0x1eb: {  	[hbm4b:s0+s2] =	stream.linear.scatter [tilespmem:s6], [sflag:$0x2], $0x2800, $0x38;
	[tilespmem:$0x2880] =	vst v63  }
0x1ec: {  	_ =	swait.ge [sflag:s3], $0x2800  }
0x1ed: {  	[sflag:s3] =	ssyncset.done $0x0  }
0x1ee: {  	s0 =	rddreg [dreg:$0x1c];
	[sflag:s3] =	ssyncadd.s32 $0xFFFFD800  }
0x1ef: {  	[tilespmem:s2], [sflag:$0x2] =	stream.linear.gather [hbm4b:s0+s2], $0x50, $0x38;
	[tilespmem:$0x2880] =	vst v63  }
0x1f0: {  	_ =	swait.ge [sflag:s3], $0x50  }
0x1f1: {  	[sflag:s3] =	ssyncset.done $0x0  }
0x1f2: {  	[sflag:s3] =	ssyncadd.s32 $0xFFFFFFB0  }
0x1f3: {  	[tilespmem:s6], [sflag:$0x1] =	stream.indirect.gather [hbm4b:s4+s5], $0x80, s2, s5, $0xb8;
	[tilespmem:$0x2880] =	vst v63  }
0x1f4: {  	_ =	swait.ge [sflag:s7], $0x2800  }
0x1f5: {  	[sflag:s7] =	ssyncset.done $0x0  }
0x1f6: {  	[sflag:s7] =	ssyncadd.s32 $0xFFFFD800  }
0x1f7: {  	[hbm4b:s8+s2] =	stream.linear.scatter [tilespmem:s6], [sflag:$0x2], $0x2800, $0x38;
	[tilespmem:$0x2880] =	vst v63  }
0x1f8: {  	_ =	swait.ge [sflag:s3], $0x2800  }
0x1f9: {  	[sflag:s3] =	ssyncset.done $0x0  }
0x1fa: {  	[sflag:s3] =	ssyncadd.s32 $0xFFFFD800  }
0x1fb: {  	[tilespmem:s2], [sflag:$0x2] =	stream.linear.gather [hbm4b:s9+s2], $0x50, $0x38;
	[tilespmem:$0x2880] =	vst v63  }
0x1fc: {  	_ =	swait.ge [sflag:s3], $0x50  }
0x1fd: {  	[sflag:s3] =	ssyncset.done $0x0  }
0x1fe: {  	[sflag:s3] =	ssyncadd.s32 $0xFFFFFFB0  }
0x1ff: {  	[tilespmem:s6], [sflag:$0x1] =	stream.indirect.gather [hbm4b:s4+s5], $0x80, s2, s5, $0xb8;
	[tilespmem:$0x2880] =	vst v63  }
0x200: {  	_ =	swait.ge [sflag:s7], $0x2800  }
0x201: {  	[sflag:s7] =	ssyncset.done $0x0  }
0x202: {  	[sflag:s7] =	ssyncadd.s32 $0xFFFFD800  }
0x203: {  	[hbm4b:s10+s2] =	stream.linear.scatter [tilespmem:s6], [sflag:$0x2], $0x2800, $0x38;
	[tilespmem:$0x2880] =	vst v63  }
0x204: {  	_ =	swait.ge [sflag:s3], $0x2800  }
0x205: {  	[sflag:s3] =	ssyncset.done $0x0  }
0x206: {  	[sflag:s3] =	ssyncadd.s32 $0xFFFFD800  }
0x207: {  	[tilespmem:s2], [sflag:$0x2] =	stream.linear.gather [hbm4b:s11+s2], $0x50, $0x38;
	[tilespmem:$0x2880] =	vst v63  }
0x208: {  	_ =	swait.ge [sflag:s3], $0x50  }
0x209: {  	[sflag:s3] =	ssyncset.done $0x0  }
0x20a: {  	[sflag:s3] =	ssyncadd.s32 $0xFFFFFFB0  }
0x20b: {  	[tilespmem:s6], [sflag:$0x1] =	stream.indirect.gather [hbm4b:s4+s5], $0x80, s2, s5, $0xb8;
	[tilespmem:$0x2880] =	vst v63  }
0x20c: {  	_ =	swait.ge [sflag:s7], $0x2800  }
0x20d: {  	[sflag:s7] =	ssyncset.done $0x0  }
0x20e: {  	[sflag:s7] =	ssyncadd.s32 $0xFFFFD800  }
0x20f: {  	[hbm4b:s12+s2] =	stream.linear.scatter [tilespmem:s6], [sflag:$0x2], $0x2800, $0x38;
	[tilespmem:$0x2880] =	vst v63  }
0x210: {  	_ =	swait.ge [sflag:s3], $0x2800  }
0x211: {  	[sflag:s3] =	ssyncset.done $0x0  }
0x212: {  	[sflag:s3] =	ssyncadd.s32 $0xFFFFD800  }
0x213: {  	[tilespmem:s2], [sflag:$0x2] =	stream.linear.gather [hbm4b:s13+s2], $0x50, $0x38;
	[tilespmem:$0x2880] =	vst v63  }
0x214: {  	_ =	swait.ge [sflag:s3], $0x50  }
0x215: {  	[sflag:s3] =	ssyncset.done $0x0  }
0x216: {  	[sflag:s3] =	ssyncadd.s32 $0xFFFFFFB0  }
0x217: {  	[tilespmem:s6], [sflag:$0x1] =	stream.indirect.gather [hbm4b:s4+s5], $0x80, s2, s5, $0xb8;
	[tilespmem:$0x2880] =	vst v63  }
0x218: {  	_ =	swait.ge [sflag:s7], $0x2800  }
0x219: {  	[sflag:s7] =	ssyncset.done $0x0  }
0x21a: {  	[sflag:s7] =	ssyncadd.s32 $0xFFFFD800  }
0x21b: {  	[hbm4b:s14+s2] =	stream.linear.scatter [tilespmem:s6], [sflag:$0x2], $0x2800, $0x38;
	[tilespmem:$0x2880] =	vst v63  }
0x21c: {  	_ =	swait.ge [sflag:s3], $0x2800  }
0x21d: {  	[sflag:s3] =	ssyncset.done $0x0  }
0x21e: {  	[sflag:s3] =	ssyncadd.s32 $0xFFFFD800  }
0x21f: {  	[tilespmem:s2], [sflag:$0x2] =	stream.linear.gather [hbm4b:s15+s2], $0x50, $0x38;
	[tilespmem:$0x2880] =	vst v63  }
0x220: {  	_ =	swait.ge [sflag:s3], $0x50  }
0x221: {  	[sflag:s3] =	ssyncset.done $0x0  }
0x222: {  	[sflag:s3] =	ssyncadd.s32 $0xFFFFFFB0  }
0x223: {  	[tilespmem:s6], [sflag:$0x1] =	stream.indirect.gather [hbm4b:s4+s5], $0x80, s2, s5, $0xb8;
	[tilespmem:$0x2880] =	vst v63  }
0x224: {  	_ =	swait.ge [sflag:s7], $0x2800  }
0x225: {  	[sflag:s7] =	ssyncset.done $0x0  }
0x226: {  	[sflag:s7] =	ssyncadd.s32 $0xFFFFD800  }
0x227: {  	[hbm4b:s16+s2] =	stream.linear.scatter [tilespmem:s6], [sflag:$0x2], $0x2800, $0x38;
	[tilespmem:$0x2880] =	vst v63  }
0x228: {  	_ =	swait.ge [sflag:s3], $0x2800  }
0x229: {  	[sflag:s3] =	ssyncset.done $0x0  }
0x22a: {  	[sflag:s3] =	ssyncadd.s32 $0xFFFFD800  }
0x22b: {  	[tilespmem:s2], [sflag:$0x2] =	stream.linear.gather [hbm4b:s17+s2], $0x50, $0x38;
	[tilespmem:$0x2880] =	vst v63  }
0x22c: {  	_ =	swait.ge [sflag:s3], $0x50  }
0x22d: {  	[sflag:s3] =	ssyncset.done $0x0  }
0x22e: {  	[sflag:s3] =	ssyncadd.s32 $0xFFFFFFB0  }
0x22f: {  	[tilespmem:s6], [sflag:$0x1] =	stream.indirect.gather [hbm4b:s4+s5], $0x80, s2, s5, $0xb8;
	[tilespmem:$0x2880] =	vst v63  }
0x230: {  	_ =	swait.ge [sflag:s7], $0x2800  }
0x231: {  	[sflag:s7] =	ssyncset.done $0x0  }
0x232: {  	[sflag:s7] =	ssyncadd.s32 $0xFFFFD800  }
0x233: {  	[hbm4b:s18+s2] =	stream.linear.scatter [tilespmem:s6], [sflag:$0x2], $0x2800, $0x38;
	[tilespmem:$0x2880] =	vst v63  }
0x234: {  	_ =	swait.ge [sflag:s3], $0x2800  }
0x235: {  	[sflag:s3] =	ssyncset.done $0x0  }
0x236: {  	[sflag:s3] =	ssyncadd.s32 $0xFFFFD800  }
0x237: {  	[tilespmem:s2], [sflag:$0x2] =	stream.linear.gather [hbm4b:s19+s2], $0x50, $0x38;
	[tilespmem:$0x2880] =	vst v63  }
0x238: {  	_ =	swait.ge [sflag:s3], $0x50  }
0x239: {  	[sflag:s3] =	ssyncset.done $0x0  }
0x23a: {  	[sflag:s3] =	ssyncadd.s32 $0xFFFFFFB0  }
0x23b: {  	[tilespmem:s6], [sflag:$0x1] =	stream.indirect.gather [hbm4b:s4+s5], $0x80, s2, s5, $0xb8;
	[tilespmem:$0x2880] =	vst v63  }
0x23c: {  	_ =	swait.ge [sflag:s7], $0x2800  }
0x23d: {  	[sflag:s7] =	ssyncset.done $0x0  }
0x23e: {  	[sflag:s7] =	ssyncadd.s32 $0xFFFFD800  }
0x23f: {  	[hbm4b:s20+s2] =	stream.linear.scatter [tilespmem:s6], [sflag:$0x2], $0x2800, $0x38;
	[tilespmem:$0x2880] =	vst v63  }
0x240: {  	_ =	swait.ge [sflag:s3], $0x2800  }
0x241: {  	[sflag:s3] =	ssyncset.done $0x0  }
0x242: {  	[sflag:s3] =	ssyncadd.s32 $0xFFFFD800  }
0x243: {  	[tilespmem:s2], [sflag:$0x2] =	stream.linear.gather [hbm4b:s21+s2], $0x50, $0x38;
	[tilespmem:$0x2880] =	vst v63  }
0x244: {  	_ =	swait.ge [sflag:s3], $0x50  }
0x245: {  	[sflag:s3] =	ssyncset.done $0x0  }
0x246: {  	[sflag:s3] =	ssyncadd.s32 $0xFFFFFFB0  }
0x247: {  	[tilespmem:s6], [sflag:$0x1] =	stream.indirect.gather [hbm4b:s4+s5], $0x80, s2, s5, $0xb8;
	[tilespmem:$0x2880] =	vst v63  }
0x248: {  	_ =	swait.ge [sflag:s7], $0x2800  }
0x249: {  	[sflag:s7] =	ssyncset.done $0x0  }
0x24a: {  	[sflag:s7] =	ssyncadd.s32 $0xFFFFD800  }
0x24b: {  	[hbm4b:s22+s2] =	stream.linear.scatter [tilespmem:s6], [sflag:$0x2], $0x2800, $0x38;
	[tilespmem:$0x2880] =	vst v63  }
0x24c: {  	_ =	swait.ge [sflag:s3], $0x2800  }
0x24d: {  	[sflag:s3] =	ssyncset.done $0x0  }
0x24e: {  	[sflag:s3] =	ssyncadd.s32 $0xFFFFD800  }
0x24f: {  	[tilespmem:s2], [sflag:$0x2] =	stream.linear.gather [hbm4b:s23+s2], $0x50, $0x38;
	[tilespmem:$0x2880] =	vst v63  }
0x250: {  	_ =	swait.ge [sflag:s3], $0x50  }
0x251: {  	[sflag:s3] =	ssyncset.done $0x0  }
0x252: {  	[sflag:s3] =	ssyncadd.s32 $0xFFFFFFB0  }
0x253: {  	[tilespmem:s6], [sflag:$0x1] =	stream.indirect.gather [hbm4b:s4+s5], $0x80, s2, s5, $0xb8;
	[tilespmem:$0x2880] =	vst v63  }
0x254: {  	_ =	swait.ge [sflag:s7], $0x2800  }
0x255: {  	[sflag:s7] =	ssyncset.done $0x0  }
0x256: {  	[sflag:s7] =	ssyncadd.s32 $0xFFFFD800  }
0x257: {  	[hbm4b:s24+s2] =	stream.linear.scatter [tilespmem:s6], [sflag:$0x2], $0x2800, $0x38;
	[tilespmem:$0x2880] =	vst v63  }
0x258: {  	_ =	swait.ge [sflag:s3], $0x2800  }
0x259: {  	[sflag:s3] =	ssyncset.done $0x0  }
0x25a: {  	[sflag:s3] =	ssyncadd.s32 $0xFFFFD800  }
0x25b: {  	[tilespmem:s2], [sflag:$0x2] =	stream.linear.gather [hbm4b:s25+s2], $0x50, $0x38;
	[tilespmem:$0x2880] =	vst v63  }
0x25c: {  	_ =	swait.ge [sflag:s3], $0x50  }
0x25d: {  	[sflag:s3] =	ssyncset.done $0x0  }
0x25e: {  	[sflag:s3] =	ssyncadd.s32 $0xFFFFFFB0  }
0x25f: {  	[tilespmem:s6], [sflag:$0x1] =	stream.indirect.gather [hbm4b:s4+s5], $0x80, s2, s5, $0xb8;
	[tilespmem:$0x2880] =	vst v63  }
0x260: {  	_ =	swait.ge [sflag:s7], $0x2800  }
0x261: {  	[sflag:s7] =	ssyncset.done $0x0  }
0x262: {  	[sflag:s7] =	ssyncadd.s32 $0xFFFFD800  }
0x263: {  	[hbm4b:s26+s2] =	stream.linear.scatter [tilespmem:s6], [sflag:$0x2], $0x2800, $0x38;
	[tilespmem:$0x2880] =	vst v63  }
0x264: {  	_ =	swait.ge [sflag:s3], $0x2800  }
0x265: {  	[sflag:s3] =	ssyncset.done $0x0  }
0x266: {  	[sflag:s3] =	ssyncadd.s32 $0xFFFFD800  }
0x267: {  	[tilespmem:s2], [sflag:$0x2] =	stream.linear.gather [hbm4b:s28+s2], $0x50, $0x38;
	[tilespmem:$0x2880] =	vst v63  }
0x268: {  	_ =	swait.ge [sflag:s3], $0x50  }
0x269: {  	[sflag:s3] =	ssyncset.done $0x0  }
0x26a: {  	[sflag:s3] =	ssyncadd.s32 $0xFFFFFFB0  }
0x26b: {  	[tilespmem:s6], [sflag:$0x1] =	stream.indirect.gather [hbm4b:s4+s5], $0x80, s2, s5, $0xb8;
	[tilespmem:$0x2880] =	vst v63  }
0x26c: {  	_ =	swait.ge [sflag:s7], $0x2800  }
0x26d: {  	[sflag:s7] =	ssyncset.done $0x0  }
0x26e: {  	[sflag:s7] =	ssyncadd.s32 $0xFFFFD800  }
0x26f: {  	[hbm4b:s29+s2] =	stream.linear.scatter [tilespmem:s6], [sflag:$0x2], $0x2800, $0x38;
	[tilespmem:$0x2880] =	vst v63  }
0x270: {  	_ =	swait.ge [sflag:s3], $0x2800  }
0x271: {  	[sflag:s3] =	ssyncset.done $0x0  }
0x272: {  	[sflag:s3] =	ssyncadd.s32 $0xFFFFD800  }
0x273: {  	[tilespmem:s2], [sflag:$0x2] =	stream.linear.gather [hbm4b:s30+s2], $0x50, $0x38;
	[tilespmem:$0x2880] =	vst v63  }
0x274: {  	_ =	swait.ge [sflag:s3], $0x50  }
0x275: {  	[sflag:s3] =	ssyncset.done $0x0  }
0x276: {  	p0 =	sne.s32 s1, $0x1;
	[sflag:s3] =	ssyncadd.s32 $0xFFFFFFB0  }
0x277: {  	[tilespmem:s6], [sflag:$0x1] =	stream.indirect.gather [hbm4b:s4+s5], $0x80, s2, s5, $0xb8;
	[tilespmem:$0x2880] =	vst v63  }
.Ltmp1:
0x278: {  	_ =	swait.ge [sflag:s7], $0x2800;
	(pc) =	sbr.rel @p0 .LBB2_1-.Ltmp1, $4  }
0x279: {  	[sflag:s7] =	ssyncset.done $0x0  }
0x27a: {  	[sflag:s7] =	ssyncadd.s32 $0xFFFFD800  }
0x27b: {  	[hbm4b:s31+s2] =	stream.linear.scatter [tilespmem:s6], [sflag:$0x2], $0x2800, $0x38;
	[tilespmem:$0x2880] =	vst v63  }
0x27c: {  	s1 =	sadd.s32 $0xFFFFFFFF, s1;
	_ =	swait.ge [sflag:s3], $0x2800  }
.LBB2_2:
0x27d: {  	[sflag:s3] =	ssyncset.done $0x0  }
0x27e: {  	[sflag:s3] =	ssyncadd.s32 $0xFFFFD800  }
0x27f: {  	_ =	sfence.sel $0x180000  }
0x280: {  	[bflag:$0x0] =	sbarrier.arrive $0xFFFF  }
0x281: {  	_ =	strace $0x90000047  }
0x282: {  	s0 =	stileid.u32;
	[bflag:$0x2] =	sbarrier.arrive $0xFFFF  }
0x283: {  	p0 =	sne.s32 s0, $0x0;
	s0 =	rddreg [dreg:$0x1]  }
0x284: {  	s0 =	sadd.s32 @!p0 $0x100000, s0  }
0x285: {  	[sflag:s0] =	ssyncadd.tile.s32 @!p0 $0x1;
	_ =	shalt  }
.Lfunc_end2:
_tile_overlayer_lowered:
.L_overlay_start_2:
0x286: {  	(tag) =	ssettag $0x2  }
0x287: {  	s0 =	rddreg [dreg:$0x0];
	s2 =	stileid.u32  }
0x288: {  	s1 =	rddreg [dreg:$0x1];
	p0 =	sne.s32 s2, $0x0  }
0x289: {  	s3 =	rddreg [dreg:$0x2];
	[bflag:$0x3] =	sbarrier.arrive $0xFFFF;
	s2 =	simm.s32 @!p0 $0x1C02  }
0x28a: {  	[timem:s3], [sflag:s2] =	dma.local @!p0 [hbm:s0], s1  }
0x28b: {  	s0 =	simm.s32 @!p0 $0x2  }
0x28c: {  	_ =	swait.ge @!p0 [sflag:s0], s1  }
0x28d: {  	s1 =	ssub.s32 @!p0 $0x0, s1;
	[sflag:s0] =	ssyncset.done @!p0 $0x0  }
0x28e: {  	[sflag:s0] =	ssyncadd.s32 @!p0 s1  }
0x28f: {  	[bflag:$0x3] =	sbarrier.arrive $0xFFFF  }
0x290: {  	_ =	shalt  }

</sc_bundles>
